<compile_context>
chip_gen: v7x
topology: tpu7x:2x2x1
jax: 0.10.2.dev20260603
libtpu: 0.0.44.dev20260713+nightly
codegen_flags: <defaults>
</compile_context>

<pallas_src>
import jax
import jax.numpy as jnp
from jax import lax
from jax.experimental import pallas as pl
from jax.experimental.pallas import tpu as pltpu
from jax.experimental.pallas import tpu_sc as plsc

N = 10000
E = 320000
D = 128
H = 128
C = 64
G = 64

NC = 2
NS = 16
L = 16
NW = NC * NS

CHUNK = 125
EROWS = E // CHUNK
RPT = EROWS // NW
GRP = 16
NGRP = RPT // GRP
EPT_DEG = E // NS
DEG_ROWS = 640
DEG_RPT = DEG_ROWS // NS

HSLICE = 632
HLAST = N - (NS - 1) * HSLICE


def _newton_rsqrt(v):
    bits = plsc.bitcast(v, jnp.int32)
    seed = jnp.full((L,), 0x5F3759DF, jnp.int32) - (bits >> 1)
    y = plsc.bitcast(seed, jnp.float32)
    half = v * 0.5
    for _ in range(3):
        y = y * (1.5 - half * y * y)
    return y


DROWS = 80


def _deg_body(dst_hbm, rid_hbm, dinv_hbm, dstbuf, degloc, deg2d, rid_v, obuf,
              deg_sh):
    c = lax.axis_index("c")
    s = lax.axis_index("s")

    @pl.when(c == 0)
    def _():
        zero16 = jnp.zeros((L,), jnp.float32)

        def zloc(i, _):
            degloc[pl.ds(i * L, L)] = zero16
            return 0

        lax.fori_loop(0, DROWS * H // L, zloc, 0)

        def zb(t, _):
            obuf[t >> 3, pl.ds((t & 7) * L, L)] = zero16
            return 0

        lax.fori_loop(0, 64, zb, 0)

        @pl.when(s < DROWS // 8)
        def _():
            pltpu.sync_copy(obuf, deg_sh.at[pl.ds(pl.multiple_of(s * 8, 8), 8)])

        pltpu.sync_copy(dst_hbm.at[pl.ds(s * EPT_DEG, EPT_DEG)], dstbuf)
        pltpu.sync_copy(rid_hbm, rid_v)

        ones16 = jnp.ones((L,), jnp.float32)

        def body(i, _):
            idx = dstbuf[pl.ds(i * L, L)]
            plsc.addupdate_scatter(degloc, [idx], ones16)
            return 0

        lax.fori_loop(0, EPT_DEG // L, body, 0)

        def repack(t, _):
            deg2d[t >> 3, pl.ds((t & 7) * L, L)] = degloc[pl.ds(t * L, L)]
            return 0

        lax.fori_loop(0, DROWS * 8, repack, 0)
        plsc.subcore_barrier()

        pltpu.sync_copy(deg2d, deg_sh.at[rid_v.at[0]], add=True)
        plsc.subcore_barrier()

        @pl.when(s < DROWS // 8)
        def _():
            roff = pl.multiple_of(s * 8, 8)
            pltpu.sync_copy(deg_sh.at[pl.ds(roff, 8)], obuf)

            def newt(t, _):
                r = t >> 3
                col = (t & 7) * L
                v = obuf[r, pl.ds(col, L)]
                obuf[r, pl.ds(col, L)] = _newton_rsqrt(v + 1.0)
                return 0

            lax.fori_loop(0, 64, newt, 0)
            pltpu.sync_copy(obuf, dinv_hbm.at[pl.ds(roff, 8)])


def _sc_dinv(dst, row_ids):
    mesh = plsc.VectorSubcoreMesh(core_axis_name="c", subcore_axis_name="s")
    return pl.kernel(
        _deg_body,
        out_type=jax.ShapeDtypeStruct((DROWS, H), jnp.float32),
        mesh=mesh,
        compiler_params=pltpu.CompilerParams(needs_layout_passes=False),
        scratch_types=[
            pltpu.VMEM((EPT_DEG,), jnp.int32),
            pltpu.VMEM((DROWS * H,), jnp.float32),
            pltpu.VMEM((DROWS, H), jnp.float32),
            pltpu.VMEM((1, DROWS), jnp.int32),
            pltpu.VMEM((8, H), jnp.float32),
            pltpu.VMEM_SHARED((DROWS, H), jnp.float32),
        ],
    )(dst, row_ids)


def _agg_body(g_hbm, src_hbm, dst_hbm, out_hbm, src_v, dst_v, rows_a, rows_b,
              acc_sh, sem_a, sem_b):
    c = lax.axis_index("c")
    s = lax.axis_index("s")
    base_row = pl.multiple_of((c * NS + s) * RPT, 8)
    rstart = pl.multiple_of(s * HSLICE, 8)

    @pl.when(s < NS - 1)
    def _():
        pltpu.sync_copy(g_hbm.at[pl.ds(rstart, HSLICE)],
                        acc_sh.at[pl.ds(rstart, HSLICE)])

    @pl.when(s == NS - 1)
    def _():
        pltpu.sync_copy(g_hbm.at[pl.ds((NS - 1) * HSLICE, HLAST)],
                        acc_sh.at[pl.ds((NS - 1) * HSLICE, HLAST)])

    pltpu.sync_copy(src_hbm.at[pl.ds(base_row, RPT)], src_v)
    plsc.subcore_barrier()

    def group(gi, _):
        pltpu.sync_copy(dst_hbm.at[pl.ds(base_row + gi * GRP, GRP)], dst_v)
        g0 = gi * GRP

        @pl.when(gi == 0)
        def _():
            pltpu.async_copy(g_hbm.at[src_v.at[0]], rows_a, sem_a)

        def pair(j2, _):
            j = g0 + j2 * 2
            jj = j2 * 2
            pltpu.make_async_copy(g_hbm.at[src_v.at[j]], rows_a, sem_a).wait()
            pltpu.async_copy(g_hbm.at[src_v.at[j + 1]], rows_b, sem_b)
            pltpu.sync_copy(rows_a, acc_sh.at[dst_v.at[jj]], add=True)
            pltpu.make_async_copy(g_hbm.at[src_v.at[j + 1]], rows_b,
                                  sem_b).wait()

            @pl.when(j + 2 < RPT)
            def _():
                pltpu.async_copy(g_hbm.at[src_v.at[j + 2]], rows_a, sem_a)

            pltpu.sync_copy(rows_b, acc_sh.at[dst_v.at[jj + 1]], add=True)
            return 0

        lax.fori_loop(0, GRP // 2, pair, 0)
        return 0

    lax.fori_loop(0, NGRP, group, 0)
    plsc.subcore_barrier()

    @pl.when(s < NS - 1)
    def _():
        pltpu.sync_copy(acc_sh.at[pl.ds(rstart, HSLICE)],
                        out_hbm.at[c, pl.ds(rstart, HSLICE)])

    @pl.when(s == NS - 1)
    def _():
        pltpu.sync_copy(acc_sh.at[pl.ds((NS - 1) * HSLICE, HLAST)],
                        out_hbm.at[c, pl.ds((NS - 1) * HSLICE, HLAST)])


def _sc_aggregate(g, src2d, dst2d):
    mesh = plsc.VectorSubcoreMesh(core_axis_name="c", subcore_axis_name="s")
    return pl.kernel(
        _agg_body,
        out_type=jax.ShapeDtypeStruct((NC, N, H), jnp.float32),
        mesh=mesh,
        compiler_params=pltpu.CompilerParams(needs_layout_passes=False),
        scratch_types=[
            pltpu.VMEM((RPT, CHUNK), jnp.int32),
            pltpu.VMEM((GRP, CHUNK), jnp.int32),
            pltpu.VMEM((CHUNK, H), jnp.float32),
            pltpu.VMEM((CHUNK, H), jnp.float32),
            pltpu.VMEM_SHARED((N, H), jnp.float32),
            pltpu.SemaphoreType.DMA,
            pltpu.SemaphoreType.DMA,
        ],
    )(g, src2d, dst2d)


BLK = 1000
NBLK = N // BLK


def _matmul1_body(x_ref, w_ref, h_ref):
    h_ref[...] = jnp.dot(x_ref[...], w_ref[...],
                         preferred_element_type=jnp.float32)


def _tc_matmul1(x, W1):
    return pl.pallas_call(
        _matmul1_body,
        grid=(NBLK,),
        in_specs=[
            pl.BlockSpec((BLK, D), lambda i: (i, 0)),
            pl.BlockSpec((D, H), lambda i: (0, 0)),
        ],
        out_specs=pl.BlockSpec((BLK, H), lambda i: (i, 0)),
        out_shape=jax.ShapeDtypeStruct((N, H), jnp.float32),
    )(x, W1)


def _scale_body(h_ref, dinv_ref, g_ref):
    g_ref[...] = h_ref[...] * dinv_ref[...]


def _tc_scale(h, dinv):
    return pl.pallas_call(
        _scale_body,
        grid=(NBLK,),
        in_specs=[
            pl.BlockSpec((BLK, H), lambda i: (i, 0)),
            pl.BlockSpec((BLK, 1), lambda i: (i, 0)),
        ],
        out_specs=pl.BlockSpec((BLK, H), lambda i: (i, 0)),
        out_shape=jax.ShapeDtypeStruct((N, H), jnp.float32),
    )(h, dinv)


def _dense2_body(p0_ref, p1_ref, g1_ref, dinv_ref, b1_ref, w2_ref, g2_ref):
    agg = p0_ref[0] + p1_ref[0] - g1_ref[...]
    z = jnp.maximum(dinv_ref[...] * agg + b1_ref[...], 0.0)
    g2_ref[...] = jnp.dot(z, w2_ref[...],
                          preferred_element_type=jnp.float32) * dinv_ref[...]


def _tc_dense2(p, g1, dinv, b1, W2):
    return pl.pallas_call(
        _dense2_body,
        grid=(NBLK,),
        in_specs=[
            pl.BlockSpec((1, BLK, H), lambda i: (0, i, 0)),
            pl.BlockSpec((1, BLK, H), lambda i: (1, i, 0)),
            pl.BlockSpec((BLK, H), lambda i: (i, 0)),
            pl.BlockSpec((BLK, 1), lambda i: (i, 0)),
            pl.BlockSpec((1, H), lambda i: (0, 0)),
            pl.BlockSpec((H, H), lambda i: (0, 0)),
        ],
        out_specs=pl.BlockSpec((BLK, H), lambda i: (i, 0)),
        out_shape=jax.ShapeDtypeStruct((N, H), jnp.float32),
    )(p, p, g1, dinv, b1, W2)


def _dense3_body(p0_ref, p1_ref, g2_ref, dinv_ref, b2_ref, batch_ref, wfc_ref,
                 bfc_ref, out_ref, acc_s, cnt_s):
    i = pl.program_id(0)
    agg = p0_ref[0] + p1_ref[0] - g2_ref[...]
    z = jnp.maximum(dinv_ref[...] * agg + b2_ref[...], 0.0)
    bt = batch_ref[...].reshape(1, BLK)
    oneh = (lax.broadcasted_iota(jnp.int32, (G, BLK), 0) == bt
            ).astype(jnp.float32)
    part = jnp.dot(oneh, z, preferred_element_type=jnp.float32)
    cnt = jnp.dot(oneh, jnp.ones((BLK, H), jnp.float32),
                  preferred_element_type=jnp.float32)

    @pl.when(i == 0)
    def _():
        acc_s[...] = part
        cnt_s[...] = cnt

    @pl.when(i > 0)
    def _():
        acc_s[...] += part
        cnt_s[...] += cnt

    @pl.when(i == NBLK - 1)
    def _():
        pooled = acc_s[...] / jnp.maximum(cnt_s[...], 1.0)
        out_ref[...] = jnp.dot(pooled, wfc_ref[...],
                               preferred_element_type=jnp.float32) + bfc_ref[...]


def _tc_dense3(p, g2, dinv, b2, batch3, Wfc, bfc):
    return pl.pallas_call(
        _dense3_body,
        grid=(NBLK,),
        in_specs=[
            pl.BlockSpec((1, BLK, H), lambda i: (0, i, 0)),
            pl.BlockSpec((1, BLK, H), lambda i: (1, i, 0)),
            pl.BlockSpec((BLK, H), lambda i: (i, 0)),
            pl.BlockSpec((BLK, 1), lambda i: (i, 0)),
            pl.BlockSpec((1, H), lambda i: (0, 0)),
            pl.BlockSpec((1, 1, BLK), lambda i: (i, 0, 0)),
            pl.BlockSpec((H, C), lambda i: (0, 0)),
            pl.BlockSpec((1, C), lambda i: (0, 0)),
        ],
        out_specs=pl.BlockSpec((G, C), lambda i: (0, 0)),
        out_shape=jax.ShapeDtypeStruct((G, C), jnp.float32),
        scratch_shapes=[
            pltpu.VMEM((G, H), jnp.float32),
            pltpu.VMEM((G, H), jnp.float32),
        ],
    )(p, p, g2, dinv, b2, batch3, Wfc, bfc)


def kernel(x, edge_index, batch, W1, b1, W2, b2, Wfc, bfc):
    src = edge_index[0]
    dst = edge_index[1]
    src2d = src.reshape(EROWS, CHUNK)
    dst2d = dst.reshape(EROWS, CHUNK)
    row_ids = jnp.arange(DROWS, dtype=jnp.int32).reshape(1, DROWS)

    h1 = _tc_matmul1(x, W1)
    dinv_flat = _sc_dinv(dst, row_ids)
    dinv = dinv_flat.reshape(-1)[:N].reshape(N, 1)

    g1 = _tc_scale(h1, dinv)
    p1 = _sc_aggregate(g1, src2d, dst2d)
    g2 = _tc_dense2(p1, g1, dinv, b1.reshape(1, H), W2)
    p2 = _sc_aggregate(g2, src2d, dst2d)

    batch3 = batch.reshape(NBLK, 1, BLK)
    return _tc_dense3(p2, g2, dinv, b2.reshape(1, H), batch3, Wfc,
                      bfc.reshape(1, C))

# --- scband reference (transcript-rebuilt; emitter-appended) ---
"""Pipeline reference for scband-small-gcn-77584289235224 (READ-ONLY COPY).

The authoritative reference and input builder live on the scoring server;
editing this copy changes nothing except your own understanding.
"""

import jax, jax.numpy as jnp
import numpy as np

N = 10000
E = 320000
D = 128
H = 128
C = 64
G = 64


def setup_inputs(seed: int = 0) -> dict:
    key = jax.random.key(seed)
    ks = jax.random.split(key, 10)
    x = jax.random.normal(ks[0], (N, D), dtype=jnp.float32)
    edge_index = jax.random.randint(ks[1], (2, E), 0, N, dtype=jnp.int32)
    batch = jnp.sort(jax.random.randint(ks[2], (N,), 0, G, dtype=jnp.int32))
    W1 = jax.random.normal(ks[3], (D, H), dtype=jnp.float32) * (1.0 / np.sqrt(D))
    b1 = jnp.zeros((H,), dtype=jnp.float32)
    W2 = jax.random.normal(ks[4], (H, H), dtype=jnp.float32) * (1.0 / np.sqrt(H))
    b2 = jnp.zeros((H,), dtype=jnp.float32)
    Wfc = jax.random.normal(ks[5], (H, C), dtype=jnp.float32) * (1.0 / np.sqrt(H))
    bfc = jnp.zeros((C,), dtype=jnp.float32)
    return {"x": x, "edge_index": edge_index, "batch": batch,
            "W1": W1, "b1": b1, "W2": W2, "b2": b2, "Wfc": Wfc, "bfc": bfc}


def _gcn_conv(x, src, dst, W, b):
    # PyG GCNConv: linear transform, add self-loops, symmetric normalization,
    # scatter-add aggregation, then bias.
    num_nodes = x.shape[0]
    h = x @ W
    loop = jnp.arange(num_nodes, dtype=src.dtype)
    s = jnp.concatenate([src, loop])
    d = jnp.concatenate([dst, loop])
    deg = jnp.zeros((num_nodes,), h.dtype).at[d].add(1.0)
    dinv = jax.lax.rsqrt(deg)  # deg >= 1 due to self-loops
    norm = dinv[s] * dinv[d]
    msg = h[s] * norm[:, None]
    out = jnp.zeros_like(h).at[d].add(msg)
    return out + b


def _global_mean_pool(h, batch, num_graphs):
    sums = jax.ops.segment_sum(h, batch, num_segments=num_graphs)
    counts = jax.ops.segment_sum(jnp.ones((h.shape[0], 1), h.dtype), batch, num_segments=num_graphs)
    return sums / jnp.maximum(counts, 1.0)


def reference(x, edge_index, batch, W1, b1, W2, b2, Wfc, bfc):
    src, dst = edge_index[0], edge_index[1]
    h = jax.nn.relu(_gcn_conv(x, src, dst, W1, b1))
    h = jax.nn.relu(_gcn_conv(h, src, dst, W2, b2))
    pooled = _global_mean_pool(h, batch, G)
    return pooled @ Wfc + bfc

if __name__ == "__main__":
    import jax
    _d = setup_inputs()
    print(jax.jit(kernel)(*tuple(_d.values())))

</pallas_src>

<mosaic_0001>
#map = affine_map<(d0, d1) -> (0)>
#map1 = affine_map<(d0, d1) -> (0, 0)>
module attributes {stable_mosaic.version = 14 : i64} {
  func.func @_deg_body(%arg0: i32, %arg1: i32, %arg2: memref<320000xi32, #tpu.memory_space<hbm>>, %arg3: memref<1x80xi32, #tpu.memory_space<hbm>>, %arg4: memref<80x128xf32, #tpu.memory_space<hbm>>, %arg5: memref<20000xi32, #tpu.memory_space<vmem>>, %arg6: memref<10240xf32, #tpu.memory_space<vmem>>, %arg7: memref<80x128xf32, #tpu.memory_space<vmem>>, %arg8: memref<1x80xi32, #tpu.memory_space<vmem>>, %arg9: memref<8x128xf32, #tpu.memory_space<vmem>>, %arg10: memref<80x128xf32, #tpu.memory_space<vmem_shared>>) attributes {dimension_semantics = [#tpu.dimension_semantics<core_parallel>, #tpu.dimension_semantics<subcore_parallel>], iteration_bounds = array<i64: 2, 16>, scalar_prefetch = 0 : i64, scratch_operands = 6 : i64, tpu.core_type = #tpu.core_type<sc_vector_subcore>, window_params = [{transform_indices = #map}, {transform_indices = #map1}, {transform_indices = #map1}]} {
    %eq3A = arith.constant 0 : i32
    %eq3A_0 = arith.cmpi eq, %arg0, %eq3A : i32
    %convert_element_type3A = arith.extui %eq3A_0 : i1 to i32
    %cond3A = arith.constant 0 : i32
    %cond3A_1 = arith.cmpi ne, %convert_element_type3A, %cond3A : i32
    scf.if %cond3A_1 {
      %broadcast_in_dim3A = arith.constant 0.000000e+00 : f32
      %broadcast_in_dim3A_2 = vector.broadcast %broadcast_in_dim3A : f32 to vector<16xf32>
      %scan3A = arith.constant 0 : i32
      %scan3A_3 = arith.constant 0 : i32
      %scan3A_4 = arith.constant 640 : i32
      %scan3A_5 = arith.addi %scan3A_3, %scan3A_4 : i32
      %scan3A_6 = arith.constant 1 : i32
      %scan3A_7 = scf.for %scan3A_43 = %scan3A_3 to %scan3A_5 step %scan3A_6 iter_args(%scan3A_44 = %scan3A) -> (i32)  : i32 {
        %mul3A_45 = arith.constant 16 : i32
        %mul3A_46 = arith.muli %scan3A_43, %mul3A_45 : i32
        %swap3A = arith.index_cast %mul3A_46 : i32 to index
        %swap3A_47 = tpu.vector_load %arg6[%swap3A] {strides = array<i32>} : memref<10240xf32, #tpu.memory_space<vmem>>, vector<16xf32>,
        tpu.vector_store %arg6[%swap3A], %broadcast_in_dim3A_2 {strides = array<i32>} : memref<10240xf32, #tpu.memory_space<vmem>>, vector<16xf32>,
        %scan3A_48 = arith.constant 0 : i32
        scf.yield %scan3A_48 : i32
      }
      %scan3A_8 = arith.constant 640 : i32
      %scan3A_9 = arith.constant 0 : i32
      %scan3A_10 = arith.constant 0 : i32
      %scan3A_11 = arith.constant 64 : i32
      %scan3A_12 = arith.addi %scan3A_10, %scan3A_11 : i32
      %scan3A_13 = arith.constant 1 : i32
      %scan3A_14 = scf.for %scan3A_43 = %scan3A_10 to %scan3A_12 step %scan3A_13 iter_args(%scan3A_44 = %scan3A_9) -> (i32)  : i32 {
        %shift_right_arithmetic3A = arith.constant 3 : i32
        %shift_right_arithmetic3A_45 = arith.shrsi %scan3A_43, %shift_right_arithmetic3A : i32
        %and3A = arith.constant 7 : i32
        %and3A_46 = arith.andi %scan3A_43, %and3A : i32
        %mul3A_47 = arith.constant 16 : i32
        %mul3A_48 = arith.muli %and3A_46, %mul3A_47 : i32
        %swap3A = arith.index_cast %shift_right_arithmetic3A_45 : i32 to index
        %swap3A_49 = arith.index_cast %mul3A_48 : i32 to index
        %swap3A_50 = tpu.vector_load %arg9[%swap3A, %swap3A_49] {strides = array<i32>} : memref<8x128xf32, #tpu.memory_space<vmem>>, vector<16xf32>,
        tpu.vector_store %arg9[%swap3A, %swap3A_49], %broadcast_in_dim3A_2 {strides = array<i32>} : memref<8x128xf32, #tpu.memory_space<vmem>>, vector<16xf32>,
        %scan3A_51 = arith.constant 0 : i32
        scf.yield %scan3A_51 : i32
      }
      %scan3A_15 = arith.constant 64 : i32
      %lt3A = arith.constant 10 : i32
      %lt3A_16 = arith.cmpi slt, %arg1, %lt3A : i32
      %convert_element_type3A_17 = arith.extui %lt3A_16 : i1 to i32
      %cond3A_18 = arith.constant 0 : i32
      %cond3A_19 = arith.cmpi ne, %convert_element_type3A_17, %cond3A_18 : i32
      scf.if %cond3A_19 {
        %mul3A_43 = arith.constant 8 : i32
        %mul3A_44 = arith.muli %arg1, %mul3A_43 : i32
        %multiple_of3A = tpu.assume_multiple %mul3A_44, 8 : i32
        "tpu.region"() ({
          %run_scoped3A_45 = tpu.sem_alloc : memref<!tpu.dma_semaphore, #tpu.memory_space<semaphore_mem>>
          %dma_start3A = arith.constant 0 : i32
          %dma_start3A_46 = tpu.memref_slice %arg10[%multiple_of3A, %dma_start3A] : memref<80x128xf32, #tpu.memory_space<vmem_shared>> -> memref<8x128xf32, #tpu.memory_space<vmem_shared>>
          %dma_start3A_47 = arith.constant 0 : i32
          %dma_start3A_48 = tpu.memref_slice %arg10[%multiple_of3A, %dma_start3A_47] : memref<80x128xf32, #tpu.memory_space<vmem_shared>> -> memref<8x128xf32, #tpu.memory_space<vmem_shared>>
          tpu.enqueue_dma source(%arg9 : memref<8x128xf32, #tpu.memory_space<vmem>>) target(%dma_start3A_48 : memref<8x128xf32, #tpu.memory_space<vmem_shared>>) target_semaphore(%run_scoped3A_45 : memref<!tpu.dma_semaphore, #tpu.memory_space<semaphore_mem>>)
          %dma_wait3A = arith.constant 0 : i32
          %dma_wait3A_49 = tpu.memref_slice %arg10[%multiple_of3A, %dma_wait3A] : memref<80x128xf32, #tpu.memory_space<vmem_shared>> -> memref<8x128xf32, #tpu.memory_space<vmem_shared>>
          %dma_wait3A_50 = arith.constant 0 : i32
          %dma_wait3A_51 = tpu.memref_slice %arg10[%multiple_of3A, %dma_wait3A_50] : memref<80x128xf32, #tpu.memory_space<vmem_shared>> -> memref<8x128xf32, #tpu.memory_space<vmem_shared>>
          tpu.wait_dma2 semaphore(%run_scoped3A_45 : memref<!tpu.dma_semaphore, #tpu.memory_space<semaphore_mem>>) src(%arg9 : memref<8x128xf32, #tpu.memory_space<vmem>>) dst(%dma_wait3A_51 : memref<8x128xf32, #tpu.memory_space<vmem_shared>>)
          tpu.yield
        }) : () -> ()
      } else {
      }
      %mul3A = arith.constant 20000 : i32
      %mul3A_20 = arith.muli %arg1, %mul3A : i32
      "tpu.region"() ({
        %run_scoped3A_43 = tpu.sem_alloc : memref<!tpu.dma_semaphore, #tpu.memory_space<semaphore_mem>>
        %dma_start3A = tpu.memref_slice %arg2[%mul3A_20] : memref<320000xi32, #tpu.memory_space<hbm>> -> memref<20000xi32, #tpu.memory_space<hbm>>
        %dma_start3A_44 = tpu.memref_slice %arg2[%mul3A_20] : memref<320000xi32, #tpu.memory_space<hbm>> -> memref<20000xi32, #tpu.memory_space<hbm>>
        tpu.enqueue_dma source(%dma_start3A_44 : memref<20000xi32, #tpu.memory_space<hbm>>) target(%arg5 : memref<20000xi32, #tpu.memory_space<vmem>>) target_semaphore(%run_scoped3A_43 : memref<!tpu.dma_semaphore, #tpu.memory_space<semaphore_mem>>)
        %dma_wait3A = tpu.memref_slice %arg2[%mul3A_20] : memref<320000xi32, #tpu.memory_space<hbm>> -> memref<20000xi32, #tpu.memory_space<hbm>>
        %dma_wait3A_45 = tpu.memref_slice %arg2[%mul3A_20] : memref<320000xi32, #tpu.memory_space<hbm>> -> memref<20000xi32, #tpu.memory_space<hbm>>
        tpu.wait_dma2 semaphore(%run_scoped3A_43 : memref<!tpu.dma_semaphore, #tpu.memory_space<semaphore_mem>>) src(%dma_wait3A_45 : memref<20000xi32, #tpu.memory_space<hbm>>) dst(%arg5 : memref<20000xi32, #tpu.memory_space<vmem>>)
        tpu.yield
      }) : () -> ()
      "tpu.region"() ({
        %run_scoped3A_43 = tpu.sem_alloc : memref<!tpu.dma_semaphore, #tpu.memory_space<semaphore_mem>>
        tpu.enqueue_dma source(%arg3 : memref<1x80xi32, #tpu.memory_space<hbm>>) target(%arg8 : memref<1x80xi32, #tpu.memory_space<vmem>>) target_semaphore(%run_scoped3A_43 : memref<!tpu.dma_semaphore, #tpu.memory_space<semaphore_mem>>)
        tpu.wait_dma2 semaphore(%run_scoped3A_43 : memref<!tpu.dma_semaphore, #tpu.memory_space<semaphore_mem>>) src(%arg3 : memref<1x80xi32, #tpu.memory_space<hbm>>) dst(%arg8 : memref<1x80xi32, #tpu.memory_space<vmem>>)
        tpu.yield
      }) : () -> ()
      %broadcast_in_dim3A_21 = arith.constant 1.000000e+00 : f32
      %broadcast_in_dim3A_22 = vector.broadcast %broadcast_in_dim3A_21 : f32 to vector<16xf32>
      %scan3A_23 = arith.constant 0 : i32
      %scan3A_24 = arith.constant 0 : i32
      %scan3A_25 = arith.constant 1250 : i32
      %scan3A_26 = arith.addi %scan3A_24, %scan3A_25 : i32
      %scan3A_27 = arith.constant 1 : i32
      %scan3A_28 = scf.for %scan3A_43 = %scan3A_24 to %scan3A_26 step %scan3A_27 iter_args(%scan3A_44 = %scan3A_23) -> (i32)  : i32 {
        %mul3A_45 = arith.constant 16 : i32
        %mul3A_46 = arith.muli %scan3A_43, %mul3A_45 : i32
        %get3A = arith.index_cast %mul3A_46 : i32 to index
        %get3A_47 = tpu.vector_load %arg5[%get3A] {strides = array<i32>} : memref<20000xi32, #tpu.memory_space<vmem>>, vector<16xi32>,
        tpu.vector_store_idx %arg6[%get3A_47], %broadcast_in_dim3A_22 {add = true} : memref<10240xf32, #tpu.memory_space<vmem>>[vector<16xi32>], vector<16xf32>,
        %scan3A_48 = arith.constant 0 : i32
        scf.yield %scan3A_48 : i32
      }
      %scan3A_29 = arith.constant 1250 : i32
      %scan3A_30 = arith.constant 0 : i32
      %scan3A_31 = arith.constant 0 : i32
      %scan3A_32 = arith.constant 640 : i32
      %scan3A_33 = arith.addi %scan3A_31, %scan3A_32 : i32
      %scan3A_34 = arith.constant 1 : i32
      %scan3A_35 = scf.for %scan3A_43 = %scan3A_31 to %scan3A_33 step %scan3A_34 iter_args(%scan3A_44 = %scan3A_30) -> (i32)  : i32 {
        %mul3A_45 = arith.constant 16 : i32
        %mul3A_46 = arith.muli %scan3A_43, %mul3A_45 : i32
        %get3A = arith.index_cast %mul3A_46 : i32 to index
        %get3A_47 = tpu.vector_load %arg6[%get3A] {strides = array<i32>} : memref<10240xf32, #tpu.memory_space<vmem>>, vector<16xf32>,
        %shift_right_arithmetic3A = arith.constant 3 : i32
        %shift_right_arithmetic3A_48 = arith.shrsi %scan3A_43, %shift_right_arithmetic3A : i32
        %and3A = arith.constant 7 : i32
        %and3A_49 = arith.andi %scan3A_43, %and3A : i32
        %mul3A_50 = arith.constant 16 : i32
        %mul3A_51 = arith.muli %and3A_49, %mul3A_50 : i32
        %swap3A = arith.index_cast %shift_right_arithmetic3A_48 : i32 to index
        %swap3A_52 = arith.index_cast %mul3A_51 : i32 to index
        %swap3A_53 = tpu.vector_load %arg7[%swap3A, %swap3A_52] {strides = array<i32>} : memref<80x128xf32, #tpu.memory_space<vmem>>, vector<16xf32>,
        tpu.vector_store %arg7[%swap3A, %swap3A_52], %get3A_47 {strides = array<i32>} : memref<80x128xf32, #tpu.memory_space<vmem>>, vector<16xf32>,
        %scan3A_54 = arith.constant 0 : i32
        scf.yield %scan3A_54 : i32
      }
      %scan3A_36 = arith.constant 640 : i32
      %barrier3A = arith.constant 0 : index
      tpu.barrier barrier_id(%barrier3A)
      %run_scoped3A = arith.constant 0 : i32
      "tpu.region"() ({
        %run_scoped3A_43 = tpu.sem_alloc : memref<!tpu.dma_semaphore, #tpu.memory_space<semaphore_mem>>
        %dma_start3A = arith.constant 0 : i32
        %dma_start3A_44 = tpu.memref_slice %arg8[%run_scoped3A, %dma_start3A] : memref<1x80xi32, #tpu.memory_space<vmem>> -> memref<1x80xi32, #tpu.memory_space<vmem>>
        %dma_start3A_45 = tpu.memref_squeeze %dma_start3A_44 : memref<1x80xi32, #tpu.memory_space<vmem>> -> memref<80xi32, #tpu.memory_space<vmem>>
        %dma_start3A_46 = arith.constant 0 : i32
        %dma_start3A_47 = arith.constant 0 : i32
        %dma_start3A_48 = tpu.memref_slice %arg10[%dma_start3A_46, %dma_start3A_47] : memref<80x128xf32, #tpu.memory_space<vmem_shared>> -> memref<80x128xf32, #tpu.memory_space<vmem_shared>>
        tpu.enqueue_indirect_dma source(%arg7 : memref<80x128xf32, #tpu.memory_space<vmem>>) target(%dma_start3A_48 : memref<80x128xf32, #tpu.memory_space<vmem_shared>>) offsets(%dma_start3A_45 : memref<80xi32, #tpu.memory_space<vmem>>) semaphore(%run_scoped3A_43 : memref<!tpu.dma_semaphore, #tpu.memory_space<semaphore_mem>>) {add = true}
        %dma_wait3A = arith.constant 0 : i32
        %dma_wait3A_49 = tpu.memref_slice %arg8[%run_scoped3A, %dma_wait3A] : memref<1x80xi32, #tpu.memory_space<vmem>> -> memref<1x80xi32, #tpu.memory_space<vmem>>
        %dma_wait3A_50 = tpu.memref_squeeze %dma_wait3A_49 : memref<1x80xi32, #tpu.memory_space<vmem>> -> memref<80xi32, #tpu.memory_space<vmem>>
        %dma_wait3A_51 = arith.constant 0 : i32
        %dma_wait3A_52 = arith.constant 0 : i32
        %dma_wait3A_53 = tpu.memref_slice %arg10[%dma_wait3A_51, %dma_wait3A_52] : memref<80x128xf32, #tpu.memory_space<vmem_shared>> -> memref<80x128xf32, #tpu.memory_space<vmem_shared>>
        tpu.wait_indirect_dma semaphore(%run_scoped3A_43 : memref<!tpu.dma_semaphore, #tpu.memory_space<semaphore_mem>>) src(%arg7 : memref<80x128xf32, #tpu.memory_space<vmem>>) dst(%dma_wait3A_53 : memref<80x128xf32, #tpu.memory_space<vmem_shared>>)
        tpu.yield
      }) : () -> ()
      %barrier3A_37 = arith.constant 0 : index
      tpu.barrier barrier_id(%barrier3A_37)
      %lt3A_38 = arith.constant 10 : i32
      %lt3A_39 = arith.cmpi slt, %arg1, %lt3A_38 : i32
      %convert_element_type3A_40 = arith.extui %lt3A_39 : i1 to i32
      %cond3A_41 = arith.constant 0 : i32
      %cond3A_42 = arith.cmpi ne, %convert_element_type3A_40, %cond3A_41 : i32
      scf.if %cond3A_42 {
        %mul3A_43 = arith.constant 8 : i32
        %mul3A_44 = arith.muli %arg1, %mul3A_43 : i32
        %multiple_of3A = tpu.assume_multiple %mul3A_44, 8 : i32
        "tpu.region"() ({
          %run_scoped3A_52 = tpu.sem_alloc : memref<!tpu.dma_semaphore, #tpu.memory_space<semaphore_mem>>
          %dma_start3A = arith.constant 0 : i32
          %dma_start3A_53 = tpu.memref_slice %arg10[%multiple_of3A, %dma_start3A] : memref<80x128xf32, #tpu.memory_space<vmem_shared>> -> memref<8x128xf32, #tpu.memory_space<vmem_shared>>
          %dma_start3A_54 = arith.constant 0 : i32
          %dma_start3A_55 = tpu.memref_slice %arg10[%multiple_of3A, %dma_start3A_54] : memref<80x128xf32, #tpu.memory_space<vmem_shared>> -> memref<8x128xf32, #tpu.memory_space<vmem_shared>>
          tpu.enqueue_dma source(%dma_start3A_55 : memref<8x128xf32, #tpu.memory_space<vmem_shared>>) target(%arg9 : memref<8x128xf32, #tpu.memory_space<vmem>>) target_semaphore(%run_scoped3A_52 : memref<!tpu.dma_semaphore, #tpu.memory_space<semaphore_mem>>)
          %dma_wait3A = arith.constant 0 : i32
          %dma_wait3A_56 = tpu.memref_slice %arg10[%multiple_of3A, %dma_wait3A] : memref<80x128xf32, #tpu.memory_space<vmem_shared>> -> memref<8x128xf32, #tpu.memory_space<vmem_shared>>
          %dma_wait3A_57 = arith.constant 0 : i32
          %dma_wait3A_58 = tpu.memref_slice %arg10[%multiple_of3A, %dma_wait3A_57] : memref<80x128xf32, #tpu.memory_space<vmem_shared>> -> memref<8x128xf32, #tpu.memory_space<vmem_shared>>
          tpu.wait_dma2 semaphore(%run_scoped3A_52 : memref<!tpu.dma_semaphore, #tpu.memory_space<semaphore_mem>>) src(%dma_wait3A_58 : memref<8x128xf32, #tpu.memory_space<vmem_shared>>) dst(%arg9 : memref<8x128xf32, #tpu.memory_space<vmem>>)
          tpu.yield
        }) : () -> ()
        %scan3A_45 = arith.constant 0 : i32
        %scan3A_46 = arith.constant 0 : i32
        %scan3A_47 = arith.constant 64 : i32
        %scan3A_48 = arith.addi %scan3A_46, %scan3A_47 : i32
        %scan3A_49 = arith.constant 1 : i32
        %scan3A_50 = scf.for %scan3A_52 = %scan3A_46 to %scan3A_48 step %scan3A_49 iter_args(%scan3A_53 = %scan3A_45) -> (i32)  : i32 {
          %shift_right_arithmetic3A = arith.constant 3 : i32
          %shift_right_arithmetic3A_54 = arith.shrsi %scan3A_52, %shift_right_arithmetic3A : i32
          %and3A = arith.constant 7 : i32
          %and3A_55 = arith.andi %scan3A_52, %and3A : i32
          %mul3A_56 = arith.constant 16 : i32
          %mul3A_57 = arith.muli %and3A_55, %mul3A_56 : i32
          %get3A = arith.index_cast %shift_right_arithmetic3A_54 : i32 to index
          %get3A_58 = arith.index_cast %mul3A_57 : i32 to index
          %get3A_59 = tpu.vector_load %arg9[%get3A, %get3A_58] {strides = array<i32>} : memref<8x128xf32, #tpu.memory_space<vmem>>, vector<16xf32>,
          %add3A = arith.constant 1.000000e+00 : f32
          %add3A_60 = vector.broadcast %add3A : f32 to vector<16xf32>
          %add3A_61 = arith.addf %get3A_59, %add3A_60 : vector<16xf32>
          %bitcast3A = vector.bitcast %add3A_61 : vector<16xf32> to vector<16xi32>
          %broadcast_in_dim3A_62 = arith.constant 1597463007 : i32
          %broadcast_in_dim3A_63 = vector.broadcast %broadcast_in_dim3A_62 : i32 to vector<16xi32>
          %shift_right_arithmetic3A_64 = arith.constant 1 : i32
          %shift_right_arithmetic3A_65 = vector.broadcast %shift_right_arithmetic3A_64 : i32 to vector<16xi32>
          %shift_right_arithmetic3A_66 = arith.shrsi %bitcast3A, %shift_right_arithmetic3A_65 : vector<16xi32>
          %sub3A = arith.subi %broadcast_in_dim3A_63, %shift_right_arithmetic3A_66 : vector<16xi32>
          %bitcast3A_67 = vector.bitcast %sub3A : vector<16xi32> to vector<16xf32>
          %mul3A_68 = arith.constant 5.000000e-01 : f32
          %mul3A_69 = vector.broadcast %mul3A_68 : f32 to vector<16xf32>
          %mul3A_70 = arith.mulf %add3A_61, %mul3A_69 : vector<16xf32>
          %mul3A_71 = arith.mulf %mul3A_70, %bitcast3A_67 : vector<16xf32>
          %mul3A_72 = arith.mulf %mul3A_71, %bitcast3A_67 : vector<16xf32>
          %sub3A_73 = arith.constant 1.500000e+00 : f32
          %sub3A_74 = vector.broadcast %sub3A_73 : f32 to vector<16xf32>
          %sub3A_75 = arith.subf %sub3A_74, %mul3A_72 : vector<16xf32>
          %mul3A_76 = arith.mulf %bitcast3A_67, %sub3A_75 : vector<16xf32>
          %mul3A_77 = arith.mulf %mul3A_70, %mul3A_76 : vector<16xf32>
          %mul3A_78 = arith.mulf %mul3A_77, %mul3A_76 : vector<16xf32>
          %sub3A_79 = arith.constant 1.500000e+00 : f32
          %sub3A_80 = vector.broadcast %sub3A_79 : f32 to vector<16xf32>
          %sub3A_81 = arith.subf %sub3A_80, %mul3A_78 : vector<16xf32>
          %mul3A_82 = arith.mulf %mul3A_76, %sub3A_81 : vector<16xf32>
          %mul3A_83 = arith.mulf %mul3A_70, %mul3A_82 : vector<16xf32>
          %mul3A_84 = arith.mulf %mul3A_83, %mul3A_82 : vector<16xf32>
          %sub3A_85 = arith.constant 1.500000e+00 : f32
          %sub3A_86 = vector.broadcast %sub3A_85 : f32 to vector<16xf32>
          %sub3A_87 = arith.subf %sub3A_86, %mul3A_84 : vector<16xf32>
          %mul3A_88 = arith.mulf %mul3A_82, %sub3A_87 : vector<16xf32>
          %swap3A = arith.index_cast %shift_right_arithmetic3A_54 : i32 to index
          %swap3A_89 = arith.index_cast %mul3A_57 : i32 to index
          %swap3A_90 = tpu.vector_load %arg9[%swap3A, %swap3A_89] {strides = array<i32>} : memref<8x128xf32, #tpu.memory_space<vmem>>, vector<16xf32>,
          tpu.vector_store %arg9[%swap3A, %swap3A_89], %mul3A_88 {strides = array<i32>} : memref<8x128xf32, #tpu.memory_space<vmem>>, vector<16xf32>,
          %scan3A_91 = arith.constant 0 : i32
          scf.yield %scan3A_91 : i32
        }
        %scan3A_51 = arith.constant 64 : i32
        "tpu.region"() ({
          %run_scoped3A_52 = tpu.sem_alloc : memref<!tpu.dma_semaphore, #tpu.memory_space<semaphore_mem>>
          %dma_start3A = arith.constant 0 : i32
          %dma_start3A_53 = tpu.memref_slice %arg4[%multiple_of3A, %dma_start3A] : memref<80x128xf32, #tpu.memory_space<hbm>> -> memref<8x128xf32, #tpu.memory_space<hbm>>
          %dma_start3A_54 = arith.constant 0 : i32
          %dma_start3A_55 = tpu.memref_slice %arg4[%multiple_of3A, %dma_start3A_54] : memref<80x128xf32, #tpu.memory_space<hbm>> -> memref<8x128xf32, #tpu.memory_space<hbm>>
          tpu.enqueue_dma source(%arg9 : memref<8x128xf32, #tpu.memory_space<vmem>>) target(%dma_start3A_55 : memref<8x128xf32, #tpu.memory_space<hbm>>) target_semaphore(%run_scoped3A_52 : memref<!tpu.dma_semaphore, #tpu.memory_space<semaphore_mem>>)
          %dma_wait3A = arith.constant 0 : i32
          %dma_wait3A_56 = tpu.memref_slice %arg4[%multiple_of3A, %dma_wait3A] : memref<80x128xf32, #tpu.memory_space<hbm>> -> memref<8x128xf32, #tpu.memory_space<hbm>>
          %dma_wait3A_57 = arith.constant 0 : i32
          %dma_wait3A_58 = tpu.memref_slice %arg4[%multiple_of3A, %dma_wait3A_57] : memref<80x128xf32, #tpu.memory_space<hbm>> -> memref<8x128xf32, #tpu.memory_space<hbm>>
          tpu.wait_dma2 semaphore(%run_scoped3A_52 : memref<!tpu.dma_semaphore, #tpu.memory_space<semaphore_mem>>) src(%arg9 : memref<8x128xf32, #tpu.memory_space<vmem>>) dst(%dma_wait3A_58 : memref<8x128xf32, #tpu.memory_space<hbm>>)
          tpu.yield
        }) : () -> ()
      } else {
      }
    } else {
    }
    return
  }
}

#map = affine_map<(d0, d1) -> (0, 0)>
#map1 = affine_map<(d0, d1) -> (0, 0, 0)>
module attributes {stable_mosaic.version = 14 : i64} {
  func.func @_agg_body(%arg0: i32, %arg1: i32, %arg2: memref<10000x128xf32, #tpu.memory_space<hbm>>, %arg3: memref<2560x125xi32, #tpu.memory_space<hbm>>, %arg4: memref<2560x125xi32, #tpu.memory_space<hbm>>, %arg5: memref<2x10000x128xf32, #tpu.memory_space<hbm>>, %arg6: memref<80x125xi32, #tpu.memory_space<vmem>>, %arg7: memref<16x125xi32, #tpu.memory_space<vmem>>, %arg8: memref<125x128xf32, #tpu.memory_space<vmem>>, %arg9: memref<125x128xf32, #tpu.memory_space<vmem>>, %arg10: memref<10000x128xf32, #tpu.memory_space<vmem_shared>>, %arg11: memref<!tpu.dma_semaphore, #tpu.memory_space<semaphore_mem>>, %arg12: memref<!tpu.dma_semaphore, #tpu.memory_space<semaphore_mem>>) attributes {dimension_semantics = [#tpu.dimension_semantics<core_parallel>, #tpu.dimension_semantics<subcore_parallel>], iteration_bounds = array<i64: 2, 16>, scalar_prefetch = 0 : i64, scratch_operands = 7 : i64, tpu.core_type = #tpu.core_type<sc_vector_subcore>, window_params = [{transform_indices = #map}, {transform_indices = #map}, {transform_indices = #map}, {transform_indices = #map1}]} {
    %mul3A = arith.constant 16 : i32
    %mul3A_0 = arith.muli %arg0, %mul3A : i32
    %add3A = arith.addi %mul3A_0, %arg1 : i32
    %mul3A_1 = arith.constant 80 : i32
    %mul3A_2 = arith.muli %add3A, %mul3A_1 : i32
    %multiple_of3A = tpu.assume_multiple %mul3A_2, 8 : i32
    %mul3A_3 = arith.constant 632 : i32
    %mul3A_4 = arith.muli %arg1, %mul3A_3 : i32
    %multiple_of3A_5 = tpu.assume_multiple %mul3A_4, 8 : i32
    %lt3A = arith.constant 15 : i32
    %lt3A_6 = arith.cmpi slt, %arg1, %lt3A : i32
    %convert_element_type3A = arith.extui %lt3A_6 : i1 to i32
    %cond3A = arith.constant 0 : i32
    %cond3A_7 = arith.cmpi ne, %convert_element_type3A, %cond3A : i32
    scf.if %cond3A_7 {
      "tpu.region"() ({
        %run_scoped3A = tpu.sem_alloc : memref<!tpu.dma_semaphore, #tpu.memory_space<semaphore_mem>>
        %dma_start3A = arith.constant 0 : i32
        %dma_start3A_29 = tpu.memref_slice %arg10[%multiple_of3A_5, %dma_start3A] : memref<10000x128xf32, #tpu.memory_space<vmem_shared>> -> memref<632x128xf32, #tpu.memory_space<vmem_shared>>
        %dma_start3A_30 = arith.constant 0 : i32
        %dma_start3A_31 = tpu.memref_slice %arg2[%multiple_of3A_5, %dma_start3A_30] : memref<10000x128xf32, #tpu.memory_space<hbm>> -> memref<632x128xf32, #tpu.memory_space<hbm>>
        tpu.enqueue_dma source(%dma_start3A_31 : memref<632x128xf32, #tpu.memory_space<hbm>>) target(%dma_start3A_29 : memref<632x128xf32, #tpu.memory_space<vmem_shared>>) target_semaphore(%run_scoped3A : memref<!tpu.dma_semaphore, #tpu.memory_space<semaphore_mem>>)
        %dma_wait3A = arith.constant 0 : i32
        %dma_wait3A_32 = tpu.memref_slice %arg10[%multiple_of3A_5, %dma_wait3A] : memref<10000x128xf32, #tpu.memory_space<vmem_shared>> -> memref<632x128xf32, #tpu.memory_space<vmem_shared>>
        %dma_wait3A_33 = arith.constant 0 : i32
        %dma_wait3A_34 = tpu.memref_slice %arg2[%multiple_of3A_5, %dma_wait3A_33] : memref<10000x128xf32, #tpu.memory_space<hbm>> -> memref<632x128xf32, #tpu.memory_space<hbm>>
        tpu.wait_dma2 semaphore(%run_scoped3A : memref<!tpu.dma_semaphore, #tpu.memory_space<semaphore_mem>>) src(%dma_wait3A_34 : memref<632x128xf32, #tpu.memory_space<hbm>>) dst(%dma_wait3A_32 : memref<632x128xf32, #tpu.memory_space<vmem_shared>>)
        tpu.yield
      }) : () -> ()
    } else {
    }
    %eq3A = arith.constant 15 : i32
    %eq3A_8 = arith.cmpi eq, %arg1, %eq3A : i32
    %convert_element_type3A_9 = arith.extui %eq3A_8 : i1 to i32
    %cond3A_10 = arith.constant 0 : i32
    %cond3A_11 = arith.cmpi ne, %convert_element_type3A_9, %cond3A_10 : i32
    scf.if %cond3A_11 {
      "tpu.region"() ({
        %run_scoped3A = tpu.sem_alloc : memref<!tpu.dma_semaphore, #tpu.memory_space<semaphore_mem>>
        %dma_start3A = arith.constant 9480 : i32
        %dma_start3A_29 = arith.constant 0 : i32
        %dma_start3A_30 = tpu.memref_slice %arg10[%dma_start3A, %dma_start3A_29] : memref<10000x128xf32, #tpu.memory_space<vmem_shared>> -> memref<520x128xf32, #tpu.memory_space<vmem_shared>>
        %dma_start3A_31 = arith.constant 9480 : i32
        %dma_start3A_32 = arith.constant 0 : i32
        %dma_start3A_33 = tpu.memref_slice %arg2[%dma_start3A_31, %dma_start3A_32] : memref<10000x128xf32, #tpu.memory_space<hbm>> -> memref<520x128xf32, #tpu.memory_space<hbm>>
        tpu.enqueue_dma source(%dma_start3A_33 : memref<520x128xf32, #tpu.memory_space<hbm>>) target(%dma_start3A_30 : memref<520x128xf32, #tpu.memory_space<vmem_shared>>) target_semaphore(%run_scoped3A : memref<!tpu.dma_semaphore, #tpu.memory_space<semaphore_mem>>)
        %dma_wait3A = arith.constant 9480 : i32
        %dma_wait3A_34 = arith.constant 0 : i32
        %dma_wait3A_35 = tpu.memref_slice %arg10[%dma_wait3A, %dma_wait3A_34] : memref<10000x128xf32, #tpu.memory_space<vmem_shared>> -> memref<520x128xf32, #tpu.memory_space<vmem_shared>>
        %dma_wait3A_36 = arith.constant 9480 : i32
        %dma_wait3A_37 = arith.constant 0 : i32
        %dma_wait3A_38 = tpu.memref_slice %arg2[%dma_wait3A_36, %dma_wait3A_37] : memref<10000x128xf32, #tpu.memory_space<hbm>> -> memref<520x128xf32, #tpu.memory_space<hbm>>
        tpu.wait_dma2 semaphore(%run_scoped3A : memref<!tpu.dma_semaphore, #tpu.memory_space<semaphore_mem>>) src(%dma_wait3A_38 : memref<520x128xf32, #tpu.memory_space<hbm>>) dst(%dma_wait3A_35 : memref<520x128xf32, #tpu.memory_space<vmem_shared>>)
        tpu.yield
      }) : () -> ()
    } else {
    }
    "tpu.region"() ({
      %run_scoped3A = tpu.sem_alloc : memref<!tpu.dma_semaphore, #tpu.memory_space<semaphore_mem>>
      %dma_start3A = arith.constant 0 : i32
      %dma_start3A_29 = tpu.memref_slice %arg3[%multiple_of3A, %dma_start3A] : memref<2560x125xi32, #tpu.memory_space<hbm>> -> memref<80x125xi32, #tpu.memory_space<hbm>>
      %dma_start3A_30 = arith.constant 0 : i32
      %dma_start3A_31 = tpu.memref_slice %arg3[%multiple_of3A, %dma_start3A_30] : memref<2560x125xi32, #tpu.memory_space<hbm>> -> memref<80x125xi32, #tpu.memory_space<hbm>>
      tpu.enqueue_dma source(%dma_start3A_31 : memref<80x125xi32, #tpu.memory_space<hbm>>) target(%arg6 : memref<80x125xi32, #tpu.memory_space<vmem>>) target_semaphore(%run_scoped3A : memref<!tpu.dma_semaphore, #tpu.memory_space<semaphore_mem>>)
      %dma_wait3A = arith.constant 0 : i32
      %dma_wait3A_32 = tpu.memref_slice %arg3[%multiple_of3A, %dma_wait3A] : memref<2560x125xi32, #tpu.memory_space<hbm>> -> memref<80x125xi32, #tpu.memory_space<hbm>>
      %dma_wait3A_33 = arith.constant 0 : i32
      %dma_wait3A_34 = tpu.memref_slice %arg3[%multiple_of3A, %dma_wait3A_33] : memref<2560x125xi32, #tpu.memory_space<hbm>> -> memref<80x125xi32, #tpu.memory_space<hbm>>
      tpu.wait_dma2 semaphore(%run_scoped3A : memref<!tpu.dma_semaphore, #tpu.memory_space<semaphore_mem>>) src(%dma_wait3A_34 : memref<80x125xi32, #tpu.memory_space<hbm>>) dst(%arg6 : memref<80x125xi32, #tpu.memory_space<vmem>>)
      tpu.yield
    }) : () -> ()
    %barrier3A = arith.constant 0 : index
    tpu.barrier barrier_id(%barrier3A)
    %scan3A = arith.constant 0 : i32
    %scan3A_12 = arith.constant 0 : i32
    %scan3A_13 = arith.constant 5 : i32
    %scan3A_14 = arith.addi %scan3A_12, %scan3A_13 : i32
    %scan3A_15 = arith.constant 1 : i32
    %scan3A_16 = scf.for %scan3A_29 = %scan3A_12 to %scan3A_14 step %scan3A_15 iter_args(%scan3A_30 = %scan3A) -> (i32)  : i32 {
      %mul3A_31 = arith.constant 16 : i32
      %mul3A_32 = arith.muli %scan3A_29, %mul3A_31 : i32
      %add3A_33 = arith.addi %multiple_of3A, %mul3A_32 : i32
      "tpu.region"() ({
        %run_scoped3A = tpu.sem_alloc : memref<!tpu.dma_semaphore, #tpu.memory_space<semaphore_mem>>
        %dma_start3A = arith.constant 0 : i32
        %dma_start3A_49 = tpu.memref_slice %arg4[%add3A_33, %dma_start3A] : memref<2560x125xi32, #tpu.memory_space<hbm>> -> memref<16x125xi32, #tpu.memory_space<hbm>>
        %dma_start3A_50 = arith.constant 0 : i32
        %dma_start3A_51 = tpu.memref_slice %arg4[%add3A_33, %dma_start3A_50] : memref<2560x125xi32, #tpu.memory_space<hbm>> -> memref<16x125xi32, #tpu.memory_space<hbm>>
        tpu.enqueue_dma source(%dma_start3A_51 : memref<16x125xi32, #tpu.memory_space<hbm>>) target(%arg7 : memref<16x125xi32, #tpu.memory_space<vmem>>) target_semaphore(%run_scoped3A : memref<!tpu.dma_semaphore, #tpu.memory_space<semaphore_mem>>)
        %dma_wait3A = arith.constant 0 : i32
        %dma_wait3A_52 = tpu.memref_slice %arg4[%add3A_33, %dma_wait3A] : memref<2560x125xi32, #tpu.memory_space<hbm>> -> memref<16x125xi32, #tpu.memory_space<hbm>>
        %dma_wait3A_53 = arith.constant 0 : i32
        %dma_wait3A_54 = tpu.memref_slice %arg4[%add3A_33, %dma_wait3A_53] : memref<2560x125xi32, #tpu.memory_space<hbm>> -> memref<16x125xi32, #tpu.memory_space<hbm>>
        tpu.wait_dma2 semaphore(%run_scoped3A : memref<!tpu.dma_semaphore, #tpu.memory_space<semaphore_mem>>) src(%dma_wait3A_54 : memref<16x125xi32, #tpu.memory_space<hbm>>) dst(%arg7 : memref<16x125xi32, #tpu.memory_space<vmem>>)
        tpu.yield
      }) : () -> ()
      %mul3A_34 = arith.constant 16 : i32
      %mul3A_35 = arith.muli %scan3A_29, %mul3A_34 : i32
      %eq3A_36 = arith.constant 0 : i32
      %eq3A_37 = arith.cmpi eq, %scan3A_29, %eq3A_36 : i32
      %convert_element_type3A_38 = arith.extui %eq3A_37 : i1 to i32
      %cond3A_39 = arith.constant 0 : i32
      %cond3A_40 = arith.cmpi ne, %convert_element_type3A_38, %cond3A_39 : i32
      scf.if %cond3A_40 {
        %dma_start3A = arith.constant 0 : i32
        %dma_start3A_49 = arith.constant 0 : i32
        %dma_start3A_50 = tpu.memref_slice %arg6[%dma_start3A, %dma_start3A_49] : memref<80x125xi32, #tpu.memory_space<vmem>> -> memref<1x125xi32, #tpu.memory_space<vmem>>
        %dma_start3A_51 = tpu.memref_squeeze %dma_start3A_50 : memref<1x125xi32, #tpu.memory_space<vmem>> -> memref<125xi32, #tpu.memory_space<vmem>>
        %dma_start3A_52 = arith.constant 0 : i32
        %dma_start3A_53 = arith.constant 0 : i32
        %dma_start3A_54 = tpu.memref_slice %arg2[%dma_start3A_52, %dma_start3A_53] : memref<10000x128xf32, #tpu.memory_space<hbm>> -> memref<10000x128xf32, #tpu.memory_space<hbm>>
        tpu.enqueue_indirect_dma source(%dma_start3A_54 : memref<10000x128xf32, #tpu.memory_space<hbm>>) target(%arg8 : memref<125x128xf32, #tpu.memory_space<vmem>>) offsets(%dma_start3A_51 : memref<125xi32, #tpu.memory_space<vmem>>) semaphore(%arg11 : memref<!tpu.dma_semaphore, #tpu.memory_space<semaphore_mem>>)
      } else {
      }
      %scan3A_41 = arith.constant 0 : i32
      %scan3A_42 = arith.constant 0 : i32
      %scan3A_43 = arith.constant 8 : i32
      %scan3A_44 = arith.addi %scan3A_42, %scan3A_43 : i32
      %scan3A_45 = arith.constant 1 : i32
      %scan3A_46 = scf.for %scan3A_49 = %scan3A_42 to %scan3A_44 step %scan3A_45 iter_args(%scan3A_50 = %scan3A_41) -> (i32)  : i32 {
        %mul3A_51 = arith.constant 2 : i32
        %mul3A_52 = arith.muli %scan3A_49, %mul3A_51 : i32
        %add3A_53 = arith.addi %mul3A_35, %mul3A_52 : i32
        %mul3A_54 = arith.constant 2 : i32
        %mul3A_55 = arith.muli %scan3A_49, %mul3A_54 : i32
        %dma_wait3A = arith.constant 0 : i32
        %dma_wait3A_56 = tpu.memref_slice %arg6[%add3A_53, %dma_wait3A] : memref<80x125xi32, #tpu.memory_space<vmem>> -> memref<1x125xi32, #tpu.memory_space<vmem>>
        %dma_wait3A_57 = tpu.memref_squeeze %dma_wait3A_56 : memref<1x125xi32, #tpu.memory_space<vmem>> -> memref<125xi32, #tpu.memory_space<vmem>>
        %dma_wait3A_58 = arith.constant 0 : i32
        %dma_wait3A_59 = arith.constant 0 : i32
        %dma_wait3A_60 = tpu.memref_slice %arg2[%dma_wait3A_58, %dma_wait3A_59] : memref<10000x128xf32, #tpu.memory_space<hbm>> -> memref<10000x128xf32, #tpu.memory_space<hbm>>
        tpu.wait_indirect_dma semaphore(%arg11 : memref<!tpu.dma_semaphore, #tpu.memory_space<semaphore_mem>>) src(%dma_wait3A_60 : memref<10000x128xf32, #tpu.memory_space<hbm>>) dst(%arg8 : memref<125x128xf32, #tpu.memory_space<vmem>>)
        %add3A_61 = arith.constant 1 : i32
        %add3A_62 = arith.addi %add3A_53, %add3A_61 : i32
        %dma_start3A = arith.constant 0 : i32
        %dma_start3A_63 = tpu.memref_slice %arg6[%add3A_62, %dma_start3A] : memref<80x125xi32, #tpu.memory_space<vmem>> -> memref<1x125xi32, #tpu.memory_space<vmem>>
        %dma_start3A_64 = tpu.memref_squeeze %dma_start3A_63 : memref<1x125xi32, #tpu.memory_space<vmem>> -> memref<125xi32, #tpu.memory_space<vmem>>
        %dma_start3A_65 = arith.constant 0 : i32
        %dma_start3A_66 = arith.constant 0 : i32
        %dma_start3A_67 = tpu.memref_slice %arg2[%dma_start3A_65, %dma_start3A_66] : memref<10000x128xf32, #tpu.memory_space<hbm>> -> memref<10000x128xf32, #tpu.memory_space<hbm>>
        tpu.enqueue_indirect_dma source(%dma_start3A_67 : memref<10000x128xf32, #tpu.memory_space<hbm>>) target(%arg9 : memref<125x128xf32, #tpu.memory_space<vmem>>) offsets(%dma_start3A_64 : memref<125xi32, #tpu.memory_space<vmem>>) semaphore(%arg12 : memref<!tpu.dma_semaphore, #tpu.memory_space<semaphore_mem>>)
        "tpu.region"() ({
          %run_scoped3A = tpu.sem_alloc : memref<!tpu.dma_semaphore, #tpu.memory_space<semaphore_mem>>
          %dma_start3A_86 = arith.constant 0 : i32
          %dma_start3A_87 = tpu.memref_slice %arg7[%mul3A_55, %dma_start3A_86] : memref<16x125xi32, #tpu.memory_space<vmem>> -> memref<1x125xi32, #tpu.memory_space<vmem>>
          %dma_start3A_88 = tpu.memref_squeeze %dma_start3A_87 : memref<1x125xi32, #tpu.memory_space<vmem>> -> memref<125xi32, #tpu.memory_space<vmem>>
          %dma_start3A_89 = arith.constant 0 : i32
          %dma_start3A_90 = arith.constant 0 : i32
          %dma_start3A_91 = tpu.memref_slice %arg10[%dma_start3A_89, %dma_start3A_90] : memref<10000x128xf32, #tpu.memory_space<vmem_shared>> -> memref<10000x128xf32, #tpu.memory_space<vmem_shared>>
          tpu.enqueue_indirect_dma source(%arg8 : memref<125x128xf32, #tpu.memory_space<vmem>>) target(%dma_start3A_91 : memref<10000x128xf32, #tpu.memory_space<vmem_shared>>) offsets(%dma_start3A_88 : memref<125xi32, #tpu.memory_space<vmem>>) semaphore(%run_scoped3A : memref<!tpu.dma_semaphore, #tpu.memory_space<semaphore_mem>>) {add = true}
          %dma_wait3A_92 = arith.constant 0 : i32
          %dma_wait3A_93 = tpu.memref_slice %arg7[%mul3A_55, %dma_wait3A_92] : memref<16x125xi32, #tpu.memory_space<vmem>> -> memref<1x125xi32, #tpu.memory_space<vmem>>
          %dma_wait3A_94 = tpu.memref_squeeze %dma_wait3A_93 : memref<1x125xi32, #tpu.memory_space<vmem>> -> memref<125xi32, #tpu.memory_space<vmem>>
          %dma_wait3A_95 = arith.constant 0 : i32
          %dma_wait3A_96 = arith.constant 0 : i32
          %dma_wait3A_97 = tpu.memref_slice %arg10[%dma_wait3A_95, %dma_wait3A_96] : memref<10000x128xf32, #tpu.memory_space<vmem_shared>> -> memref<10000x128xf32, #tpu.memory_space<vmem_shared>>
          tpu.wait_indirect_dma semaphore(%run_scoped3A : memref<!tpu.dma_semaphore, #tpu.memory_space<semaphore_mem>>) src(%arg8 : memref<125x128xf32, #tpu.memory_space<vmem>>) dst(%dma_wait3A_97 : memref<10000x128xf32, #tpu.memory_space<vmem_shared>>)
          tpu.yield
        }) : () -> ()
        %add3A_68 = arith.constant 1 : i32
        %add3A_69 = arith.addi %add3A_53, %add3A_68 : i32
        %dma_wait3A_70 = arith.constant 0 : i32
        %dma_wait3A_71 = tpu.memref_slice %arg6[%add3A_69, %dma_wait3A_70] : memref<80x125xi32, #tpu.memory_space<vmem>> -> memref<1x125xi32, #tpu.memory_space<vmem>>
        %dma_wait3A_72 = tpu.memref_squeeze %dma_wait3A_71 : memref<1x125xi32, #tpu.memory_space<vmem>> -> memref<125xi32, #tpu.memory_space<vmem>>
        %dma_wait3A_73 = arith.constant 0 : i32
        %dma_wait3A_74 = arith.constant 0 : i32
        %dma_wait3A_75 = tpu.memref_slice %arg2[%dma_wait3A_73, %dma_wait3A_74] : memref<10000x128xf32, #tpu.memory_space<hbm>> -> memref<10000x128xf32, #tpu.memory_space<hbm>>
        tpu.wait_indirect_dma semaphore(%arg12 : memref<!tpu.dma_semaphore, #tpu.memory_space<semaphore_mem>>) src(%dma_wait3A_75 : memref<10000x128xf32, #tpu.memory_space<hbm>>) dst(%arg9 : memref<125x128xf32, #tpu.memory_space<vmem>>)
        %add3A_76 = arith.constant 2 : i32
        %add3A_77 = arith.addi %add3A_53, %add3A_76 : i32
        %lt3A_78 = arith.constant 80 : i32
        %lt3A_79 = arith.cmpi slt, %add3A_77, %lt3A_78 : i32
        %convert_element_type3A_80 = arith.extui %lt3A_79 : i1 to i32
        %cond3A_81 = arith.constant 0 : i32
        %cond3A_82 = arith.cmpi ne, %convert_element_type3A_80, %cond3A_81 : i32
        scf.if %cond3A_82 {
          %add3A_86 = arith.constant 2 : i32
          %add3A_87 = arith.addi %add3A_53, %add3A_86 : i32
          %dma_start3A_88 = arith.constant 0 : i32
          %dma_start3A_89 = tpu.memref_slice %arg6[%add3A_87, %dma_start3A_88] : memref<80x125xi32, #tpu.memory_space<vmem>> -> memref<1x125xi32, #tpu.memory_space<vmem>>
          %dma_start3A_90 = tpu.memref_squeeze %dma_start3A_89 : memref<1x125xi32, #tpu.memory_space<vmem>> -> memref<125xi32, #tpu.memory_space<vmem>>
          %dma_start3A_91 = arith.constant 0 : i32
          %dma_start3A_92 = arith.constant 0 : i32
          %dma_start3A_93 = tpu.memref_slice %arg2[%dma_start3A_91, %dma_start3A_92] : memref<10000x128xf32, #tpu.memory_space<hbm>> -> memref<10000x128xf32, #tpu.memory_space<hbm>>
          tpu.enqueue_indirect_dma source(%dma_start3A_93 : memref<10000x128xf32, #tpu.memory_space<hbm>>) target(%arg8 : memref<125x128xf32, #tpu.memory_space<vmem>>) offsets(%dma_start3A_90 : memref<125xi32, #tpu.memory_space<vmem>>) semaphore(%arg11 : memref<!tpu.dma_semaphore, #tpu.memory_space<semaphore_mem>>)
        } else {
        }
        %add3A_83 = arith.constant 1 : i32
        %add3A_84 = arith.addi %mul3A_55, %add3A_83 : i32
        "tpu.region"() ({
          %run_scoped3A = tpu.sem_alloc : memref<!tpu.dma_semaphore, #tpu.memory_space<semaphore_mem>>
          %dma_start3A_86 = arith.constant 0 : i32
          %dma_start3A_87 = tpu.memref_slice %arg7[%add3A_84, %dma_start3A_86] : memref<16x125xi32, #tpu.memory_space<vmem>> -> memref<1x125xi32, #tpu.memory_space<vmem>>
          %dma_start3A_88 = tpu.memref_squeeze %dma_start3A_87 : memref<1x125xi32, #tpu.memory_space<vmem>> -> memref<125xi32, #tpu.memory_space<vmem>>
          %dma_start3A_89 = arith.constant 0 : i32
          %dma_start3A_90 = arith.constant 0 : i32
          %dma_start3A_91 = tpu.memref_slice %arg10[%dma_start3A_89, %dma_start3A_90] : memref<10000x128xf32, #tpu.memory_space<vmem_shared>> -> memref<10000x128xf32, #tpu.memory_space<vmem_shared>>
          tpu.enqueue_indirect_dma source(%arg9 : memref<125x128xf32, #tpu.memory_space<vmem>>) target(%dma_start3A_91 : memref<10000x128xf32, #tpu.memory_space<vmem_shared>>) offsets(%dma_start3A_88 : memref<125xi32, #tpu.memory_space<vmem>>) semaphore(%run_scoped3A : memref<!tpu.dma_semaphore, #tpu.memory_space<semaphore_mem>>) {add = true}
          %dma_wait3A_92 = arith.constant 0 : i32
          %dma_wait3A_93 = tpu.memref_slice %arg7[%add3A_84, %dma_wait3A_92] : memref<16x125xi32, #tpu.memory_space<vmem>> -> memref<1x125xi32, #tpu.memory_space<vmem>>
          %dma_wait3A_94 = tpu.memref_squeeze %dma_wait3A_93 : memref<1x125xi32, #tpu.memory_space<vmem>> -> memref<125xi32, #tpu.memory_space<vmem>>
          %dma_wait3A_95 = arith.constant 0 : i32
          %dma_wait3A_96 = arith.constant 0 : i32
          %dma_wait3A_97 = tpu.memref_slice %arg10[%dma_wait3A_95, %dma_wait3A_96] : memref<10000x128xf32, #tpu.memory_space<vmem_shared>> -> memref<10000x128xf32, #tpu.memory_space<vmem_shared>>
          tpu.wait_indirect_dma semaphore(%run_scoped3A : memref<!tpu.dma_semaphore, #tpu.memory_space<semaphore_mem>>) src(%arg9 : memref<125x128xf32, #tpu.memory_space<vmem>>) dst(%dma_wait3A_97 : memref<10000x128xf32, #tpu.memory_space<vmem_shared>>)
          tpu.yield
        }) : () -> ()
        %scan3A_85 = arith.constant 0 : i32
        scf.yield %scan3A_85 : i32
      }
      %scan3A_47 = arith.constant 8 : i32
      %scan3A_48 = arith.constant 0 : i32
      scf.yield %scan3A_48 : i32
    }
    %scan3A_17 = arith.constant 5 : i32
    %barrier3A_18 = arith.constant 0 : index
    tpu.barrier barrier_id(%barrier3A_18)
    %lt3A_19 = arith.constant 15 : i32
    %lt3A_20 = arith.cmpi slt, %arg1, %lt3A_19 : i32
    %convert_element_type3A_21 = arith.extui %lt3A_20 : i1 to i32
    %cond3A_22 = arith.constant 0 : i32
    %cond3A_23 = arith.cmpi ne, %convert_element_type3A_21, %cond3A_22 : i32
    scf.if %cond3A_23 {
      "tpu.region"() ({
        %run_scoped3A = tpu.sem_alloc : memref<!tpu.dma_semaphore, #tpu.memory_space<semaphore_mem>>
        %dma_start3A = arith.constant 0 : i32
        %dma_start3A_29 = tpu.memref_slice %arg5[%arg0, %multiple_of3A_5, %dma_start3A] : memref<2x10000x128xf32, #tpu.memory_space<hbm>> -> memref<1x632x128xf32, #tpu.memory_space<hbm>>
        %dma_start3A_30 = tpu.memref_squeeze %dma_start3A_29 : memref<1x632x128xf32, #tpu.memory_space<hbm>> -> memref<632x128xf32, #tpu.memory_space<hbm>>
        %dma_start3A_31 = arith.constant 0 : i32
        %dma_start3A_32 = tpu.memref_slice %arg10[%multiple_of3A_5, %dma_start3A_31] : memref<10000x128xf32, #tpu.memory_space<vmem_shared>> -> memref<632x128xf32, #tpu.memory_space<vmem_shared>>
        tpu.enqueue_dma source(%dma_start3A_32 : memref<632x128xf32, #tpu.memory_space<vmem_shared>>) target(%dma_start3A_30 : memref<632x128xf32, #tpu.memory_space<hbm>>) target_semaphore(%run_scoped3A : memref<!tpu.dma_semaphore, #tpu.memory_space<semaphore_mem>>)
        %dma_wait3A = arith.constant 0 : i32
        %dma_wait3A_33 = tpu.memref_slice %arg5[%arg0, %multiple_of3A_5, %dma_wait3A] : memref<2x10000x128xf32, #tpu.memory_space<hbm>> -> memref<1x632x128xf32, #tpu.memory_space<hbm>>
        %dma_wait3A_34 = tpu.memref_squeeze %dma_wait3A_33 : memref<1x632x128xf32, #tpu.memory_space<hbm>> -> memref<632x128xf32, #tpu.memory_space<hbm>>
        %dma_wait3A_35 = arith.constant 0 : i32
        %dma_wait3A_36 = tpu.memref_slice %arg10[%multiple_of3A_5, %dma_wait3A_35] : memref<10000x128xf32, #tpu.memory_space<vmem_shared>> -> memref<632x128xf32, #tpu.memory_space<vmem_shared>>
        tpu.wait_dma2 semaphore(%run_scoped3A : memref<!tpu.dma_semaphore, #tpu.memory_space<semaphore_mem>>) src(%dma_wait3A_36 : memref<632x128xf32, #tpu.memory_space<vmem_shared>>) dst(%dma_wait3A_34 : memref<632x128xf32, #tpu.memory_space<hbm>>)
        tpu.yield
      }) : () -> ()
    } else {
    }
    %eq3A_24 = arith.constant 15 : i32
    %eq3A_25 = arith.cmpi eq, %arg1, %eq3A_24 : i32
    %convert_element_type3A_26 = arith.extui %eq3A_25 : i1 to i32
    %cond3A_27 = arith.constant 0 : i32
    %cond3A_28 = arith.cmpi ne, %convert_element_type3A_26, %cond3A_27 : i32
    scf.if %cond3A_28 {
      "tpu.region"() ({
        %run_scoped3A = tpu.sem_alloc : memref<!tpu.dma_semaphore, #tpu.memory_space<semaphore_mem>>
        %dma_start3A = arith.constant 9480 : i32
        %dma_start3A_29 = arith.constant 0 : i32
        %dma_start3A_30 = tpu.memref_slice %arg5[%arg0, %dma_start3A, %dma_start3A_29] : memref<2x10000x128xf32, #tpu.memory_space<hbm>> -> memref<1x520x128xf32, #tpu.memory_space<hbm>>
        %dma_start3A_31 = tpu.memref_squeeze %dma_start3A_30 : memref<1x520x128xf32, #tpu.memory_space<hbm>> -> memref<520x128xf32, #tpu.memory_space<hbm>>
        %dma_start3A_32 = arith.constant 9480 : i32
        %dma_start3A_33 = arith.constant 0 : i32
        %dma_start3A_34 = tpu.memref_slice %arg10[%dma_start3A_32, %dma_start3A_33] : memref<10000x128xf32, #tpu.memory_space<vmem_shared>> -> memref<520x128xf32, #tpu.memory_space<vmem_shared>>
        tpu.enqueue_dma source(%dma_start3A_34 : memref<520x128xf32, #tpu.memory_space<vmem_shared>>) target(%dma_start3A_31 : memref<520x128xf32, #tpu.memory_space<hbm>>) target_semaphore(%run_scoped3A : memref<!tpu.dma_semaphore, #tpu.memory_space<semaphore_mem>>)
        %dma_wait3A = arith.constant 9480 : i32
        %dma_wait3A_35 = arith.constant 0 : i32
        %dma_wait3A_36 = tpu.memref_slice %arg5[%arg0, %dma_wait3A, %dma_wait3A_35] : memref<2x10000x128xf32, #tpu.memory_space<hbm>> -> memref<1x520x128xf32, #tpu.memory_space<hbm>>
        %dma_wait3A_37 = tpu.memref_squeeze %dma_wait3A_36 : memref<1x520x128xf32, #tpu.memory_space<hbm>> -> memref<520x128xf32, #tpu.memory_space<hbm>>
        %dma_wait3A_38 = arith.constant 9480 : i32
        %dma_wait3A_39 = arith.constant 0 : i32
        %dma_wait3A_40 = tpu.memref_slice %arg10[%dma_wait3A_38, %dma_wait3A_39] : memref<10000x128xf32, #tpu.memory_space<vmem_shared>> -> memref<520x128xf32, #tpu.memory_space<vmem_shared>>
        tpu.wait_dma2 semaphore(%run_scoped3A : memref<!tpu.dma_semaphore, #tpu.memory_space<semaphore_mem>>) src(%dma_wait3A_40 : memref<520x128xf32, #tpu.memory_space<vmem_shared>>) dst(%dma_wait3A_37 : memref<520x128xf32, #tpu.memory_space<hbm>>)
        tpu.yield
      }) : () -> ()
    } else {
    }
    return
  }
}

#map = affine_map<(d0, d1) -> (0, 0)>
#map1 = affine_map<(d0, d1) -> (0, 0, 0)>
module attributes {stable_mosaic.version = 14 : i64} {
  func.func @_agg_body(%arg0: i32, %arg1: i32, %arg2: memref<10000x128xf32, #tpu.memory_space<hbm>>, %arg3: memref<2560x125xi32, #tpu.memory_space<hbm>>, %arg4: memref<2560x125xi32, #tpu.memory_space<hbm>>, %arg5: memref<2x10000x128xf32, #tpu.memory_space<hbm>>, %arg6: memref<80x125xi32, #tpu.memory_space<vmem>>, %arg7: memref<16x125xi32, #tpu.memory_space<vmem>>, %arg8: memref<125x128xf32, #tpu.memory_space<vmem>>, %arg9: memref<125x128xf32, #tpu.memory_space<vmem>>, %arg10: memref<10000x128xf32, #tpu.memory_space<vmem_shared>>, %arg11: memref<!tpu.dma_semaphore, #tpu.memory_space<semaphore_mem>>, %arg12: memref<!tpu.dma_semaphore, #tpu.memory_space<semaphore_mem>>) attributes {dimension_semantics = [#tpu.dimension_semantics<core_parallel>, #tpu.dimension_semantics<subcore_parallel>], iteration_bounds = array<i64: 2, 16>, scalar_prefetch = 0 : i64, scratch_operands = 7 : i64, tpu.core_type = #tpu.core_type<sc_vector_subcore>, window_params = [{transform_indices = #map}, {transform_indices = #map}, {transform_indices = #map}, {transform_indices = #map1}]} {
    %mul3A = arith.constant 16 : i32
    %mul3A_0 = arith.muli %arg0, %mul3A : i32
    %add3A = arith.addi %mul3A_0, %arg1 : i32
    %mul3A_1 = arith.constant 80 : i32
    %mul3A_2 = arith.muli %add3A, %mul3A_1 : i32
    %multiple_of3A = tpu.assume_multiple %mul3A_2, 8 : i32
    %mul3A_3 = arith.constant 632 : i32
    %mul3A_4 = arith.muli %arg1, %mul3A_3 : i32
    %multiple_of3A_5 = tpu.assume_multiple %mul3A_4, 8 : i32
    %lt3A = arith.constant 15 : i32
    %lt3A_6 = arith.cmpi slt, %arg1, %lt3A : i32
    %convert_element_type3A = arith.extui %lt3A_6 : i1 to i32
    %cond3A = arith.constant 0 : i32
    %cond3A_7 = arith.cmpi ne, %convert_element_type3A, %cond3A : i32
    scf.if %cond3A_7 {
      "tpu.region"() ({
        %run_scoped3A = tpu.sem_alloc : memref<!tpu.dma_semaphore, #tpu.memory_space<semaphore_mem>>
        %dma_start3A = arith.constant 0 : i32
        %dma_start3A_29 = tpu.memref_slice %arg10[%multiple_of3A_5, %dma_start3A] : memref<10000x128xf32, #tpu.memory_space<vmem_shared>> -> memref<632x128xf32, #tpu.memory_space<vmem_shared>>
        %dma_start3A_30 = arith.constant 0 : i32
        %dma_start3A_31 = tpu.memref_slice %arg2[%multiple_of3A_5, %dma_start3A_30] : memref<10000x128xf32, #tpu.memory_space<hbm>> -> memref<632x128xf32, #tpu.memory_space<hbm>>
        tpu.enqueue_dma source(%dma_start3A_31 : memref<632x128xf32, #tpu.memory_space<hbm>>) target(%dma_start3A_29 : memref<632x128xf32, #tpu.memory_space<vmem_shared>>) target_semaphore(%run_scoped3A : memref<!tpu.dma_semaphore, #tpu.memory_space<semaphore_mem>>)
        %dma_wait3A = arith.constant 0 : i32
        %dma_wait3A_32 = tpu.memref_slice %arg10[%multiple_of3A_5, %dma_wait3A] : memref<10000x128xf32, #tpu.memory_space<vmem_shared>> -> memref<632x128xf32, #tpu.memory_space<vmem_shared>>
        %dma_wait3A_33 = arith.constant 0 : i32
        %dma_wait3A_34 = tpu.memref_slice %arg2[%multiple_of3A_5, %dma_wait3A_33] : memref<10000x128xf32, #tpu.memory_space<hbm>> -> memref<632x128xf32, #tpu.memory_space<hbm>>
        tpu.wait_dma2 semaphore(%run_scoped3A : memref<!tpu.dma_semaphore, #tpu.memory_space<semaphore_mem>>) src(%dma_wait3A_34 : memref<632x128xf32, #tpu.memory_space<hbm>>) dst(%dma_wait3A_32 : memref<632x128xf32, #tpu.memory_space<vmem_shared>>)
        tpu.yield
      }) : () -> ()
    } else {
    }
    %eq3A = arith.constant 15 : i32
    %eq3A_8 = arith.cmpi eq, %arg1, %eq3A : i32
    %convert_element_type3A_9 = arith.extui %eq3A_8 : i1 to i32
    %cond3A_10 = arith.constant 0 : i32
    %cond3A_11 = arith.cmpi ne, %convert_element_type3A_9, %cond3A_10 : i32
    scf.if %cond3A_11 {
      "tpu.region"() ({
        %run_scoped3A = tpu.sem_alloc : memref<!tpu.dma_semaphore, #tpu.memory_space<semaphore_mem>>
        %dma_start3A = arith.constant 9480 : i32
        %dma_start3A_29 = arith.constant 0 : i32
        %dma_start3A_30 = tpu.memref_slice %arg10[%dma_start3A, %dma_start3A_29] : memref<10000x128xf32, #tpu.memory_space<vmem_shared>> -> memref<520x128xf32, #tpu.memory_space<vmem_shared>>
        %dma_start3A_31 = arith.constant 9480 : i32
        %dma_start3A_32 = arith.constant 0 : i32
        %dma_start3A_33 = tpu.memref_slice %arg2[%dma_start3A_31, %dma_start3A_32] : memref<10000x128xf32, #tpu.memory_space<hbm>> -> memref<520x128xf32, #tpu.memory_space<hbm>>
        tpu.enqueue_dma source(%dma_start3A_33 : memref<520x128xf32, #tpu.memory_space<hbm>>) target(%dma_start3A_30 : memref<520x128xf32, #tpu.memory_space<vmem_shared>>) target_semaphore(%run_scoped3A : memref<!tpu.dma_semaphore, #tpu.memory_space<semaphore_mem>>)
        %dma_wait3A = arith.constant 9480 : i32
        %dma_wait3A_34 = arith.constant 0 : i32
        %dma_wait3A_35 = tpu.memref_slice %arg10[%dma_wait3A, %dma_wait3A_34] : memref<10000x128xf32, #tpu.memory_space<vmem_shared>> -> memref<520x128xf32, #tpu.memory_space<vmem_shared>>
        %dma_wait3A_36 = arith.constant 9480 : i32
        %dma_wait3A_37 = arith.constant 0 : i32
        %dma_wait3A_38 = tpu.memref_slice %arg2[%dma_wait3A_36, %dma_wait3A_37] : memref<10000x128xf32, #tpu.memory_space<hbm>> -> memref<520x128xf32, #tpu.memory_space<hbm>>
        tpu.wait_dma2 semaphore(%run_scoped3A : memref<!tpu.dma_semaphore, #tpu.memory_space<semaphore_mem>>) src(%dma_wait3A_38 : memref<520x128xf32, #tpu.memory_space<hbm>>) dst(%dma_wait3A_35 : memref<520x128xf32, #tpu.memory_space<vmem_shared>>)
        tpu.yield
      }) : () -> ()
    } else {
    }
    "tpu.region"() ({
      %run_scoped3A = tpu.sem_alloc : memref<!tpu.dma_semaphore, #tpu.memory_space<semaphore_mem>>
      %dma_start3A = arith.constant 0 : i32
      %dma_start3A_29 = tpu.memref_slice %arg3[%multiple_of3A, %dma_start3A] : memref<2560x125xi32, #tpu.memory_space<hbm>> -> memref<80x125xi32, #tpu.memory_space<hbm>>
      %dma_start3A_30 = arith.constant 0 : i32
      %dma_start3A_31 = tpu.memref_slice %arg3[%multiple_of3A, %dma_start3A_30] : memref<2560x125xi32, #tpu.memory_space<hbm>> -> memref<80x125xi32, #tpu.memory_space<hbm>>
      tpu.enqueue_dma source(%dma_start3A_31 : memref<80x125xi32, #tpu.memory_space<hbm>>) target(%arg6 : memref<80x125xi32, #tpu.memory_space<vmem>>) target_semaphore(%run_scoped3A : memref<!tpu.dma_semaphore, #tpu.memory_space<semaphore_mem>>)
      %dma_wait3A = arith.constant 0 : i32
      %dma_wait3A_32 = tpu.memref_slice %arg3[%multiple_of3A, %dma_wait3A] : memref<2560x125xi32, #tpu.memory_space<hbm>> -> memref<80x125xi32, #tpu.memory_space<hbm>>
      %dma_wait3A_33 = arith.constant 0 : i32
      %dma_wait3A_34 = tpu.memref_slice %arg3[%multiple_of3A, %dma_wait3A_33] : memref<2560x125xi32, #tpu.memory_space<hbm>> -> memref<80x125xi32, #tpu.memory_space<hbm>>
      tpu.wait_dma2 semaphore(%run_scoped3A : memref<!tpu.dma_semaphore, #tpu.memory_space<semaphore_mem>>) src(%dma_wait3A_34 : memref<80x125xi32, #tpu.memory_space<hbm>>) dst(%arg6 : memref<80x125xi32, #tpu.memory_space<vmem>>)
      tpu.yield
    }) : () -> ()
    %barrier3A = arith.constant 0 : index
    tpu.barrier barrier_id(%barrier3A)
    %scan3A = arith.constant 0 : i32
    %scan3A_12 = arith.constant 0 : i32
    %scan3A_13 = arith.constant 5 : i32
    %scan3A_14 = arith.addi %scan3A_12, %scan3A_13 : i32
    %scan3A_15 = arith.constant 1 : i32
    %scan3A_16 = scf.for %scan3A_29 = %scan3A_12 to %scan3A_14 step %scan3A_15 iter_args(%scan3A_30 = %scan3A) -> (i32)  : i32 {
      %mul3A_31 = arith.constant 16 : i32
      %mul3A_32 = arith.muli %scan3A_29, %mul3A_31 : i32
      %add3A_33 = arith.addi %multiple_of3A, %mul3A_32 : i32
      "tpu.region"() ({
        %run_scoped3A = tpu.sem_alloc : memref<!tpu.dma_semaphore, #tpu.memory_space<semaphore_mem>>
        %dma_start3A = arith.constant 0 : i32
        %dma_start3A_49 = tpu.memref_slice %arg4[%add3A_33, %dma_start3A] : memref<2560x125xi32, #tpu.memory_space<hbm>> -> memref<16x125xi32, #tpu.memory_space<hbm>>
        %dma_start3A_50 = arith.constant 0 : i32
        %dma_start3A_51 = tpu.memref_slice %arg4[%add3A_33, %dma_start3A_50] : memref<2560x125xi32, #tpu.memory_space<hbm>> -> memref<16x125xi32, #tpu.memory_space<hbm>>
        tpu.enqueue_dma source(%dma_start3A_51 : memref<16x125xi32, #tpu.memory_space<hbm>>) target(%arg7 : memref<16x125xi32, #tpu.memory_space<vmem>>) target_semaphore(%run_scoped3A : memref<!tpu.dma_semaphore, #tpu.memory_space<semaphore_mem>>)
        %dma_wait3A = arith.constant 0 : i32
        %dma_wait3A_52 = tpu.memref_slice %arg4[%add3A_33, %dma_wait3A] : memref<2560x125xi32, #tpu.memory_space<hbm>> -> memref<16x125xi32, #tpu.memory_space<hbm>>
        %dma_wait3A_53 = arith.constant 0 : i32
        %dma_wait3A_54 = tpu.memref_slice %arg4[%add3A_33, %dma_wait3A_53] : memref<2560x125xi32, #tpu.memory_space<hbm>> -> memref<16x125xi32, #tpu.memory_space<hbm>>
        tpu.wait_dma2 semaphore(%run_scoped3A : memref<!tpu.dma_semaphore, #tpu.memory_space<semaphore_mem>>) src(%dma_wait3A_54 : memref<16x125xi32, #tpu.memory_space<hbm>>) dst(%arg7 : memref<16x125xi32, #tpu.memory_space<vmem>>)
        tpu.yield
      }) : () -> ()
      %mul3A_34 = arith.constant 16 : i32
      %mul3A_35 = arith.muli %scan3A_29, %mul3A_34 : i32
      %eq3A_36 = arith.constant 0 : i32
      %eq3A_37 = arith.cmpi eq, %scan3A_29, %eq3A_36 : i32
      %convert_element_type3A_38 = arith.extui %eq3A_37 : i1 to i32
      %cond3A_39 = arith.constant 0 : i32
      %cond3A_40 = arith.cmpi ne, %convert_element_type3A_38, %cond3A_39 : i32
      scf.if %cond3A_40 {
        %dma_start3A = arith.constant 0 : i32
        %dma_start3A_49 = arith.constant 0 : i32
        %dma_start3A_50 = tpu.memref_slice %arg6[%dma_start3A, %dma_start3A_49] : memref<80x125xi32, #tpu.memory_space<vmem>> -> memref<1x125xi32, #tpu.memory_space<vmem>>
        %dma_start3A_51 = tpu.memref_squeeze %dma_start3A_50 : memref<1x125xi32, #tpu.memory_space<vmem>> -> memref<125xi32, #tpu.memory_space<vmem>>
        %dma_start3A_52 = arith.constant 0 : i32
        %dma_start3A_53 = arith.constant 0 : i32
        %dma_start3A_54 = tpu.memref_slice %arg2[%dma_start3A_52, %dma_start3A_53] : memref<10000x128xf32, #tpu.memory_space<hbm>> -> memref<10000x128xf32, #tpu.memory_space<hbm>>
        tpu.enqueue_indirect_dma source(%dma_start3A_54 : memref<10000x128xf32, #tpu.memory_space<hbm>>) target(%arg8 : memref<125x128xf32, #tpu.memory_space<vmem>>) offsets(%dma_start3A_51 : memref<125xi32, #tpu.memory_space<vmem>>) semaphore(%arg11 : memref<!tpu.dma_semaphore, #tpu.memory_space<semaphore_mem>>)
      } else {
      }
      %scan3A_41 = arith.constant 0 : i32
      %scan3A_42 = arith.constant 0 : i32
      %scan3A_43 = arith.constant 8 : i32
      %scan3A_44 = arith.addi %scan3A_42, %scan3A_43 : i32
      %scan3A_45 = arith.constant 1 : i32
      %scan3A_46 = scf.for %scan3A_49 = %scan3A_42 to %scan3A_44 step %scan3A_45 iter_args(%scan3A_50 = %scan3A_41) -> (i32)  : i32 {
        %mul3A_51 = arith.constant 2 : i32
        %mul3A_52 = arith.muli %scan3A_49, %mul3A_51 : i32
        %add3A_53 = arith.addi %mul3A_35, %mul3A_52 : i32
        %mul3A_54 = arith.constant 2 : i32
        %mul3A_55 = arith.muli %scan3A_49, %mul3A_54 : i32
        %dma_wait3A = arith.constant 0 : i32
        %dma_wait3A_56 = tpu.memref_slice %arg6[%add3A_53, %dma_wait3A] : memref<80x125xi32, #tpu.memory_space<vmem>> -> memref<1x125xi32, #tpu.memory_space<vmem>>
        %dma_wait3A_57 = tpu.memref_squeeze %dma_wait3A_56 : memref<1x125xi32, #tpu.memory_space<vmem>> -> memref<125xi32, #tpu.memory_space<vmem>>
        %dma_wait3A_58 = arith.constant 0 : i32
        %dma_wait3A_59 = arith.constant 0 : i32
        %dma_wait3A_60 = tpu.memref_slice %arg2[%dma_wait3A_58, %dma_wait3A_59] : memref<10000x128xf32, #tpu.memory_space<hbm>> -> memref<10000x128xf32, #tpu.memory_space<hbm>>
        tpu.wait_indirect_dma semaphore(%arg11 : memref<!tpu.dma_semaphore, #tpu.memory_space<semaphore_mem>>) src(%dma_wait3A_60 : memref<10000x128xf32, #tpu.memory_space<hbm>>) dst(%arg8 : memref<125x128xf32, #tpu.memory_space<vmem>>)
        %add3A_61 = arith.constant 1 : i32
        %add3A_62 = arith.addi %add3A_53, %add3A_61 : i32
        %dma_start3A = arith.constant 0 : i32
        %dma_start3A_63 = tpu.memref_slice %arg6[%add3A_62, %dma_start3A] : memref<80x125xi32, #tpu.memory_space<vmem>> -> memref<1x125xi32, #tpu.memory_space<vmem>>
        %dma_start3A_64 = tpu.memref_squeeze %dma_start3A_63 : memref<1x125xi32, #tpu.memory_space<vmem>> -> memref<125xi32, #tpu.memory_space<vmem>>
        %dma_start3A_65 = arith.constant 0 : i32
        %dma_start3A_66 = arith.constant 0 : i32
        %dma_start3A_67 = tpu.memref_slice %arg2[%dma_start3A_65, %dma_start3A_66] : memref<10000x128xf32, #tpu.memory_space<hbm>> -> memref<10000x128xf32, #tpu.memory_space<hbm>>
        tpu.enqueue_indirect_dma source(%dma_start3A_67 : memref<10000x128xf32, #tpu.memory_space<hbm>>) target(%arg9 : memref<125x128xf32, #tpu.memory_space<vmem>>) offsets(%dma_start3A_64 : memref<125xi32, #tpu.memory_space<vmem>>) semaphore(%arg12 : memref<!tpu.dma_semaphore, #tpu.memory_space<semaphore_mem>>)
        "tpu.region"() ({
          %run_scoped3A = tpu.sem_alloc : memref<!tpu.dma_semaphore, #tpu.memory_space<semaphore_mem>>
          %dma_start3A_86 = arith.constant 0 : i32
          %dma_start3A_87 = tpu.memref_slice %arg7[%mul3A_55, %dma_start3A_86] : memref<16x125xi32, #tpu.memory_space<vmem>> -> memref<1x125xi32, #tpu.memory_space<vmem>>
          %dma_start3A_88 = tpu.memref_squeeze %dma_start3A_87 : memref<1x125xi32, #tpu.memory_space<vmem>> -> memref<125xi32, #tpu.memory_space<vmem>>
          %dma_start3A_89 = arith.constant 0 : i32
          %dma_start3A_90 = arith.constant 0 : i32
          %dma_start3A_91 = tpu.memref_slice %arg10[%dma_start3A_89, %dma_start3A_90] : memref<10000x128xf32, #tpu.memory_space<vmem_shared>> -> memref<10000x128xf32, #tpu.memory_space<vmem_shared>>
          tpu.enqueue_indirect_dma source(%arg8 : memref<125x128xf32, #tpu.memory_space<vmem>>) target(%dma_start3A_91 : memref<10000x128xf32, #tpu.memory_space<vmem_shared>>) offsets(%dma_start3A_88 : memref<125xi32, #tpu.memory_space<vmem>>) semaphore(%run_scoped3A : memref<!tpu.dma_semaphore, #tpu.memory_space<semaphore_mem>>) {add = true}
          %dma_wait3A_92 = arith.constant 0 : i32
          %dma_wait3A_93 = tpu.memref_slice %arg7[%mul3A_55, %dma_wait3A_92] : memref<16x125xi32, #tpu.memory_space<vmem>> -> memref<1x125xi32, #tpu.memory_space<vmem>>
          %dma_wait3A_94 = tpu.memref_squeeze %dma_wait3A_93 : memref<1x125xi32, #tpu.memory_space<vmem>> -> memref<125xi32, #tpu.memory_space<vmem>>
          %dma_wait3A_95 = arith.constant 0 : i32
          %dma_wait3A_96 = arith.constant 0 : i32
          %dma_wait3A_97 = tpu.memref_slice %arg10[%dma_wait3A_95, %dma_wait3A_96] : memref<10000x128xf32, #tpu.memory_space<vmem_shared>> -> memref<10000x128xf32, #tpu.memory_space<vmem_shared>>
          tpu.wait_indirect_dma semaphore(%run_scoped3A : memref<!tpu.dma_semaphore, #tpu.memory_space<semaphore_mem>>) src(%arg8 : memref<125x128xf32, #tpu.memory_space<vmem>>) dst(%dma_wait3A_97 : memref<10000x128xf32, #tpu.memory_space<vmem_shared>>)
          tpu.yield
        }) : () -> ()
        %add3A_68 = arith.constant 1 : i32
        %add3A_69 = arith.addi %add3A_53, %add3A_68 : i32
        %dma_wait3A_70 = arith.constant 0 : i32
        %dma_wait3A_71 = tpu.memref_slice %arg6[%add3A_69, %dma_wait3A_70] : memref<80x125xi32, #tpu.memory_space<vmem>> -> memref<1x125xi32, #tpu.memory_space<vmem>>
        %dma_wait3A_72 = tpu.memref_squeeze %dma_wait3A_71 : memref<1x125xi32, #tpu.memory_space<vmem>> -> memref<125xi32, #tpu.memory_space<vmem>>
        %dma_wait3A_73 = arith.constant 0 : i32
        %dma_wait3A_74 = arith.constant 0 : i32
        %dma_wait3A_75 = tpu.memref_slice %arg2[%dma_wait3A_73, %dma_wait3A_74] : memref<10000x128xf32, #tpu.memory_space<hbm>> -> memref<10000x128xf32, #tpu.memory_space<hbm>>
        tpu.wait_indirect_dma semaphore(%arg12 : memref<!tpu.dma_semaphore, #tpu.memory_space<semaphore_mem>>) src(%dma_wait3A_75 : memref<10000x128xf32, #tpu.memory_space<hbm>>) dst(%arg9 : memref<125x128xf32, #tpu.memory_space<vmem>>)
        %add3A_76 = arith.constant 2 : i32
        %add3A_77 = arith.addi %add3A_53, %add3A_76 : i32
        %lt3A_78 = arith.constant 80 : i32
        %lt3A_79 = arith.cmpi slt, %add3A_77, %lt3A_78 : i32
        %convert_element_type3A_80 = arith.extui %lt3A_79 : i1 to i32
        %cond3A_81 = arith.constant 0 : i32
        %cond3A_82 = arith.cmpi ne, %convert_element_type3A_80, %cond3A_81 : i32
        scf.if %cond3A_82 {
          %add3A_86 = arith.constant 2 : i32
          %add3A_87 = arith.addi %add3A_53, %add3A_86 : i32
          %dma_start3A_88 = arith.constant 0 : i32
          %dma_start3A_89 = tpu.memref_slice %arg6[%add3A_87, %dma_start3A_88] : memref<80x125xi32, #tpu.memory_space<vmem>> -> memref<1x125xi32, #tpu.memory_space<vmem>>
          %dma_start3A_90 = tpu.memref_squeeze %dma_start3A_89 : memref<1x125xi32, #tpu.memory_space<vmem>> -> memref<125xi32, #tpu.memory_space<vmem>>
          %dma_start3A_91 = arith.constant 0 : i32
          %dma_start3A_92 = arith.constant 0 : i32
          %dma_start3A_93 = tpu.memref_slice %arg2[%dma_start3A_91, %dma_start3A_92] : memref<10000x128xf32, #tpu.memory_space<hbm>> -> memref<10000x128xf32, #tpu.memory_space<hbm>>
          tpu.enqueue_indirect_dma source(%dma_start3A_93 : memref<10000x128xf32, #tpu.memory_space<hbm>>) target(%arg8 : memref<125x128xf32, #tpu.memory_space<vmem>>) offsets(%dma_start3A_90 : memref<125xi32, #tpu.memory_space<vmem>>) semaphore(%arg11 : memref<!tpu.dma_semaphore, #tpu.memory_space<semaphore_mem>>)
        } else {
        }
        %add3A_83 = arith.constant 1 : i32
        %add3A_84 = arith.addi %mul3A_55, %add3A_83 : i32
        "tpu.region"() ({
          %run_scoped3A = tpu.sem_alloc : memref<!tpu.dma_semaphore, #tpu.memory_space<semaphore_mem>>
          %dma_start3A_86 = arith.constant 0 : i32
          %dma_start3A_87 = tpu.memref_slice %arg7[%add3A_84, %dma_start3A_86] : memref<16x125xi32, #tpu.memory_space<vmem>> -> memref<1x125xi32, #tpu.memory_space<vmem>>
          %dma_start3A_88 = tpu.memref_squeeze %dma_start3A_87 : memref<1x125xi32, #tpu.memory_space<vmem>> -> memref<125xi32, #tpu.memory_space<vmem>>
          %dma_start3A_89 = arith.constant 0 : i32
          %dma_start3A_90 = arith.constant 0 : i32
          %dma_start3A_91 = tpu.memref_slice %arg10[%dma_start3A_89, %dma_start3A_90] : memref<10000x128xf32, #tpu.memory_space<vmem_shared>> -> memref<10000x128xf32, #tpu.memory_space<vmem_shared>>
          tpu.enqueue_indirect_dma source(%arg9 : memref<125x128xf32, #tpu.memory_space<vmem>>) target(%dma_start3A_91 : memref<10000x128xf32, #tpu.memory_space<vmem_shared>>) offsets(%dma_start3A_88 : memref<125xi32, #tpu.memory_space<vmem>>) semaphore(%run_scoped3A : memref<!tpu.dma_semaphore, #tpu.memory_space<semaphore_mem>>) {add = true}
          %dma_wait3A_92 = arith.constant 0 : i32
          %dma_wait3A_93 = tpu.memref_slice %arg7[%add3A_84, %dma_wait3A_92] : memref<16x125xi32, #tpu.memory_space<vmem>> -> memref<1x125xi32, #tpu.memory_space<vmem>>
          %dma_wait3A_94 = tpu.memref_squeeze %dma_wait3A_93 : memref<1x125xi32, #tpu.memory_space<vmem>> -> memref<125xi32, #tpu.memory_space<vmem>>
          %dma_wait3A_95 = arith.constant 0 : i32
          %dma_wait3A_96 = arith.constant 0 : i32
          %dma_wait3A_97 = tpu.memref_slice %arg10[%dma_wait3A_95, %dma_wait3A_96] : memref<10000x128xf32, #tpu.memory_space<vmem_shared>> -> memref<10000x128xf32, #tpu.memory_space<vmem_shared>>
          tpu.wait_indirect_dma semaphore(%run_scoped3A : memref<!tpu.dma_semaphore, #tpu.memory_space<semaphore_mem>>) src(%arg9 : memref<125x128xf32, #tpu.memory_space<vmem>>) dst(%dma_wait3A_97 : memref<10000x128xf32, #tpu.memory_space<vmem_shared>>)
          tpu.yield
        }) : () -> ()
        %scan3A_85 = arith.constant 0 : i32
        scf.yield %scan3A_85 : i32
      }
      %scan3A_47 = arith.constant 8 : i32
      %scan3A_48 = arith.constant 0 : i32
      scf.yield %scan3A_48 : i32
    }
    %scan3A_17 = arith.constant 5 : i32
    %barrier3A_18 = arith.constant 0 : index
    tpu.barrier barrier_id(%barrier3A_18)
    %lt3A_19 = arith.constant 15 : i32
    %lt3A_20 = arith.cmpi slt, %arg1, %lt3A_19 : i32
    %convert_element_type3A_21 = arith.extui %lt3A_20 : i1 to i32
    %cond3A_22 = arith.constant 0 : i32
    %cond3A_23 = arith.cmpi ne, %convert_element_type3A_21, %cond3A_22 : i32
    scf.if %cond3A_23 {
      "tpu.region"() ({
        %run_scoped3A = tpu.sem_alloc : memref<!tpu.dma_semaphore, #tpu.memory_space<semaphore_mem>>
        %dma_start3A = arith.constant 0 : i32
        %dma_start3A_29 = tpu.memref_slice %arg5[%arg0, %multiple_of3A_5, %dma_start3A] : memref<2x10000x128xf32, #tpu.memory_space<hbm>> -> memref<1x632x128xf32, #tpu.memory_space<hbm>>
        %dma_start3A_30 = tpu.memref_squeeze %dma_start3A_29 : memref<1x632x128xf32, #tpu.memory_space<hbm>> -> memref<632x128xf32, #tpu.memory_space<hbm>>
        %dma_start3A_31 = arith.constant 0 : i32
        %dma_start3A_32 = tpu.memref_slice %arg10[%multiple_of3A_5, %dma_start3A_31] : memref<10000x128xf32, #tpu.memory_space<vmem_shared>> -> memref<632x128xf32, #tpu.memory_space<vmem_shared>>
        tpu.enqueue_dma source(%dma_start3A_32 : memref<632x128xf32, #tpu.memory_space<vmem_shared>>) target(%dma_start3A_30 : memref<632x128xf32, #tpu.memory_space<hbm>>) target_semaphore(%run_scoped3A : memref<!tpu.dma_semaphore, #tpu.memory_space<semaphore_mem>>)
        %dma_wait3A = arith.constant 0 : i32
        %dma_wait3A_33 = tpu.memref_slice %arg5[%arg0, %multiple_of3A_5, %dma_wait3A] : memref<2x10000x128xf32, #tpu.memory_space<hbm>> -> memref<1x632x128xf32, #tpu.memory_space<hbm>>
        %dma_wait3A_34 = tpu.memref_squeeze %dma_wait3A_33 : memref<1x632x128xf32, #tpu.memory_space<hbm>> -> memref<632x128xf32, #tpu.memory_space<hbm>>
        %dma_wait3A_35 = arith.constant 0 : i32
        %dma_wait3A_36 = tpu.memref_slice %arg10[%multiple_of3A_5, %dma_wait3A_35] : memref<10000x128xf32, #tpu.memory_space<vmem_shared>> -> memref<632x128xf32, #tpu.memory_space<vmem_shared>>
        tpu.wait_dma2 semaphore(%run_scoped3A : memref<!tpu.dma_semaphore, #tpu.memory_space<semaphore_mem>>) src(%dma_wait3A_36 : memref<632x128xf32, #tpu.memory_space<vmem_shared>>) dst(%dma_wait3A_34 : memref<632x128xf32, #tpu.memory_space<hbm>>)
        tpu.yield
      }) : () -> ()
    } else {
    }
    %eq3A_24 = arith.constant 15 : i32
    %eq3A_25 = arith.cmpi eq, %arg1, %eq3A_24 : i32
    %convert_element_type3A_26 = arith.extui %eq3A_25 : i1 to i32
    %cond3A_27 = arith.constant 0 : i32
    %cond3A_28 = arith.cmpi ne, %convert_element_type3A_26, %cond3A_27 : i32
    scf.if %cond3A_28 {
      "tpu.region"() ({
        %run_scoped3A = tpu.sem_alloc : memref<!tpu.dma_semaphore, #tpu.memory_space<semaphore_mem>>
        %dma_start3A = arith.constant 9480 : i32
        %dma_start3A_29 = arith.constant 0 : i32
        %dma_start3A_30 = tpu.memref_slice %arg5[%arg0, %dma_start3A, %dma_start3A_29] : memref<2x10000x128xf32, #tpu.memory_space<hbm>> -> memref<1x520x128xf32, #tpu.memory_space<hbm>>
        %dma_start3A_31 = tpu.memref_squeeze %dma_start3A_30 : memref<1x520x128xf32, #tpu.memory_space<hbm>> -> memref<520x128xf32, #tpu.memory_space<hbm>>
        %dma_start3A_32 = arith.constant 9480 : i32
        %dma_start3A_33 = arith.constant 0 : i32
        %dma_start3A_34 = tpu.memref_slice %arg10[%dma_start3A_32, %dma_start3A_33] : memref<10000x128xf32, #tpu.memory_space<vmem_shared>> -> memref<520x128xf32, #tpu.memory_space<vmem_shared>>
        tpu.enqueue_dma source(%dma_start3A_34 : memref<520x128xf32, #tpu.memory_space<vmem_shared>>) target(%dma_start3A_31 : memref<520x128xf32, #tpu.memory_space<hbm>>) target_semaphore(%run_scoped3A : memref<!tpu.dma_semaphore, #tpu.memory_space<semaphore_mem>>)
        %dma_wait3A = arith.constant 9480 : i32
        %dma_wait3A_35 = arith.constant 0 : i32
        %dma_wait3A_36 = tpu.memref_slice %arg5[%arg0, %dma_wait3A, %dma_wait3A_35] : memref<2x10000x128xf32, #tpu.memory_space<hbm>> -> memref<1x520x128xf32, #tpu.memory_space<hbm>>
        %dma_wait3A_37 = tpu.memref_squeeze %dma_wait3A_36 : memref<1x520x128xf32, #tpu.memory_space<hbm>> -> memref<520x128xf32, #tpu.memory_space<hbm>>
        %dma_wait3A_38 = arith.constant 9480 : i32
        %dma_wait3A_39 = arith.constant 0 : i32
        %dma_wait3A_40 = tpu.memref_slice %arg10[%dma_wait3A_38, %dma_wait3A_39] : memref<10000x128xf32, #tpu.memory_space<vmem_shared>> -> memref<520x128xf32, #tpu.memory_space<vmem_shared>>
        tpu.wait_dma2 semaphore(%run_scoped3A : memref<!tpu.dma_semaphore, #tpu.memory_space<semaphore_mem>>) src(%dma_wait3A_40 : memref<520x128xf32, #tpu.memory_space<vmem_shared>>) dst(%dma_wait3A_37 : memref<520x128xf32, #tpu.memory_space<hbm>>)
        tpu.yield
      }) : () -> ()
    } else {
    }
    return
  }
}

module attributes {stable_mosaic.version = 14 : i64} {
  func.func @_matmul1_body(%arg0: i32, %arg1: memref<1000x128xf32, #tpu.memory_space<vmem>>, %arg2: memref<128x128xf32, #tpu.memory_space<vmem>>, %arg3: memref<1000x128xf32, #tpu.memory_space<vmem>>) attributes {dimension_semantics = [#tpu.dimension_semantics<arbitrary>], iteration_bounds = array<i64: 10>, scalar_prefetch = 0 : i64, scratch_operands = 0 : i64, tpu.core_type = #tpu.core_type<tc>, window_params = [{transform_indices = @transform_0, window_bounds = array<i64: 1000, 128>}, {pipeline_mode = #tpu.pipeline_mode<synchronous>, transform_indices = @transform_1, window_bounds = array<i64: 128, 128>}, {transform_indices = @transform_2, window_bounds = array<i64: 1000, 128>}]} {
    %get3A = arith.constant 0 : index
    %get3A_0 = arith.constant 0 : index
    %get3A_1 = vector.load %arg1[%get3A, %get3A_0] : memref<1000x128xf32, #tpu.memory_space<vmem>>, vector<1000x128xf32>
    %get3A_2 = arith.constant 0 : index
    %get3A_3 = arith.constant 0 : index
    %get3A_4 = vector.load %arg2[%get3A_2, %get3A_3] : memref<128x128xf32, #tpu.memory_space<vmem>>, vector<128x128xf32>
    %dot_general3A = arith.constant dense<0.000000e+00> : vector<1000x128xf32>
    %dot_general3A_5 = tpu.matmul %get3A_1, %get3A_4, %dot_general3A {dimension_numbers = #tpu.dot_dimension_numbers<[1], [0], [0], [1], [0, 0, 1, 1], [], []>, transpose_lhs_hint = false} : vector<1000x128xf32>, vector<128x128xf32>, vector<1000x128xf32> -> vector<1000x128xf32>
    %swap3A = arith.constant 0 : index
    %swap3A_6 = arith.constant 0 : index
    %swap3A_7 = vector.load %arg3[%swap3A, %swap3A_6] : memref<1000x128xf32, #tpu.memory_space<vmem>>, vector<1000x128xf32>
    tpu.vector_store %arg3[%swap3A, %swap3A_6], %dot_general3A_5 {strides = array<i32>} : memref<1000x128xf32, #tpu.memory_space<vmem>>, vector<1000x128xf32>,
    return
  }
  func.func @transform_0(%arg0: i32) -> (i32, i32) {
    %c0_i32 = arith.constant 0 : i32
    %c0_i32_0 = arith.constant 0 : i32
    return %arg0, %c0_i32 : i32, i32
  }
  func.func @transform_1(%arg0: i32) -> (i32, i32) {
    %c0_i32 = arith.constant 0 : i32
    %c0_i32_0 = arith.constant 0 : i32
    %c0_i32_1 = arith.constant 0 : i32
    return %c0_i32, %c0_i32_0 : i32, i32
  }
  func.func @transform_2(%arg0: i32) -> (i32, i32) {
    %c0_i32 = arith.constant 0 : i32
    %c0_i32_0 = arith.constant 0 : i32
    return %arg0, %c0_i32 : i32, i32
  }
}

module attributes {stable_mosaic.version = 14 : i64} {
  func.func @_scale_body(%arg0: i32, %arg1: memref<1000x128xf32, #tpu.memory_space<vmem>>, %arg2: memref<1000x1xf32, #tpu.memory_space<vmem>>, %arg3: memref<1000x128xf32, #tpu.memory_space<vmem>>) attributes {dimension_semantics = [#tpu.dimension_semantics<arbitrary>], iteration_bounds = array<i64: 10>, scalar_prefetch = 0 : i64, scratch_operands = 0 : i64, tpu.core_type = #tpu.core_type<tc>, window_params = [{transform_indices = @transform_0, window_bounds = array<i64: 1000, 128>}, {transform_indices = @transform_1, window_bounds = array<i64: 1000, 1>}, {transform_indices = @transform_2, window_bounds = array<i64: 1000, 128>}]} {
    %get3A = arith.constant 0 : index
    %get3A_0 = arith.constant 0 : index
    %get3A_1 = vector.load %arg1[%get3A, %get3A_0] : memref<1000x128xf32, #tpu.memory_space<vmem>>, vector<1000x128xf32>
    %get3A_2 = arith.constant 0 : index
    %get3A_3 = arith.constant 0 : index
    %get3A_4 = vector.load %arg2[%get3A_2, %get3A_3] : memref<1000x1xf32, #tpu.memory_space<vmem>>, vector<1000x1xf32>
    %mul3A = vector.broadcast %get3A_4 : vector<1000x1xf32> to vector<1000x128xf32>
    %mul3A_5 = arith.mulf %get3A_1, %mul3A : vector<1000x128xf32>
    %swap3A = arith.constant 0 : index
    %swap3A_6 = arith.constant 0 : index
    %swap3A_7 = vector.load %arg3[%swap3A, %swap3A_6] : memref<1000x128xf32, #tpu.memory_space<vmem>>, vector<1000x128xf32>
    tpu.vector_store %arg3[%swap3A, %swap3A_6], %mul3A_5 {strides = array<i32>} : memref<1000x128xf32, #tpu.memory_space<vmem>>, vector<1000x128xf32>,
    return
  }
  func.func @transform_0(%arg0: i32) -> (i32, i32) {
    %c0_i32 = arith.constant 0 : i32
    %c0_i32_0 = arith.constant 0 : i32
    return %arg0, %c0_i32 : i32, i32
  }
  func.func @transform_1(%arg0: i32) -> (i32, i32) {
    %c0_i32 = arith.constant 0 : i32
    %c0_i32_0 = arith.constant 0 : i32
    return %arg0, %c0_i32 : i32, i32
  }
  func.func @transform_2(%arg0: i32) -> (i32, i32) {
    %c0_i32 = arith.constant 0 : i32
    %c0_i32_0 = arith.constant 0 : i32
    return %arg0, %c0_i32 : i32, i32
  }
}

module attributes {stable_mosaic.version = 14 : i64} {
  func.func @_dense2_body(%arg0: i32, %arg1: memref<1x1000x128xf32, #tpu.memory_space<vmem>>, %arg2: memref<1x1000x128xf32, #tpu.memory_space<vmem>>, %arg3: memref<1000x128xf32, #tpu.memory_space<vmem>>, %arg4: memref<1000x1xf32, #tpu.memory_space<vmem>>, %arg5: memref<1x128xf32, #tpu.memory_space<vmem>>, %arg6: memref<128x128xf32, #tpu.memory_space<vmem>>, %arg7: memref<1000x128xf32, #tpu.memory_space<vmem>>) attributes {dimension_semantics = [#tpu.dimension_semantics<arbitrary>], iteration_bounds = array<i64: 10>, scalar_prefetch = 0 : i64, scratch_operands = 0 : i64, tpu.core_type = #tpu.core_type<tc>, window_params = [{transform_indices = @transform_0, window_bounds = array<i64: 1, 1000, 128>}, {transform_indices = @transform_1, window_bounds = array<i64: 1, 1000, 128>}, {transform_indices = @transform_2, window_bounds = array<i64: 1000, 128>}, {transform_indices = @transform_3, window_bounds = array<i64: 1000, 1>}, {pipeline_mode = #tpu.pipeline_mode<synchronous>, transform_indices = @transform_4, window_bounds = array<i64: 1, 128>}, {pipeline_mode = #tpu.pipeline_mode<synchronous>, transform_indices = @transform_5, window_bounds = array<i64: 128, 128>}, {transform_indices = @transform_6, window_bounds = array<i64: 1000, 128>}]} {
    %get3A = arith.constant 0 : index
    %get3A_0 = arith.constant 0 : index
    %get3A_1 = arith.constant 0 : index
    %get3A_2 = vector.load %arg1[%get3A, %get3A_0, %get3A_1] : memref<1x1000x128xf32, #tpu.memory_space<vmem>>, vector<1x1000x128xf32>
    %get3A_3 = vector.shape_cast %get3A_2 : vector<1x1000x128xf32> to vector<1000x128xf32>
    %get3A_4 = arith.constant 0 : index
    %get3A_5 = arith.constant 0 : index
    %get3A_6 = arith.constant 0 : index
    %get3A_7 = vector.load %arg2[%get3A_4, %get3A_5, %get3A_6] : memref<1x1000x128xf32, #tpu.memory_space<vmem>>, vector<1x1000x128xf32>
    %get3A_8 = vector.shape_cast %get3A_7 : vector<1x1000x128xf32> to vector<1000x128xf32>
    %add3A = arith.addf %get3A_3, %get3A_8 : vector<1000x128xf32>
    %get3A_9 = arith.constant 0 : index
    %get3A_10 = arith.constant 0 : index
    %get3A_11 = vector.load %arg3[%get3A_9, %get3A_10] : memref<1000x128xf32, #tpu.memory_space<vmem>>, vector<1000x128xf32>
    %sub3A = arith.subf %add3A, %get3A_11 : vector<1000x128xf32>
    %get3A_12 = arith.constant 0 : index
    %get3A_13 = arith.constant 0 : index
    %get3A_14 = vector.load %arg4[%get3A_12, %get3A_13] : memref<1000x1xf32, #tpu.memory_space<vmem>>, vector<1000x1xf32>
    %mul3A = vector.broadcast %get3A_14 : vector<1000x1xf32> to vector<1000x128xf32>
    %mul3A_15 = arith.mulf %mul3A, %sub3A : vector<1000x128xf32>
    %get3A_16 = arith.constant 0 : index
    %get3A_17 = arith.constant 0 : index
    %get3A_18 = vector.load %arg5[%get3A_16, %get3A_17] : memref<1x128xf32, #tpu.memory_space<vmem>>, vector<1x128xf32>
    %add3A_19 = vector.broadcast %get3A_18 : vector<1x128xf32> to vector<1000x128xf32>
    %add3A_20 = arith.addf %mul3A_15, %add3A_19 : vector<1000x128xf32>
    %max3A = arith.constant 0.000000e+00 : f32
    %max3A_21 = vector.broadcast %max3A : f32 to vector<1000x128xf32>
    %max3A_22 = arith.maximumf %add3A_20, %max3A_21 : vector<1000x128xf32>
    %get3A_23 = arith.constant 0 : index
    %get3A_24 = arith.constant 0 : index
    %get3A_25 = vector.load %arg6[%get3A_23, %get3A_24] : memref<128x128xf32, #tpu.memory_space<vmem>>, vector<128x128xf32>
    %dot_general3A = arith.constant dense<0.000000e+00> : vector<1000x128xf32>
    %dot_general3A_26 = tpu.matmul %max3A_22, %get3A_25, %dot_general3A {dimension_numbers = #tpu.dot_dimension_numbers<[1], [0], [0], [1], [0, 0, 1, 1], [], []>, transpose_lhs_hint = false} : vector<1000x128xf32>, vector<128x128xf32>, vector<1000x128xf32> -> vector<1000x128xf32>
    %get3A_27 = arith.constant 0 : index
    %get3A_28 = arith.constant 0 : index
    %get3A_29 = vector.load %arg4[%get3A_27, %get3A_28] : memref<1000x1xf32, #tpu.memory_space<vmem>>, vector<1000x1xf32>
    %mul3A_30 = vector.broadcast %get3A_29 : vector<1000x1xf32> to vector<1000x128xf32>
    %mul3A_31 = arith.mulf %dot_general3A_26, %mul3A_30 : vector<1000x128xf32>
    %swap3A = arith.constant 0 : index
    %swap3A_32 = arith.constant 0 : index
    %swap3A_33 = vector.load %arg7[%swap3A, %swap3A_32] : memref<1000x128xf32, #tpu.memory_space<vmem>>, vector<1000x128xf32>
    tpu.vector_store %arg7[%swap3A, %swap3A_32], %mul3A_31 {strides = array<i32>} : memref<1000x128xf32, #tpu.memory_space<vmem>>, vector<1000x128xf32>,
    return
  }
  func.func @transform_0(%arg0: i32) -> (i32, i32, i32) {
    %c0_i32 = arith.constant 0 : i32
    %c0_i32_0 = arith.constant 0 : i32
    %c0_i32_1 = arith.constant 0 : i32
    return %c0_i32, %arg0, %c0_i32_0 : i32, i32, i32
  }
  func.func @transform_1(%arg0: i32) -> (i32, i32, i32) {
    %c1_i32 = arith.constant 1 : i32
    %c0_i32 = arith.constant 0 : i32
    %c0_i32_0 = arith.constant 0 : i32
    return %c1_i32, %arg0, %c0_i32 : i32, i32, i32
  }
  func.func @transform_2(%arg0: i32) -> (i32, i32) {
    %c0_i32 = arith.constant 0 : i32
    %c0_i32_0 = arith.constant 0 : i32
    return %arg0, %c0_i32 : i32, i32
  }
  func.func @transform_3(%arg0: i32) -> (i32, i32) {
    %c0_i32 = arith.constant 0 : i32
    %c0_i32_0 = arith.constant 0 : i32
    return %arg0, %c0_i32 : i32, i32
  }
  func.func @transform_4(%arg0: i32) -> (i32, i32) {
    %c0_i32 = arith.constant 0 : i32
    %c0_i32_0 = arith.constant 0 : i32
    %c0_i32_1 = arith.constant 0 : i32
    return %c0_i32, %c0_i32_0 : i32, i32
  }
  func.func @transform_5(%arg0: i32) -> (i32, i32) {
    %c0_i32 = arith.constant 0 : i32
    %c0_i32_0 = arith.constant 0 : i32
    %c0_i32_1 = arith.constant 0 : i32
    return %c0_i32, %c0_i32_0 : i32, i32
  }
  func.func @transform_6(%arg0: i32) -> (i32, i32) {
    %c0_i32 = arith.constant 0 : i32
    %c0_i32_0 = arith.constant 0 : i32
    return %arg0, %c0_i32 : i32, i32
  }
}

module attributes {stable_mosaic.version = 14 : i64} {
  func.func @_dense3_body(%arg0: i32, %arg1: memref<1x1000x128xf32, #tpu.memory_space<vmem>>, %arg2: memref<1x1000x128xf32, #tpu.memory_space<vmem>>, %arg3: memref<1000x128xf32, #tpu.memory_space<vmem>>, %arg4: memref<1000x1xf32, #tpu.memory_space<vmem>>, %arg5: memref<1x128xf32, #tpu.memory_space<vmem>>, %arg6: memref<1x1x1000xi32, #tpu.memory_space<vmem>>, %arg7: memref<128x64xf32, #tpu.memory_space<vmem>>, %arg8: memref<1x64xf32, #tpu.memory_space<vmem>>, %arg9: memref<64x64xf32, #tpu.memory_space<vmem>>, %arg10: memref<64x128xf32, #tpu.memory_space<vmem>>, %arg11: memref<64x128xf32, #tpu.memory_space<vmem>>) attributes {dimension_semantics = [#tpu.dimension_semantics<arbitrary>], iteration_bounds = array<i64: 10>, scalar_prefetch = 0 : i64, scratch_operands = 2 : i64, tpu.core_type = #tpu.core_type<tc>, window_params = [{transform_indices = @transform_0, window_bounds = array<i64: 1, 1000, 128>}, {transform_indices = @transform_1, window_bounds = array<i64: 1, 1000, 128>}, {transform_indices = @transform_2, window_bounds = array<i64: 1000, 128>}, {transform_indices = @transform_3, window_bounds = array<i64: 1000, 1>}, {pipeline_mode = #tpu.pipeline_mode<synchronous>, transform_indices = @transform_4, window_bounds = array<i64: 1, 128>}, {transform_indices = @transform_5, window_bounds = array<i64: 1, 1, 1000>}, {pipeline_mode = #tpu.pipeline_mode<synchronous>, transform_indices = @transform_6, window_bounds = array<i64: 128, 64>}, {pipeline_mode = #tpu.pipeline_mode<synchronous>, transform_indices = @transform_7, window_bounds = array<i64: 1, 64>}, {pipeline_mode = #tpu.pipeline_mode<synchronous>, transform_indices = @transform_8, window_bounds = array<i64: 64, 64>}]} {
    %get3A = arith.constant 0 : index
    %get3A_0 = arith.constant 0 : index
    %get3A_1 = arith.constant 0 : index
    %get3A_2 = vector.load %arg1[%get3A, %get3A_0, %get3A_1] : memref<1x1000x128xf32, #tpu.memory_space<vmem>>, vector<1x1000x128xf32>
    %get3A_3 = vector.shape_cast %get3A_2 : vector<1x1000x128xf32> to vector<1000x128xf32>
    %get3A_4 = arith.constant 0 : index
    %get3A_5 = arith.constant 0 : index
    %get3A_6 = arith.constant 0 : index
    %get3A_7 = vector.load %arg2[%get3A_4, %get3A_5, %get3A_6] : memref<1x1000x128xf32, #tpu.memory_space<vmem>>, vector<1x1000x128xf32>
    %get3A_8 = vector.shape_cast %get3A_7 : vector<1x1000x128xf32> to vector<1000x128xf32>
    %add3A = arith.addf %get3A_3, %get3A_8 : vector<1000x128xf32>
    %get3A_9 = arith.constant 0 : index
    %get3A_10 = arith.constant 0 : index
    %get3A_11 = vector.load %arg3[%get3A_9, %get3A_10] : memref<1000x128xf32, #tpu.memory_space<vmem>>, vector<1000x128xf32>
    %sub3A = arith.subf %add3A, %get3A_11 : vector<1000x128xf32>
    %get3A_12 = arith.constant 0 : index
    %get3A_13 = arith.constant 0 : index
    %get3A_14 = vector.load %arg4[%get3A_12, %get3A_13] : memref<1000x1xf32, #tpu.memory_space<vmem>>, vector<1000x1xf32>
    %mul3A = vector.broadcast %get3A_14 : vector<1000x1xf32> to vector<1000x128xf32>
    %mul3A_15 = arith.mulf %mul3A, %sub3A : vector<1000x128xf32>
    %get3A_16 = arith.constant 0 : index
    %get3A_17 = arith.constant 0 : index
    %get3A_18 = vector.load %arg5[%get3A_16, %get3A_17] : memref<1x128xf32, #tpu.memory_space<vmem>>, vector<1x128xf32>
    %add3A_19 = vector.broadcast %get3A_18 : vector<1x128xf32> to vector<1000x128xf32>
    %add3A_20 = arith.addf %mul3A_15, %add3A_19 : vector<1000x128xf32>
    %max3A = arith.constant 0.000000e+00 : f32
    %max3A_21 = vector.broadcast %max3A : f32 to vector<1000x128xf32>
    %max3A_22 = arith.maximumf %add3A_20, %max3A_21 : vector<1000x128xf32>
    %get3A_23 = arith.constant 0 : index
    %get3A_24 = arith.constant 0 : index
    %get3A_25 = arith.constant 0 : index
    %get3A_26 = vector.load %arg6[%get3A_23, %get3A_24, %get3A_25] : memref<1x1x1000xi32, #tpu.memory_space<vmem>>, vector<1x1x1000xi32>
    %reshape3A = vector.shape_cast %get3A_26 : vector<1x1x1000xi32> to vector<1x1000xi32>
    %iota3A = tpu.iota {dimensions = array<i32: 0>} : vector<64x1000xi32>
    %eq3A = vector.broadcast %reshape3A : vector<1x1000xi32> to vector<64x1000xi32>
    %eq3A_27 = arith.cmpi eq, %iota3A, %eq3A : vector<64x1000xi32>
    %convert_element_type3A = arith.extui %eq3A_27 : vector<64x1000xi1> to vector<64x1000xi32>
    %convert_element_type3A_28 = arith.sitofp %convert_element_type3A : vector<64x1000xi32> to vector<64x1000xf32>
    %dot_general3A = arith.constant dense<0.000000e+00> : vector<64x128xf32>
    %dot_general3A_29 = tpu.matmul %convert_element_type3A_28, %max3A_22, %dot_general3A {dimension_numbers = #tpu.dot_dimension_numbers<[1], [0], [0], [1], [0, 0, 1, 1], [], []>, transpose_lhs_hint = false} : vector<64x1000xf32>, vector<1000x128xf32>, vector<64x128xf32> -> vector<64x128xf32>
    %broadcast_in_dim3A = arith.constant 1.000000e+00 : f32
    %broadcast_in_dim3A_30 = vector.broadcast %broadcast_in_dim3A : f32 to vector<1000x128xf32>
    %dot_general3A_31 = arith.constant dense<0.000000e+00> : vector<64x128xf32>
    %dot_general3A_32 = tpu.matmul %convert_element_type3A_28, %broadcast_in_dim3A_30, %dot_general3A_31 {dimension_numbers = #tpu.dot_dimension_numbers<[1], [0], [0], [1], [0, 0, 1, 1], [], []>, transpose_lhs_hint = false} : vector<64x1000xf32>, vector<1000x128xf32>, vector<64x128xf32> -> vector<64x128xf32>
    %eq3A_33 = arith.constant 0 : i32
    %eq3A_34 = arith.cmpi eq, %arg0, %eq3A_33 : i32
    %convert_element_type3A_35 = arith.extui %eq3A_34 : i1 to i32
    %cond3A = arith.constant 0 : i32
    %cond3A_36 = arith.cmpi ne, %convert_element_type3A_35, %cond3A : i32
    scf.if %cond3A_36 {
      %swap3A = arith.constant 0 : index
      %swap3A_46 = arith.constant 0 : index
      %swap3A_47 = vector.load %arg10[%swap3A, %swap3A_46] : memref<64x128xf32, #tpu.memory_space<vmem>>, vector<64x128xf32>
      tpu.vector_store %arg10[%swap3A, %swap3A_46], %dot_general3A_29 {strides = array<i32>} : memref<64x128xf32, #tpu.memory_space<vmem>>, vector<64x128xf32>,
      %swap3A_48 = arith.constant 0 : index
      %swap3A_49 = arith.constant 0 : index
      %swap3A_50 = vector.load %arg11[%swap3A_48, %swap3A_49] : memref<64x128xf32, #tpu.memory_space<vmem>>, vector<64x128xf32>
      tpu.vector_store %arg11[%swap3A_48, %swap3A_49], %dot_general3A_32 {strides = array<i32>} : memref<64x128xf32, #tpu.memory_space<vmem>>, vector<64x128xf32>,
    } else {
    }
    %gt3A = arith.constant 0 : i32
    %gt3A_37 = arith.cmpi sgt, %arg0, %gt3A : i32
    %convert_element_type3A_38 = arith.extui %gt3A_37 : i1 to i32
    %cond3A_39 = arith.constant 0 : i32
    %cond3A_40 = arith.cmpi ne, %convert_element_type3A_38, %cond3A_39 : i32
    scf.if %cond3A_40 {
      %get3A_46 = arith.constant 0 : index
      %get3A_47 = arith.constant 0 : index
      %get3A_48 = vector.load %arg10[%get3A_46, %get3A_47] : memref<64x128xf32, #tpu.memory_space<vmem>>, vector<64x128xf32>
      %add3A_49 = arith.addf %get3A_48, %dot_general3A_29 : vector<64x128xf32>
      %swap3A = arith.constant 0 : index
      %swap3A_50 = arith.constant 0 : index
      %swap3A_51 = vector.load %arg10[%swap3A, %swap3A_50] : memref<64x128xf32, #tpu.memory_space<vmem>>, vector<64x128xf32>
      tpu.vector_store %arg10[%swap3A, %swap3A_50], %add3A_49 {strides = array<i32>} : memref<64x128xf32, #tpu.memory_space<vmem>>, vector<64x128xf32>,
      %get3A_52 = arith.constant 0 : index
      %get3A_53 = arith.constant 0 : index
      %get3A_54 = vector.load %arg11[%get3A_52, %get3A_53] : memref<64x128xf32, #tpu.memory_space<vmem>>, vector<64x128xf32>
      %add3A_55 = arith.addf %get3A_54, %dot_general3A_32 : vector<64x128xf32>
      %swap3A_56 = arith.constant 0 : index
      %swap3A_57 = arith.constant 0 : index
      %swap3A_58 = vector.load %arg11[%swap3A_56, %swap3A_57] : memref<64x128xf32, #tpu.memory_space<vmem>>, vector<64x128xf32>
      tpu.vector_store %arg11[%swap3A_56, %swap3A_57], %add3A_55 {strides = array<i32>} : memref<64x128xf32, #tpu.memory_space<vmem>>, vector<64x128xf32>,
    } else {
    }
    %eq3A_41 = arith.constant 9 : i32
    %eq3A_42 = arith.cmpi eq, %arg0, %eq3A_41 : i32
    %convert_element_type3A_43 = arith.extui %eq3A_42 : i1 to i32
    %cond3A_44 = arith.constant 0 : i32
    %cond3A_45 = arith.cmpi ne, %convert_element_type3A_43, %cond3A_44 : i32
    scf.if %cond3A_45 {
      %get3A_46 = arith.constant 0 : index
      %get3A_47 = arith.constant 0 : index
      %get3A_48 = vector.load %arg10[%get3A_46, %get3A_47] : memref<64x128xf32, #tpu.memory_space<vmem>>, vector<64x128xf32>
      %get3A_49 = arith.constant 0 : index
      %get3A_50 = arith.constant 0 : index
      %get3A_51 = vector.load %arg11[%get3A_49, %get3A_50] : memref<64x128xf32, #tpu.memory_space<vmem>>, vector<64x128xf32>
      %max3A_52 = arith.constant 1.000000e+00 : f32
      %max3A_53 = vector.broadcast %max3A_52 : f32 to vector<64x128xf32>
      %max3A_54 = arith.maximumf %get3A_51, %max3A_53 : vector<64x128xf32>
      %div3A = arith.divf %get3A_48, %max3A_54 : vector<64x128xf32>
      %get3A_55 = arith.constant 0 : index
      %get3A_56 = arith.constant 0 : index
      %get3A_57 = vector.load %arg7[%get3A_55, %get3A_56] : memref<128x64xf32, #tpu.memory_space<vmem>>, vector<128x64xf32>
      %dot_general3A_58 = arith.constant dense<0.000000e+00> : vector<64x64xf32>
      %dot_general3A_59 = tpu.matmul %div3A, %get3A_57, %dot_general3A_58 {dimension_numbers = #tpu.dot_dimension_numbers<[1], [0], [0], [1], [0, 0, 1, 1], [], []>, transpose_lhs_hint = false} : vector<64x128xf32>, vector<128x64xf32>, vector<64x64xf32> -> vector<64x64xf32>
      %get3A_60 = arith.constant 0 : index
      %get3A_61 = arith.constant 0 : index
      %get3A_62 = vector.load %arg8[%get3A_60, %get3A_61] : memref<1x64xf32, #tpu.memory_space<vmem>>, vector<1x64xf32>
      %add3A_63 = vector.broadcast %get3A_62 : vector<1x64xf32> to vector<64x64xf32>
      %add3A_64 = arith.addf %dot_general3A_59, %add3A_63 : vector<64x64xf32>
      %swap3A = arith.constant 0 : index
      %swap3A_65 = arith.constant 0 : index
      %swap3A_66 = vector.load %arg9[%swap3A, %swap3A_65] : memref<64x64xf32, #tpu.memory_space<vmem>>, vector<64x64xf32>
      tpu.vector_store %arg9[%swap3A, %swap3A_65], %add3A_64 {strides = array<i32>} : memref<64x64xf32, #tpu.memory_space<vmem>>, vector<64x64xf32>,
    } else {
    }
    return
  }
  func.func @transform_0(%arg0: i32) -> (i32, i32, i32) {
    %c0_i32 = arith.constant 0 : i32
    %c0_i32_0 = arith.constant 0 : i32
    %c0_i32_1 = arith.constant 0 : i32
    return %c0_i32, %arg0, %c0_i32_0 : i32, i32, i32
  }
  func.func @transform_1(%arg0: i32) -> (i32, i32, i32) {
    %c1_i32 = arith.constant 1 : i32
    %c0_i32 = arith.constant 0 : i32
    %c0_i32_0 = arith.constant 0 : i32
    return %c1_i32, %arg0, %c0_i32 : i32, i32, i32
  }
  func.func @transform_2(%arg0: i32) -> (i32, i32) {
    %c0_i32 = arith.constant 0 : i32
    %c0_i32_0 = arith.constant 0 : i32
    return %arg0, %c0_i32 : i32, i32
  }
  func.func @transform_3(%arg0: i32) -> (i32, i32) {
    %c0_i32 = arith.constant 0 : i32
    %c0_i32_0 = arith.constant 0 : i32
    return %arg0, %c0_i32 : i32, i32
  }
  func.func @transform_4(%arg0: i32) -> (i32, i32) {
    %c0_i32 = arith.constant 0 : i32
    %c0_i32_0 = arith.constant 0 : i32
    %c0_i32_1 = arith.constant 0 : i32
    return %c0_i32, %c0_i32_0 : i32, i32
  }
  func.func @transform_5(%arg0: i32) -> (i32, i32, i32) {
    %c0_i32 = arith.constant 0 : i32
    %c0_i32_0 = arith.constant 0 : i32
    %c0_i32_1 = arith.constant 0 : i32
    return %arg0, %c0_i32, %c0_i32_0 : i32, i32, i32
  }
  func.func @transform_6(%arg0: i32) -> (i32, i32) {
    %c0_i32 = arith.constant 0 : i32
    %c0_i32_0 = arith.constant 0 : i32
    %c0_i32_1 = arith.constant 0 : i32
    return %c0_i32, %c0_i32_0 : i32, i32
  }
  func.func @transform_7(%arg0: i32) -> (i32, i32) {
    %c0_i32 = arith.constant 0 : i32
    %c0_i32_0 = arith.constant 0 : i32
    %c0_i32_1 = arith.constant 0 : i32
    return %c0_i32, %c0_i32_0 : i32, i32
  }
  func.func @transform_8(%arg0: i32) -> (i32, i32) {
    %c0_i32 = arith.constant 0 : i32
    %c0_i32_0 = arith.constant 0 : i32
    %c0_i32_1 = arith.constant 0 : i32
    return %c0_i32, %c0_i32_0 : i32, i32
  }
}

</mosaic_0001>

<sc_bundles>
// kernel: kernel.12.cloned.1.call-start
scs
__scs_entry_jumppad:
0x0: {  	(pc) =	sbr.rel $0x88, $3  }
0x1: {  	(tag) =	ssettag $0x0;
	lr =	simm.s32 $0x1  }
0x2: {  	[smem:$0x3F98] =	sst lr;
	_ =	strace $0xD0000000  }
0x3: {  	_ = 	snop  }
0x4: {  	_ = 	snop  }
0x5: {  	_ = 	snop  }
0x6: {  	_ = 	snop  }
0x7: {  	_ = 	snop  }
__scs_overlays_trampoline_lowered:
0x8: {  	[smem:$0x3FA7] =	sst s0  }
0x9: {  	[smem:$0x3FA8] =	sst s1  }
0xa: {  	[smem:$0x3FA9] =	sst s2  }
0xb: {  	[smem:$0x3FAA] =	sst s3  }
0xc: {  	[smem:$0x3FAB] =	sst s4  }
0xd: {  	[smem:$0x3FAC] =	sst s5  }
0xe: {  	[smem:$0x3FAD] =	sst s6  }
0xf: {  	[smem:$0x3FAE] =	sst s7  }
0x10: {  	[smem:$0x3FAF] =	sst s8  }
0x11: {  	[smem:$0x3FB0] =	sst s9;
	s0 =	simm.s32 @!p0 $0x0  }
0x12: {  	s1 =	sld [smem:$0x3F96];
	s0 =	simm.s32 @p0 $0x1  }
0x13: {  	[smem:$0x3FB1] =	sst s0;
	s0 =	simm.s32 @!p1 $0x0  }
0x14: {  	s2 =	sld [smem:$0x3F95];
	s0 =	simm.s32 @p1 $0x1  }
0x15: {  	[smem:$0x3FB2] =	sst s0;
	s0 =	simm.s32 @!p2 $0x0  }
0x16: {  	s3 =	sld [smem:$0x3FDB];
	s0 =	simm.s32 @p2 $0x1  }
0x17: {  	s4 =	simm.s32 $0x1BF5;
	[smem:$0x3FB4] =	sst s0  }
0x18: {  	s0 =	sld [smem:$0x3F97];
	_ =	swait.ge [sflag:s4], $0x0  }
0x19: {  	s7 =	sld [smem:$0x3F98]  }
0x1a: {  	s8 =	sadd.s32 $0xFFFFE003, lr  }
0x1b: {  	s9 =	sadd.s32 $0xFFFFFEF7, lr;
	s5 =	simm.s32 $0xFFFFFFFF;
	p2 =	slt.u32 s8, $0xFFFFF086  }
0x1c: {  	p1 =	slt.u32 s9, $0xF7A;
	s5 =	simm.s32 @!p2 $0x0  }
0x1d: {  	s5 =	simm.s32 @p1 $0x1;
	p0 =	seq.s32 s7, s2  }
0x1e: {  	s7 =	smul.u32 @!p0 $0xF7A, s2;
	p2 =	seq.s32 @!p0 s5, $0x0  }
0x1f: {  	s9 =	smul.u32 $0xF7A, s1;
	s8 =	simm.s32 @!p0 $0x1BF5;
	p2 =	por !p2, p0  }
0x20: {  	[sflag:s8] =	ssyncset.s32 @!p0 $0xFFFFF086;
	s6 =	sadd.s32 @!p0 s3, s7;
	s7 =	simm.s32 @!p0 $0x108  }
0x21: {  	s3 =	sadd.s32 s3, s9;
	s6 =	sadd.s32 @!p0 $0x88, s6;
	s7 =	simm.s32 @p2 $0x1082  }
0x22: {  	[simem:s7], [sflag:s8] =	dma.local @!p0 [hbm:s6], $0xF7A  }
0x23: {  	s9 =	sor.u32 $0xD0000000, s2;
	s6 =	simm.s32 $0x108;
	_ =	swait.ge @!p0 [sflag:s8], $0x0  }
0x24: {  	s3 =	sadd.s32 $0x88, s3;
	s6 =	simm.s32 @!p1 $0x1082;
	[sflag:s4] =	ssyncset.s32 $0xFFFFF086  }
0x25: {  	[simem:s6], [sflag:s4] =	dma.local [hbm:s3], $0xF7A  }
0x26: {  	[smem:$0x3F98] =	sst s1;
	(tag) =	ssettag s2;
	_ =	strace s9  }
0x27: {  	s1 =	sld [smem:$0x3FA8]  }
0x28: {  	s2 =	sld [smem:$0x3FA9]  }
0x29: {  	s4 =	sld [smem:$0x3FAB]  }
0x2a: {  	p0 =	seq.s32 s5, $0x0;
	s5 =	sld [smem:$0x3FAC]  }
0x2b: {  	s6 =	sld [smem:$0x3FAD]  }
0x2c: {  	s7 =	sld [smem:$0x3FAE]  }
0x2d: {  	s3 =	simm.s32 $0x108;
	s8 =	sld [smem:$0x3FAF]  }
0x2e: {  	s3 =	simm.s32 @!p0 $0x1082;
	s9 =	sld [smem:$0x3FB0]  }
0x2f: {  	lr =	sadd.s32 s0, s3;
	s0 =	sld [smem:$0x3FA7]  }
0x30: {  	s3 =	sld [smem:$0x3FAA]  }
0x31: {  	[smem:$0x3FB3] =	sst s10  }
0x32: {  	s10 =	sld [smem:$0x3FB1];
	_ =	sdelay $0x3  }
0x33: {  	p0 =	seq.s32 s10, $0x1;
	s10 =	sld [smem:$0x3FB3];
	_ =	sdelay $0x3  }
0x34: {  	[smem:$0x3FB3] =	sst s10  }
0x35: {  	s10 =	sld [smem:$0x3FB2];
	_ =	sdelay $0x3  }
0x36: {  	p1 =	seq.s32 s10, $0x1;
	s10 =	sld [smem:$0x3FB3];
	_ =	sdelay $0x3  }
0x37: {  	[smem:$0x3FB3] =	sst s10  }
0x38: {  	s10 =	sld [smem:$0x3FB4]  }
0x39: {  	_ = 	snop;
	(pc) =	sbr.ind lr, $3  }
0x3a: {  	_ = 	snop  }
0x3b: {  	_ = 	snop  }
0x3c: {  	p2 =	seq.s32 s10, $0x1;
	s10 =	sld [smem:$0x3FB3]  }
0x3d: {  	_ =	shalt  }
0x3e: {  	_ =	shalt  }
0x3f: {  	_ =	shalt  }
0x40: {  	_ =	shalt  }
0x41: {  	_ =	shalt  }
0x42: {  	_ =	shalt  }
0x43: {  	_ =	shalt  }
0x44: {  	_ =	shalt  }
0x45: {  	_ =	shalt  }
0x46: {  	_ =	shalt  }
0x47: {  	_ =	shalt  }
0x48: {  	_ =	shalt  }
0x49: {  	_ =	shalt  }
0x4a: {  	_ =	shalt  }
0x4b: {  	_ =	shalt  }
0x4c: {  	_ =	shalt  }
0x4d: {  	_ =	shalt  }
0x4e: {  	_ =	shalt  }
0x4f: {  	_ =	shalt  }
0x50: {  	_ =	shalt  }
0x51: {  	_ =	shalt  }
0x52: {  	_ =	shalt  }
0x53: {  	_ =	shalt  }
0x54: {  	_ =	shalt  }
0x55: {  	_ =	shalt  }
0x56: {  	_ =	shalt  }
0x57: {  	_ =	shalt  }
0x58: {  	_ =	shalt  }
0x59: {  	_ =	shalt  }
0x5a: {  	_ =	shalt  }
0x5b: {  	_ =	shalt  }
0x5c: {  	_ =	shalt  }
0x5d: {  	_ =	shalt  }
0x5e: {  	_ =	shalt  }
0x5f: {  	_ =	shalt  }
0x60: {  	_ =	shalt  }
0x61: {  	_ =	shalt  }
0x62: {  	_ =	shalt  }
0x63: {  	_ =	shalt  }
0x64: {  	_ =	shalt  }
0x65: {  	_ =	shalt  }
0x66: {  	_ =	shalt  }
0x67: {  	_ =	shalt  }
0x68: {  	_ =	shalt  }
0x69: {  	_ =	shalt  }
0x6a: {  	_ =	shalt  }
0x6b: {  	_ =	shalt  }
0x6c: {  	_ =	shalt  }
0x6d: {  	_ =	shalt  }
0x6e: {  	_ =	shalt  }
0x6f: {  	_ =	shalt  }
0x70: {  	_ =	shalt  }
0x71: {  	_ =	shalt  }
0x72: {  	_ =	shalt  }
0x73: {  	_ =	shalt  }
0x74: {  	_ =	shalt  }
0x75: {  	_ =	shalt  }
0x76: {  	_ =	shalt  }
0x77: {  	_ =	shalt  }
0x78: {  	_ =	shalt  }
0x79: {  	_ =	shalt  }
0x7a: {  	_ =	shalt  }
0x7b: {  	_ =	shalt  }
0x7c: {  	_ =	shalt  }
0x7d: {  	_ =	shalt  }
0x7e: {  	_ =	shalt  }
0x7f: {  	_ =	shalt  }
0x80: {  	_ =	shalt  }
0x81: {  	_ =	shalt  }
0x82: {  	_ =	shalt  }
0x83: {  	_ =	shalt  }
0x84: {  	_ =	shalt  }
0x85: {  	_ =	shalt  }
0x86: {  	_ =	shalt  }
0x87: {  	_ =	shalt  }
.Lfunc_end0:
.L_simem_size_0:
called_computation.1_lowered:
.L_overlay_start_0:
0x88: {  	s2 =	sld [smem:$0x3FD9]  }
0x89: {  	s3 =	sld [smem:$0x3FFE];
	_ =	sdelay $0x1  }
0x8a: {  	s1 =	srdreg.scid  }
0x8b: {  	s0 =	sand.u32 $0x1, s1  }
0x8c: {  	s16 =	sshll.u32 s0, $0xA;
	s2 =	sadd.s32 s3, s2  }
0x8d: {  	s2 =	sadd.s32 s2, s16  }
0x8e: {  	[smem:$0x3FBF] =	sst s2  }
0x8f: {  	_ = 	snop  }
0x90: {  	(tm) =	ssettm $0x1  }
0x91: {  	s17 =	sld [smem:$0x3FFB];
	_ =	sdelay $0x3  }
0x92: {  	_ =	strace s17  }
0x93: {  	s2 =	sld [smem:$0x3FFC];
	_ =	sdelay $0x3  }
0x94: {  	_ =	strace s2  }
0x95: {  	s2 =	sld [smem:$0x3FFD];
	_ =	sdelay $0x3  }
0x96: {  	_ =	strace s2  }
0x97: {  	_ =	strace $0x8FFFFFFF  }
0x98: {  	s18 =	sld [smem:$0x3FDB];
	_ =	sdelay $0x1  }
0x99: {  	s19 =	simm.s32 $_scs_section_size  }
0x9a: {  	s4 =	simm.s32 $_size__tile_overlayer_lowered;
	s5 =	simm.s32 $_tile_overlayer_lowered  }
0x9b: {  	s22 =	simm.s32 $0x1BFF;
	s21 =	sshll.u32 s5, $0x1;
	s2 =	sadd.s32 s19, s18  }
0x9c: {  	s6 =	simm.s32 $0x0;
	s20 =	sshll.u32 s4, $0x1;
	s4 =	sadd.s32 s21, s2  }
0x9d: {  	[timem:s6], [sflag:s22] =	dma.local [hbm:s4], s20  }
0x9e: {  	_ =	swait.ge [sflag:s22], s20  }
0x9f: {  	s3 =	ssub.s32 $0x0, s20;
	[sflag:s22] =	ssyncset.done $0x0  }
0xa0: {  	[sflag:s22] =	ssyncadd.s32 s3;
	_ =	sdelay $0x1  }
0xa1: {  	s23 =	simm.s32 $0x1B8B  }
0xa2: {  	_ =	swait.ge [sflag:s23], $0x1  }
0xa3: {  	[sflag:s23] =	ssyncset.done $0x0  }
0xa4: {  	s25 =	simm.s32 $0x1B8E;
	s24 =	sld [smem:$0x3FFE];
	[sflag:s23] =	ssyncadd.s32 $0xFFFFFFFF  }
0xa5: {  	s26 =	simm.s32 $execute0_lowered;
	[smem:$0x3FD2] =	sst s25  }
0xa6: {  	s4 =	sshll.u32 s26, $0x1;
	_ =	strace $0x80000049;
	[dreg:$0x1] =	wrdreg $0xFFFFFFFF  }
0xa7: {  	s28 =	simm.s32 $_size_execute0_lowered;
	s2 =	sadd.s32 s2, s4;
	[dreg:$0x0] =	wrdreg $0x0  }
0xa8: {  	s4 =	sshll.u32 s28, $0x1;
	[dreg:$0x2] =	wrdreg s2  }
0xa9: {  	[dreg:$0x3] =	wrdreg s4  }
0xaa: {  	[dreg:$0x4] =	wrdreg $0xC0  }
0xab: {  	_ =	task [dreg:s6], $0x5FFFF  }
0xac: {  	[dreg:$0x1] =	wrdreg $0xFFFFFFFF  }
0xad: {  	[dreg:$0x0] =	wrdreg $0x60  }
0xae: {  	[dreg:$0x2] =	wrdreg s24  }
0xaf: {  	[dreg:$0x3] =	wrdreg $0xB0000  }
0xb0: {  	[dreg:$0x4] =	wrdreg $0x9  }
0xb1: {  	_ =	task.clear_ibuf [dreg:s6], $0x5FFFF;
	_ =	strace $0x90000049  }
0xb2: {  	s29 =	simm.s32 $0x9;
	_ =	strace $0x8000004B  }
0xb3: {  	_ =	swait.ge [sflag:s29], $0x1  }
0xb4: {  	[sflag:s29] =	ssyncadd.s32 $0xFFFFFFFF  }
0xb5: {  	_ =	strace $0x9000004B  }
0xb6: {  	_ =	sfence  }
0xb7: {  	s30 =	sld [smem:$0x0];
	_ =	sdelay $0x2  }
0xb8: {  	s31 =	sshll.u32 s1, $0xD;
	s1 =	sshrl.u32 s1, $0x2  }
0xb9: {  	s3 =	sand.u32 $0x4000, s31;
	s1 =	sadd.s32 s1, s30  }
0xba: {  	s0 =	sor.u32 s3, s0;
	s1 =	sshll.u32 s1, $0x11  }
0xbb: {  	s0 =	sor.u32 s1, s0  }
0xbc: {  	s0 =	sadd.s32 $0x8F2B, s0  }
0xbd: {  	[sflag:s0] =	ssyncadd.remote.s32 $0x1  }
0xbe: {  	_ =	sfence.sel $0xFFFF  }
0xbf: {  	[dreg:$0x0] =	wrdreg $0xFFFFFFFF;
	(pc) =	sbr.abs _section_cstart, $3  }
0xc0: {  	[dreg:$0x1] =	wrdreg $0xFFFFFFFF  }
0xc1: {  	_ =	task.clear_ibuf [dreg:s6], $0x2FFFF;
	_ =	strace $0x9FFFFFFF  }
0xc2: {  	(tm) =	ssettm $0x7FFFFFFF  }
0xc3: {  	_ =	shalt  }
tec
execute0_lowered:
.L_overlay_start_1:
0x0: {  	(tag) =	ssettag $0x1  }
0x1: {  	s0 =	srdreg.scid;
	s6 =	rddreg [dreg:$0x0]  }
0x2: {  	s2 =	rddreg [dreg:$0x1];
	s3 =	simm.s32 $0x0;
	s5 =	sand.u32 $0x1, s0  }
0x3: {  	s0 =	stileid.u32;
	[smem:$0x7FF] =	sst s3;
	s1 =	sshll.u32 s5, $0x4  }
0x4: {  	s21 =	simm.s32 $0x2880;
	s4 =	sor.u32 s0, s1;
	s1 =	rddreg [dreg:$0x2]  }
0x5: {  	s22 =	simm.s32 $0x2900;
	_ =	strace $0x8000004A;
	[dreg:$0x3] =	wrdreg s21  }
0x6: {  	s23 =	simm.s32 $0x2980;
	s24 =	simm.s32 $0x2A00;
	[dreg:$0x4] =	wrdreg s22  }
0x7: {  	s25 =	simm.s32 $0x2A80;
	s26 =	simm.s32 $0x2B00;
	[dreg:$0x5] =	wrdreg s23  }
0x8: {  	s28 =	simm.s32 $0x2B80;
	s8 =	smul.u32 $0x5000, s5;
	[dreg:$0x6] =	wrdreg s24  }
0x9: {  	s29 =	simm.s32 $0x2C00;
	s9 =	smul.u32 $0x4F000, s0;
	[dreg:$0x7] =	wrdreg s25  }
0xa: {  	s30 =	simm.s32 $0x2C80;
	s10 =	smul.u32 $0x2780, s0;
	[dreg:$0x8] =	wrdreg s26  }
0xb: {  	s31 =	simm.s32 $0x2D00;
	s12 =	smul.u32 $0x138800, s5;
	[dreg:$0x9] =	wrdreg s28  }
0xc: {  	s14 =	sadd.s32 $0x47C00, s6;
	s13 =	smul.u32 $0x13C00, s0;
	[dreg:$0xa] =	wrdreg s29  }
0xd: {  	s16 =	ssub.s32 $0x2, s5;
	s20 =	smul.u32 $0x500, s0;
	[dreg:$0xb] =	wrdreg s30  }
0xe: {  	p0 =	seq.s32 s0, $0xF;
	s17 =	sshrl.u32 s16, $0x1;
	[dreg:$0xc] =	wrdreg s31  }
0xf: {  	s21 =	simm.s32 $0x2F00;
	s22 =	simm.s32 $0x2F80;
	s7 =	smul.u32 $0x500, s4  }
0x10: {  	s4 =	sadd.s32 $0x20A00, s6;
	s11 =	sadd.s32 s8, s6;
	s9 =	sshrl.u32 s9, $0x2  }
0x11: {  	s15 =	ssub.s32 s16, s17;
	s17 =	sadd.s32 $0x128400, s2;
	s18 =	sadd.s32 s13, s12  }
0x12: {  	s19 =	sshrl.u32 s12, $0x3;
	[dreg:$0x10] =	wrdreg s21;
	s21 =	simm.s32 $0x2  }
0x13: {  	[dreg:$0x11] =	wrdreg s22;
	s22 =	simm.s32 $0x0;
	s16 =	sadd.s32 s9, s2  }
0x14: {  	s5 =	sadd.s32 s4, s10;
	s8 =	sshrl.u32 s18, $0x3;
	s9 =	sadd.s32 s14, s19  }
0x15: {  	s10 =	smax.u32 s15, $0x1;
	s11 =	sadd.s32 s20, s11;
	s12 =	sshrl.u32 @p0 s17, $0x3  }
0x16: {  	s15 =	simm.s32 $0x3;
	s18 =	simm.s32 $0x2D80;
	s17 =	simm.s32 $0x1  }
0x17: {  	s19 =	simm.s32 $0x2E00;
	s20 =	simm.s32 $0x2E80;
	s7 =	sadd.s32 s7, s6  }
0x18: {  	s6 =	sadd.s32 $0x45A80, s6;
	s8 =	sadd.s32 s14, s8;
	s9 =	sadd.s32 $0x25080, s9  }
0x19: {  	s11 =	sadd.s32 $0xCA00, s11;
	s14 =	sshll.u32 @!p0 s0, $0x6;
	[dreg:$0xd] =	wrdreg s18  }
0x1a: {  	s18 =	simm.s32 $0x7D;
	[dreg:$0xe] =	wrdreg s19;
	s19 =	simm.s32 $0x7000  }
0x1b: {  	[dreg:$0xf] =	wrdreg s20;
	s20 =	simm.s32 $0x3000;
	s7 =	sadd.s32 $0x16A00, s7  }
0x1c: {  	s13 =	sor.u32 @!p0 $0x1C03, s14;
	s14 =	sshrl.u32 @!p0 s16, $0x3;
	s16 =	simm.s32 $0x2800  }
.LBB2_1:
0x1d: {  	s23 =	simm.s32 @p0 $0x1FC3  }
0x1e: {  	[spmem:s12], [sflag:s23] =	dma.local @p0 [hbm:s6], $0x2080  }
0x1f: {  	s23 =	simm.s32 @p0 $0x3  }
0x20: {  	_ =	swait.ge @p0 [sflag:s23], $0x2080  }
0x21: {  	[sflag:s23] =	ssyncset.done @p0 $0x0  }
0x22: {  	[sflag:s23] =	ssyncadd.s32 @p0 $0xFFFFDF80;
	s23 =	simm.s32 @!p0 $0x3  }
0x23: {  	[spmem:s14], [sflag:s13] =	dma.local @!p0 [hbm:s5], $0x2780  }
0x24: {  	_ =	swait.ge @!p0 [sflag:s23], $0x2780  }
0x25: {  	[sflag:s23] =	ssyncset.done @!p0 $0x0  }
0x26: {  	[sflag:s23] =	ssyncadd.s32 @!p0 $0xFFFFD880  }
0x27: {  	[tilespmem:s3], [sflag:$0x3] =	stream.linear.gather [hbm4b:s7+s3], $0x2800, $0x38;
	[tilespmem:$0x1E880] =	vst v63  }
0x28: {  	_ =	swait.ge [sflag:s15], $0x2800  }
0x29: {  	[sflag:s15] =	ssyncset.done $0x0  }
0x2a: {  	[sflag:s15] =	ssyncadd.s32 $0xFFFFD800  }
0x2b: {  	[bflag:$0x0] =	sbarrier.arrive $0xFFFF  }
0x2c: {  	[tilespmem:s16], [sflag:$0x3] =	stream.linear.gather [hbm4b:s11+s3], $0x800, $0x38;
	[tilespmem:$0x1E880] =	vst v63  }
0x2d: {  	p1 =	por $0x0, $0x0;
	_ =	swait.ge [sflag:s15], $0x800  }
0x2e: {  	s24 =	simm.s32 @!p1 $0x0;
	[sflag:s15] =	ssyncset.done $0x0  }
0x2f: {  	s25 =	simm.s32 @!p1 $0x3000;
	s23 =	simm.s32 @!p1 $0x7D;
	[sflag:s15] =	ssyncadd.s32 $0xFFFFF800  }
0x30: {  	[tilespmem:s25], [sflag:$0x1] =	stream.indirect.gather @!p1 [hbm4b:s4+s23], $0x80, s24, s23, $0xb8;
	[tilespmem:$0x1E880] =	vst v63  }
0x31: {  	_ =	swait.ge [sflag:s17], $0x3E80  }
0x32: {  	[sflag:s17] =	ssyncset.done $0x0  }
0x33: {  	s26 =	simm.s32 $0x80;
	[sflag:s17] =	ssyncadd.s32 $0xFFFFC180  }
0x34: {  	[tilespmem:s19], [sflag:$0x2] =	stream.indirect.gather [hbm4b:s4+s18], $0x80, s26, s18, $0xb8;
	[tilespmem:$0x1E880] =	vst v63  }
0x35: {  	_ = 	snop  }
0x36: {  	[spmem:s2] =	stream.indirect.scatter.add.f32 [tilespmem:s20], [sflag:$0x3], $0x80, s16, s18, $0xb8;
	[tilespmem:$0x1E880] =	vst v63  }
0x37: {  	_ =	swait.ge [sflag:s15], $0x3E80  }
0x38: {  	[sflag:s15] =	ssyncset.done $0x0  }
0x39: {  	[sflag:s15] =	ssyncadd.s32 $0xFFFFC180  }
0x3a: {  	_ =	swait.ge [sflag:s21], $0x3E80  }
0x3b: {  	[sflag:s21] =	ssyncset.done $0x0  }
0x3c: {  	s28 =	simm.s32 $0x100;
	[sflag:s21] =	ssyncadd.s32 $0xFFFFC180  }
0x3d: {  	[tilespmem:s20], [sflag:$0x1] =	stream.indirect.gather [hbm4b:s4+s18], $0x80, s28, s18, $0xb8;
	[tilespmem:$0x1E880] =	vst v63  }
0x3e: {  	s29 =	rddreg [dreg:$0x3]  }
0x3f: {  	[spmem:s2] =	stream.indirect.scatter.add.f32 [tilespmem:s19], [sflag:$0x3], $0x80, s29, s18, $0xb8;
	[tilespmem:$0x1E880] =	vst v63  }
0x40: {  	_ =	swait.ge [sflag:s15], $0x3E80  }
0x41: {  	[sflag:s15] =	ssyncset.done $0x0  }
0x42: {  	[sflag:s15] =	ssyncadd.s32 $0xFFFFC180  }
0x43: {  	_ =	swait.ge [sflag:s17], $0x3E80  }
0x44: {  	[sflag:s17] =	ssyncset.done $0x0  }
0x45: {  	s30 =	simm.s32 $0x180;
	[sflag:s17] =	ssyncadd.s32 $0xFFFFC180  }
0x46: {  	[tilespmem:s19], [sflag:$0x2] =	stream.indirect.gather [hbm4b:s4+s18], $0x80, s30, s18, $0xb8;
	[tilespmem:$0x1E880] =	vst v63  }
0x47: {  	s31 =	rddreg [dreg:$0x4]  }
0x48: {  	[spmem:s2] =	stream.indirect.scatter.add.f32 [tilespmem:s20], [sflag:$0x3], $0x80, s31, s18, $0xb8;
	[tilespmem:$0x1E880] =	vst v63  }
0x49: {  	_ =	swait.ge [sflag:s15], $0x3E80  }
0x4a: {  	[sflag:s15] =	ssyncset.done $0x0  }
0x4b: {  	[sflag:s15] =	ssyncadd.s32 $0xFFFFC180  }
0x4c: {  	_ =	swait.ge [sflag:s21], $0x3E80  }
0x4d: {  	[sflag:s21] =	ssyncset.done $0x0  }
0x4e: {  	s25 =	simm.s32 $0x200;
	[sflag:s21] =	ssyncadd.s32 $0xFFFFC180  }
0x4f: {  	[tilespmem:s20], [sflag:$0x1] =	stream.indirect.gather [hbm4b:s4+s18], $0x80, s25, s18, $0xb8;
	[tilespmem:$0x1E880] =	vst v63  }
0x50: {  	s26 =	rddreg [dreg:$0x5]  }
0x51: {  	[spmem:s2] =	stream.indirect.scatter.add.f32 [tilespmem:s19], [sflag:$0x3], $0x80, s26, s18, $0xb8;
	[tilespmem:$0x1E880] =	vst v63  }
0x52: {  	_ =	swait.ge [sflag:s15], $0x3E80  }
0x53: {  	[sflag:s15] =	ssyncset.done $0x0  }
0x54: {  	[sflag:s15] =	ssyncadd.s32 $0xFFFFC180  }
0x55: {  	_ =	swait.ge [sflag:s17], $0x3E80  }
0x56: {  	[sflag:s17] =	ssyncset.done $0x0  }
0x57: {  	s28 =	simm.s32 $0x280;
	[sflag:s17] =	ssyncadd.s32 $0xFFFFC180  }
0x58: {  	[tilespmem:s19], [sflag:$0x2] =	stream.indirect.gather [hbm4b:s4+s18], $0x80, s28, s18, $0xb8;
	[tilespmem:$0x1E880] =	vst v63  }
0x59: {  	s29 =	rddreg [dreg:$0x6]  }
0x5a: {  	[spmem:s2] =	stream.indirect.scatter.add.f32 [tilespmem:s20], [sflag:$0x3], $0x80, s29, s18, $0xb8;
	[tilespmem:$0x1E880] =	vst v63  }
0x5b: {  	_ =	swait.ge [sflag:s15], $0x3E80  }
0x5c: {  	[sflag:s15] =	ssyncset.done $0x0  }
0x5d: {  	[sflag:s15] =	ssyncadd.s32 $0xFFFFC180  }
0x5e: {  	_ =	swait.ge [sflag:s21], $0x3E80  }
0x5f: {  	[sflag:s21] =	ssyncset.done $0x0  }
0x60: {  	s30 =	simm.s32 $0x300;
	[sflag:s21] =	ssyncadd.s32 $0xFFFFC180  }
0x61: {  	[tilespmem:s20], [sflag:$0x1] =	stream.indirect.gather [hbm4b:s4+s18], $0x80, s30, s18, $0xb8;
	[tilespmem:$0x1E880] =	vst v63  }
0x62: {  	s31 =	rddreg [dreg:$0x7]  }
0x63: {  	[spmem:s2] =	stream.indirect.scatter.add.f32 [tilespmem:s19], [sflag:$0x3], $0x80, s31, s18, $0xb8;
	[tilespmem:$0x1E880] =	vst v63  }
0x64: {  	_ =	swait.ge [sflag:s15], $0x3E80  }
0x65: {  	[sflag:s15] =	ssyncset.done $0x0  }
0x66: {  	[sflag:s15] =	ssyncadd.s32 $0xFFFFC180  }
0x67: {  	_ =	swait.ge [sflag:s17], $0x3E80  }
0x68: {  	[sflag:s17] =	ssyncset.done $0x0  }
0x69: {  	s25 =	simm.s32 $0x380;
	[sflag:s17] =	ssyncadd.s32 $0xFFFFC180  }
0x6a: {  	[tilespmem:s19], [sflag:$0x2] =	stream.indirect.gather [hbm4b:s4+s18], $0x80, s25, s18, $0xb8;
	[tilespmem:$0x1E880] =	vst v63  }
0x6b: {  	s26 =	rddreg [dreg:$0x8]  }
0x6c: {  	[spmem:s2] =	stream.indirect.scatter.add.f32 [tilespmem:s20], [sflag:$0x3], $0x80, s26, s18, $0xb8;
	[tilespmem:$0x1E880] =	vst v63  }
0x6d: {  	_ =	swait.ge [sflag:s15], $0x3E80  }
0x6e: {  	[sflag:s15] =	ssyncset.done $0x0  }
0x6f: {  	[sflag:s15] =	ssyncadd.s32 $0xFFFFC180  }
0x70: {  	_ =	swait.ge [sflag:s21], $0x3E80  }
0x71: {  	[sflag:s21] =	ssyncset.done $0x0  }
0x72: {  	s28 =	simm.s32 $0x400;
	[sflag:s21] =	ssyncadd.s32 $0xFFFFC180  }
0x73: {  	[tilespmem:s20], [sflag:$0x1] =	stream.indirect.gather [hbm4b:s4+s18], $0x80, s28, s18, $0xb8;
	[tilespmem:$0x1E880] =	vst v63  }
0x74: {  	s29 =	rddreg [dreg:$0x9]  }
0x75: {  	[spmem:s2] =	stream.indirect.scatter.add.f32 [tilespmem:s19], [sflag:$0x3], $0x80, s29, s18, $0xb8;
	[tilespmem:$0x1E880] =	vst v63  }
0x76: {  	_ =	swait.ge [sflag:s15], $0x3E80  }
0x77: {  	[sflag:s15] =	ssyncset.done $0x0  }
0x78: {  	[sflag:s15] =	ssyncadd.s32 $0xFFFFC180  }
0x79: {  	_ =	swait.ge [sflag:s17], $0x3E80  }
0x7a: {  	[sflag:s17] =	ssyncset.done $0x0  }
0x7b: {  	s30 =	simm.s32 $0x480;
	[sflag:s17] =	ssyncadd.s32 $0xFFFFC180  }
0x7c: {  	[tilespmem:s19], [sflag:$0x2] =	stream.indirect.gather [hbm4b:s4+s18], $0x80, s30, s18, $0xb8;
	[tilespmem:$0x1E880] =	vst v63  }
0x7d: {  	s31 =	rddreg [dreg:$0xa]  }
0x7e: {  	[spmem:s2] =	stream.indirect.scatter.add.f32 [tilespmem:s20], [sflag:$0x3], $0x80, s31, s18, $0xb8;
	[tilespmem:$0x1E880] =	vst v63  }
0x7f: {  	_ =	swait.ge [sflag:s15], $0x3E80  }
0x80: {  	[sflag:s15] =	ssyncset.done $0x0  }
0x81: {  	[sflag:s15] =	ssyncadd.s32 $0xFFFFC180  }
0x82: {  	_ =	swait.ge [sflag:s21], $0x3E80  }
0x83: {  	[sflag:s21] =	ssyncset.done $0x0  }
0x84: {  	s25 =	simm.s32 $0x500;
	[sflag:s21] =	ssyncadd.s32 $0xFFFFC180  }
0x85: {  	[tilespmem:s20], [sflag:$0x1] =	stream.indirect.gather [hbm4b:s4+s18], $0x80, s25, s18, $0xb8;
	[tilespmem:$0x1E880] =	vst v63  }
0x86: {  	s26 =	rddreg [dreg:$0xb]  }
0x87: {  	[spmem:s2] =	stream.indirect.scatter.add.f32 [tilespmem:s19], [sflag:$0x3], $0x80, s26, s18, $0xb8;
	[tilespmem:$0x1E880] =	vst v63  }
0x88: {  	_ =	swait.ge [sflag:s15], $0x3E80  }
0x89: {  	[sflag:s15] =	ssyncset.done $0x0  }
0x8a: {  	[sflag:s15] =	ssyncadd.s32 $0xFFFFC180  }
0x8b: {  	_ =	swait.ge [sflag:s17], $0x3E80  }
0x8c: {  	[sflag:s17] =	ssyncset.done $0x0  }
0x8d: {  	s28 =	simm.s32 $0x580;
	[sflag:s17] =	ssyncadd.s32 $0xFFFFC180  }
0x8e: {  	[tilespmem:s19], [sflag:$0x2] =	stream.indirect.gather [hbm4b:s4+s18], $0x80, s28, s18, $0xb8;
	[tilespmem:$0x1E880] =	vst v63  }
0x8f: {  	s29 =	rddreg [dreg:$0xc]  }
0x90: {  	[spmem:s2] =	stream.indirect.scatter.add.f32 [tilespmem:s20], [sflag:$0x3], $0x80, s29, s18, $0xb8;
	[tilespmem:$0x1E880] =	vst v63  }
0x91: {  	_ =	swait.ge [sflag:s15], $0x3E80  }
0x92: {  	[sflag:s15] =	ssyncset.done $0x0  }
0x93: {  	[sflag:s15] =	ssyncadd.s32 $0xFFFFC180  }
0x94: {  	_ =	swait.ge [sflag:s21], $0x3E80  }
0x95: {  	[sflag:s21] =	ssyncset.done $0x0  }
0x96: {  	s30 =	simm.s32 $0x600;
	[sflag:s21] =	ssyncadd.s32 $0xFFFFC180  }
0x97: {  	[tilespmem:s20], [sflag:$0x1] =	stream.indirect.gather [hbm4b:s4+s18], $0x80, s30, s18, $0xb8;
	[tilespmem:$0x1E880] =	vst v63  }
0x98: {  	s31 =	rddreg [dreg:$0xd]  }
0x99: {  	[spmem:s2] =	stream.indirect.scatter.add.f32 [tilespmem:s19], [sflag:$0x3], $0x80, s31, s18, $0xb8;
	[tilespmem:$0x1E880] =	vst v63  }
0x9a: {  	_ =	swait.ge [sflag:s15], $0x3E80  }
0x9b: {  	[sflag:s15] =	ssyncset.done $0x0  }
0x9c: {  	[sflag:s15] =	ssyncadd.s32 $0xFFFFC180  }
0x9d: {  	_ =	swait.ge [sflag:s17], $0x3E80  }
0x9e: {  	[sflag:s17] =	ssyncset.done $0x0  }
0x9f: {  	s24 =	simm.s32 $0x680;
	[sflag:s17] =	ssyncadd.s32 $0xFFFFC180  }
0xa0: {  	[tilespmem:s19], [sflag:$0x2] =	stream.indirect.gather [hbm4b:s4+s18], $0x80, s24, s18, $0xb8;
	[tilespmem:$0x1E880] =	vst v63  }
0xa1: {  	s25 =	rddreg [dreg:$0xe]  }
0xa2: {  	[spmem:s2] =	stream.indirect.scatter.add.f32 [tilespmem:s20], [sflag:$0x3], $0x80, s25, s18, $0xb8;
	[tilespmem:$0x1E880] =	vst v63  }
0xa3: {  	_ =	swait.ge [sflag:s15], $0x3E80  }
0xa4: {  	[sflag:s15] =	ssyncset.done $0x0  }
0xa5: {  	[sflag:s15] =	ssyncadd.s32 $0xFFFFC180  }
0xa6: {  	_ =	swait.ge [sflag:s21], $0x3E80  }
0xa7: {  	[sflag:s21] =	ssyncset.done $0x0  }
0xa8: {  	s26 =	simm.s32 $0x700;
	[sflag:s21] =	ssyncadd.s32 $0xFFFFC180  }
0xa9: {  	[tilespmem:s20], [sflag:$0x1] =	stream.indirect.gather [hbm4b:s4+s18], $0x80, s26, s18, $0xb8;
	[tilespmem:$0x1E880] =	vst v63  }
0xaa: {  	s28 =	rddreg [dreg:$0xf]  }
0xab: {  	[spmem:s2] =	stream.indirect.scatter.add.f32 [tilespmem:s19], [sflag:$0x3], $0x80, s28, s18, $0xb8;
	[tilespmem:$0x1E880] =	vst v63  }
0xac: {  	_ =	swait.ge [sflag:s15], $0x3E80  }
0xad: {  	[sflag:s15] =	ssyncset.done $0x0  }
0xae: {  	[sflag:s15] =	ssyncadd.s32 $0xFFFFC180  }
0xaf: {  	_ =	swait.ge [sflag:s17], $0x3E80  }
0xb0: {  	[sflag:s17] =	ssyncset.done $0x0  }
0xb1: {  	s29 =	simm.s32 $0x780;
	[sflag:s17] =	ssyncadd.s32 $0xFFFFC180  }
0xb2: {  	[tilespmem:s19], [sflag:$0x2] =	stream.indirect.gather [hbm4b:s4+s18], $0x80, s29, s18, $0xb8;
	[tilespmem:$0x1E880] =	vst v63  }
0xb3: {  	s30 =	rddreg [dreg:$0x10]  }
0xb4: {  	[spmem:s2] =	stream.indirect.scatter.add.f32 [tilespmem:s20], [sflag:$0x3], $0x80, s30, s18, $0xb8;
	[tilespmem:$0x1E880] =	vst v63  }
0xb5: {  	_ =	swait.ge [sflag:s15], $0x3E80  }
0xb6: {  	[sflag:s15] =	ssyncset.done $0x0  }
0xb7: {  	[sflag:s15] =	ssyncadd.s32 $0xFFFFC180  }
0xb8: {  	p1 =	por $0x0, $0x0;
	_ =	swait.ge [sflag:s21], $0x3E80  }
0xb9: {  	s23 =	simm.s32 @!p1 $0x3000;
	[sflag:s21] =	ssyncset.done $0x0  }
0xba: {  	s24 =	simm.s32 @!p1 $0x800;
	s26 =	simm.s32 @!p1 $0x7D;
	[sflag:s21] =	ssyncadd.s32 $0xFFFFC180  }
0xbb: {  	[tilespmem:s23], [sflag:$0x1] =	stream.indirect.gather @!p1 [hbm4b:s4+s26], $0x80, s24, s26, $0xb8;
	[tilespmem:$0x1E880] =	vst v63  }
0xbc: {  	s25 =	sadd.s32 $0x100, s11;
	s31 =	rddreg [dreg:$0x11]  }
0xbd: {  	[spmem:s2] =	stream.indirect.scatter.add.f32 [tilespmem:s19], [sflag:$0x3], $0x80, s31, s18, $0xb8;
	[tilespmem:$0x1E880] =	vst v63  }
0xbe: {  	s23 =	simm.s32 $0xE;
	s24 =	simm.s32 $0x2000;
	_ =	swait.ge [sflag:s15], $0x3E80  }
.LBB2_2:
0xbf: {  	[sflag:s15] =	ssyncset.done $0x0  }
0xc0: {  	s26 =	smov.u32 s24;
	[sflag:s15] =	ssyncadd.s32 $0xFFFFC180  }
0xc1: {  	[tilespmem:s16], [sflag:$0x3] =	stream.linear.gather [hbm4b:s25+s3], $0x800, $0x38;
	[tilespmem:$0x1E880] =	vst v63  }
0xc2: {  	p2 =	sne.s32 s26, $0x0;
	_ =	swait.ge [sflag:s15], $0x800  }
0xc3: {  	s28 =	simm.s32 @!p2 $0x7D;
	[sflag:s15] =	ssyncset.done $0x0  }
0xc4: {  	s29 =	simm.s32 @!p2 $0x0;
	s30 =	simm.s32 @!p2 $0x3000;
	[sflag:s15] =	ssyncadd.s32 $0xFFFFF800  }
0xc5: {  	[tilespmem:s30], [sflag:$0x1] =	stream.indirect.gather @!p2 [hbm4b:s4+s28], $0x80, s29, s28, $0xb8;
	[tilespmem:$0x1E880] =	vst v63  }
0xc6: {  	_ =	swait.ge [sflag:s17], $0x3E80  }
0xc7: {  	s28 =	sshra.s32 s26, $0x2;
	[sflag:s17] =	ssyncset.done $0x0  }
0xc8: {  	s30 =	sadd.s32 $0x80, s28;
	[sflag:s17] =	ssyncadd.s32 $0xFFFFC180  }
0xc9: {  	[tilespmem:s19], [sflag:$0x2] =	stream.indirect.gather [hbm4b:s4+s18], $0x80, s30, s18, $0xb8;
	[tilespmem:$0x1E880] =	vst v63  }
0xca: {  	_ = 	snop  }
0xcb: {  	[spmem:s2] =	stream.indirect.scatter.add.f32 [tilespmem:s20], [sflag:$0x3], $0x80, s16, s18, $0xb8;
	[tilespmem:$0x1E880] =	vst v63  }
0xcc: {  	_ =	swait.ge [sflag:s15], $0x3E80  }
0xcd: {  	[sflag:s15] =	ssyncset.done $0x0  }
0xce: {  	[sflag:s15] =	ssyncadd.s32 $0xFFFFC180  }
0xcf: {  	_ =	swait.ge [sflag:s21], $0x3E80  }
0xd0: {  	[sflag:s21] =	ssyncset.done $0x0  }
0xd1: {  	s29 =	sadd.s32 $0x100, s28;
	[sflag:s21] =	ssyncadd.s32 $0xFFFFC180  }
0xd2: {  	[tilespmem:s20], [sflag:$0x1] =	stream.indirect.gather [hbm4b:s4+s18], $0x80, s29, s18, $0xb8;
	[tilespmem:$0x1E880] =	vst v63  }
0xd3: {  	s31 =	rddreg [dreg:$0x3]  }
0xd4: {  	[spmem:s2] =	stream.indirect.scatter.add.f32 [tilespmem:s19], [sflag:$0x3], $0x80, s31, s18, $0xb8;
	[tilespmem:$0x1E880] =	vst v63  }
0xd5: {  	_ =	swait.ge [sflag:s15], $0x3E80  }
0xd6: {  	[sflag:s15] =	ssyncset.done $0x0  }
0xd7: {  	[sflag:s15] =	ssyncadd.s32 $0xFFFFC180  }
0xd8: {  	_ =	swait.ge [sflag:s17], $0x3E80  }
0xd9: {  	[sflag:s17] =	ssyncset.done $0x0  }
0xda: {  	s29 =	sadd.s32 $0x180, s28;
	[sflag:s17] =	ssyncadd.s32 $0xFFFFC180  }
0xdb: {  	[tilespmem:s19], [sflag:$0x2] =	stream.indirect.gather [hbm4b:s4+s18], $0x80, s29, s18, $0xb8;
	[tilespmem:$0x1E880] =	vst v63  }
0xdc: {  	s31 =	rddreg [dreg:$0x4]  }
0xdd: {  	[spmem:s2] =	stream.indirect.scatter.add.f32 [tilespmem:s20], [sflag:$0x3], $0x80, s31, s18, $0xb8;
	[tilespmem:$0x1E880] =	vst v63  }
0xde: {  	_ =	swait.ge [sflag:s15], $0x3E80  }
0xdf: {  	[sflag:s15] =	ssyncset.done $0x0  }
0xe0: {  	[sflag:s15] =	ssyncadd.s32 $0xFFFFC180  }
0xe1: {  	_ =	swait.ge [sflag:s21], $0x3E80  }
0xe2: {  	[sflag:s21] =	ssyncset.done $0x0  }
0xe3: {  	s29 =	sadd.s32 $0x200, s28;
	[sflag:s21] =	ssyncadd.s32 $0xFFFFC180  }
0xe4: {  	[tilespmem:s20], [sflag:$0x1] =	stream.indirect.gather [hbm4b:s4+s18], $0x80, s29, s18, $0xb8;
	[tilespmem:$0x1E880] =	vst v63  }
0xe5: {  	s31 =	rddreg [dreg:$0x5]  }
0xe6: {  	[spmem:s2] =	stream.indirect.scatter.add.f32 [tilespmem:s19], [sflag:$0x3], $0x80, s31, s18, $0xb8;
	[tilespmem:$0x1E880] =	vst v63  }
0xe7: {  	_ =	swait.ge [sflag:s15], $0x3E80  }
0xe8: {  	[sflag:s15] =	ssyncset.done $0x0  }
0xe9: {  	[sflag:s15] =	ssyncadd.s32 $0xFFFFC180  }
0xea: {  	_ =	swait.ge [sflag:s17], $0x3E80  }
0xeb: {  	[sflag:s17] =	ssyncset.done $0x0  }
0xec: {  	s29 =	sadd.s32 $0x280, s28;
	[sflag:s17] =	ssyncadd.s32 $0xFFFFC180  }
0xed: {  	[tilespmem:s19], [sflag:$0x2] =	stream.indirect.gather [hbm4b:s4+s18], $0x80, s29, s18, $0xb8;
	[tilespmem:$0x1E880] =	vst v63  }
0xee: {  	s31 =	rddreg [dreg:$0x6]  }
0xef: {  	[spmem:s2] =	stream.indirect.scatter.add.f32 [tilespmem:s20], [sflag:$0x3], $0x80, s31, s18, $0xb8;
	[tilespmem:$0x1E880] =	vst v63  }
0xf0: {  	_ =	swait.ge [sflag:s15], $0x3E80  }
0xf1: {  	[sflag:s15] =	ssyncset.done $0x0  }
0xf2: {  	[sflag:s15] =	ssyncadd.s32 $0xFFFFC180  }
0xf3: {  	_ =	swait.ge [sflag:s21], $0x3E80  }
0xf4: {  	[sflag:s21] =	ssyncset.done $0x0  }
0xf5: {  	s29 =	sadd.s32 $0x300, s28;
	[sflag:s21] =	ssyncadd.s32 $0xFFFFC180  }
0xf6: {  	[tilespmem:s20], [sflag:$0x1] =	stream.indirect.gather [hbm4b:s4+s18], $0x80, s29, s18, $0xb8;
	[tilespmem:$0x1E880] =	vst v63  }
0xf7: {  	s31 =	rddreg [dreg:$0x7]  }
0xf8: {  	[spmem:s2] =	stream.indirect.scatter.add.f32 [tilespmem:s19], [sflag:$0x3], $0x80, s31, s18, $0xb8;
	[tilespmem:$0x1E880] =	vst v63  }
0xf9: {  	_ =	swait.ge [sflag:s15], $0x3E80  }
0xfa: {  	[sflag:s15] =	ssyncset.done $0x0  }
0xfb: {  	[sflag:s15] =	ssyncadd.s32 $0xFFFFC180  }
0xfc: {  	_ =	swait.ge [sflag:s17], $0x3E80  }
0xfd: {  	[sflag:s17] =	ssyncset.done $0x0  }
0xfe: {  	s29 =	sadd.s32 $0x380, s28;
	[sflag:s17] =	ssyncadd.s32 $0xFFFFC180  }
0xff: {  	[tilespmem:s19], [sflag:$0x2] =	stream.indirect.gather [hbm4b:s4+s18], $0x80, s29, s18, $0xb8;
	[tilespmem:$0x1E880] =	vst v63  }
0x100: {  	s31 =	rddreg [dreg:$0x8]  }
0x101: {  	[spmem:s2] =	stream.indirect.scatter.add.f32 [tilespmem:s20], [sflag:$0x3], $0x80, s31, s18, $0xb8;
	[tilespmem:$0x1E880] =	vst v63  }
0x102: {  	_ =	swait.ge [sflag:s15], $0x3E80  }
0x103: {  	[sflag:s15] =	ssyncset.done $0x0  }
0x104: {  	[sflag:s15] =	ssyncadd.s32 $0xFFFFC180  }
0x105: {  	_ =	swait.ge [sflag:s21], $0x3E80  }
0x106: {  	[sflag:s21] =	ssyncset.done $0x0  }
0x107: {  	s29 =	sadd.s32 $0x400, s28;
	[sflag:s21] =	ssyncadd.s32 $0xFFFFC180  }
0x108: {  	[tilespmem:s20], [sflag:$0x1] =	stream.indirect.gather [hbm4b:s4+s18], $0x80, s29, s18, $0xb8;
	[tilespmem:$0x1E880] =	vst v63  }
0x109: {  	s31 =	rddreg [dreg:$0x9]  }
0x10a: {  	[spmem:s2] =	stream.indirect.scatter.add.f32 [tilespmem:s19], [sflag:$0x3], $0x80, s31, s18, $0xb8;
	[tilespmem:$0x1E880] =	vst v63  }
0x10b: {  	_ =	swait.ge [sflag:s15], $0x3E80  }
0x10c: {  	[sflag:s15] =	ssyncset.done $0x0  }
0x10d: {  	[sflag:s15] =	ssyncadd.s32 $0xFFFFC180  }
0x10e: {  	_ =	swait.ge [sflag:s17], $0x3E80  }
0x10f: {  	[sflag:s17] =	ssyncset.done $0x0  }
0x110: {  	s29 =	sadd.s32 $0x480, s28;
	[sflag:s17] =	ssyncadd.s32 $0xFFFFC180  }
0x111: {  	[tilespmem:s19], [sflag:$0x2] =	stream.indirect.gather [hbm4b:s4+s18], $0x80, s29, s18, $0xb8;
	[tilespmem:$0x1E880] =	vst v63  }
0x112: {  	s31 =	rddreg [dreg:$0xa]  }
0x113: {  	[spmem:s2] =	stream.indirect.scatter.add.f32 [tilespmem:s20], [sflag:$0x3], $0x80, s31, s18, $0xb8;
	[tilespmem:$0x1E880] =	vst v63  }
0x114: {  	_ =	swait.ge [sflag:s15], $0x3E80  }
0x115: {  	[sflag:s15] =	ssyncset.done $0x0  }
0x116: {  	[sflag:s15] =	ssyncadd.s32 $0xFFFFC180  }
0x117: {  	_ =	swait.ge [sflag:s21], $0x3E80  }
0x118: {  	[sflag:s21] =	ssyncset.done $0x0  }
0x119: {  	s29 =	sadd.s32 $0x500, s28;
	[sflag:s21] =	ssyncadd.s32 $0xFFFFC180  }
0x11a: {  	[tilespmem:s20], [sflag:$0x1] =	stream.indirect.gather [hbm4b:s4+s18], $0x80, s29, s18, $0xb8;
	[tilespmem:$0x1E880] =	vst v63  }
0x11b: {  	s31 =	rddreg [dreg:$0xb]  }
0x11c: {  	[spmem:s2] =	stream.indirect.scatter.add.f32 [tilespmem:s19], [sflag:$0x3], $0x80, s31, s18, $0xb8;
	[tilespmem:$0x1E880] =	vst v63  }
0x11d: {  	_ =	swait.ge [sflag:s15], $0x3E80  }
0x11e: {  	[sflag:s15] =	ssyncset.done $0x0  }
0x11f: {  	[sflag:s15] =	ssyncadd.s32 $0xFFFFC180  }
0x120: {  	_ =	swait.ge [sflag:s17], $0x3E80  }
0x121: {  	[sflag:s17] =	ssyncset.done $0x0  }
0x122: {  	s29 =	sadd.s32 $0x580, s28;
	[sflag:s17] =	ssyncadd.s32 $0xFFFFC180  }
0x123: {  	[tilespmem:s19], [sflag:$0x2] =	stream.indirect.gather [hbm4b:s4+s18], $0x80, s29, s18, $0xb8;
	[tilespmem:$0x1E880] =	vst v63  }
0x124: {  	s31 =	rddreg [dreg:$0xc]  }
0x125: {  	[spmem:s2] =	stream.indirect.scatter.add.f32 [tilespmem:s20], [sflag:$0x3], $0x80, s31, s18, $0xb8;
	[tilespmem:$0x1E880] =	vst v63  }
0x126: {  	_ =	swait.ge [sflag:s15], $0x3E80  }
0x127: {  	[sflag:s15] =	ssyncset.done $0x0  }
0x128: {  	[sflag:s15] =	ssyncadd.s32 $0xFFFFC180  }
0x129: {  	_ =	swait.ge [sflag:s21], $0x3E80  }
0x12a: {  	[sflag:s21] =	ssyncset.done $0x0  }
0x12b: {  	s29 =	sadd.s32 $0x600, s28;
	[sflag:s21] =	ssyncadd.s32 $0xFFFFC180  }
0x12c: {  	[tilespmem:s20], [sflag:$0x1] =	stream.indirect.gather [hbm4b:s4+s18], $0x80, s29, s18, $0xb8;
	[tilespmem:$0x1E880] =	vst v63  }
0x12d: {  	s31 =	rddreg [dreg:$0xd]  }
0x12e: {  	[spmem:s2] =	stream.indirect.scatter.add.f32 [tilespmem:s19], [sflag:$0x3], $0x80, s31, s18, $0xb8;
	[tilespmem:$0x1E880] =	vst v63  }
0x12f: {  	_ =	swait.ge [sflag:s15], $0x3E80  }
0x130: {  	[sflag:s15] =	ssyncset.done $0x0  }
0x131: {  	[sflag:s15] =	ssyncadd.s32 $0xFFFFC180  }
0x132: {  	_ =	swait.ge [sflag:s17], $0x3E80  }
0x133: {  	[sflag:s17] =	ssyncset.done $0x0  }
0x134: {  	s29 =	sadd.s32 $0x680, s28;
	[sflag:s17] =	ssyncadd.s32 $0xFFFFC180  }
0x135: {  	[tilespmem:s19], [sflag:$0x2] =	stream.indirect.gather [hbm4b:s4+s18], $0x80, s29, s18, $0xb8;
	[tilespmem:$0x1E880] =	vst v63  }
0x136: {  	s31 =	rddreg [dreg:$0xe]  }
0x137: {  	[spmem:s2] =	stream.indirect.scatter.add.f32 [tilespmem:s20], [sflag:$0x3], $0x80, s31, s18, $0xb8;
	[tilespmem:$0x1E880] =	vst v63  }
0x138: {  	_ =	swait.ge [sflag:s15], $0x3E80  }
0x139: {  	[sflag:s15] =	ssyncset.done $0x0  }
0x13a: {  	[sflag:s15] =	ssyncadd.s32 $0xFFFFC180  }
0x13b: {  	_ =	swait.ge [sflag:s21], $0x3E80  }
0x13c: {  	[sflag:s21] =	ssyncset.done $0x0  }
0x13d: {  	s29 =	sadd.s32 $0x700, s28;
	[sflag:s21] =	ssyncadd.s32 $0xFFFFC180  }
0x13e: {  	[tilespmem:s20], [sflag:$0x1] =	stream.indirect.gather [hbm4b:s4+s18], $0x80, s29, s18, $0xb8;
	[tilespmem:$0x1E880] =	vst v63  }
0x13f: {  	s31 =	rddreg [dreg:$0xf]  }
0x140: {  	[spmem:s2] =	stream.indirect.scatter.add.f32 [tilespmem:s19], [sflag:$0x3], $0x80, s31, s18, $0xb8;
	[tilespmem:$0x1E880] =	vst v63  }
0x141: {  	_ =	swait.ge [sflag:s15], $0x3E80  }
0x142: {  	[sflag:s15] =	ssyncset.done $0x0  }
0x143: {  	[sflag:s15] =	ssyncadd.s32 $0xFFFFC180  }
0x144: {  	_ =	swait.ge [sflag:s17], $0x3E80  }
0x145: {  	[sflag:s17] =	ssyncset.done $0x0  }
0x146: {  	s28 =	sadd.s32 $0x780, s28;
	[sflag:s17] =	ssyncadd.s32 $0xFFFFC180  }
0x147: {  	[tilespmem:s19], [sflag:$0x2] =	stream.indirect.gather [hbm4b:s4+s18], $0x80, s28, s18, $0xb8;
	[tilespmem:$0x1E880] =	vst v63  }
0x148: {  	s30 =	rddreg [dreg:$0x10]  }
0x149: {  	[spmem:s2] =	stream.indirect.scatter.add.f32 [tilespmem:s20], [sflag:$0x3], $0x80, s30, s18, $0xb8;
	[tilespmem:$0x1E880] =	vst v63  }
0x14a: {  	_ =	swait.ge [sflag:s15], $0x3E80  }
0x14b: {  	s23 =	sadd.s32 $0x10, s23;
	[sflag:s15] =	ssyncset.done $0x0  }
0x14c: {  	s24 =	sadd.s32 $0x2000, s24;
	p2 =	sgt.u32 s23, $0x4D;
	[sflag:s15] =	ssyncadd.s32 $0xFFFFC180  }
0x14d: {  	p1 =	sne.s32 s24, $0xA000;
	s26 =	sshra.s32 @!p2 s26, $0x2;
	_ =	swait.ge [sflag:s21], $0x3E80  }
0x14e: {  	s26 =	sadd.s32 @!p2 $0x800, s26;
	s28 =	simm.s32 @!p2 $0x3000;
	[sflag:s21] =	ssyncset.done $0x0  }
.Ltmp0:
0x14f: {  	s30 =	simm.s32 @!p2 $0x7D;
	[sflag:s21] =	ssyncadd.s32 $0xFFFFC180;
	(pc) =	sbr.rel @p1 .LBB2_2-.Ltmp0, $4  }
0x150: {  	[tilespmem:s28], [sflag:$0x1] =	stream.indirect.gather @!p2 [hbm4b:s4+s30], $0x80, s26, s30, $0xb8;
	[tilespmem:$0x1E880] =	vst v63  }
0x151: {  	s31 =	rddreg [dreg:$0x11]  }
0x152: {  	[spmem:s2] =	stream.indirect.scatter.add.f32 [tilespmem:s19], [sflag:$0x3], $0x80, s31, s18, $0xb8;
	[tilespmem:$0x1E880] =	vst v63  }
0x153: {  	s25 =	sadd.s32 $0x100, s25;
	_ =	swait.ge [sflag:s15], $0x3E80  }
0x154: {  	[sflag:s15] =	ssyncset.done $0x0  }
0x155: {  	[sflag:s15] =	ssyncadd.s32 $0xFFFFC180  }
0x156: {  	s23 =	simm.s32 @p0 $0x1FC3;
	[bflag:$0x0] =	sbarrier.arrive $0xFFFF  }
0x157: {  	[hbm:s9], [sflag:s23] =	dma.local @p0 [spmem:s12], $0x2080  }
0x158: {  	s23 =	simm.s32 @p0 $0x3  }
0x159: {  	s22 =	sadd.s32 $0x1, s22;
	_ =	swait.ge @p0 [sflag:s23], $0x2080  }
0x15a: {  	p1 =	sne.s32 s22, s10;
	[sflag:s23] =	ssyncset.done @p0 $0x0  }
.Ltmp1:
0x15b: {  	[sflag:s23] =	ssyncadd.s32 @p0 $0xFFFFDF80;
	s23 =	simm.s32 @!p0 $0x3;
	(pc) =	sbr.rel @p1 .LBB2_1-.Ltmp1, $4  }
0x15c: {  	[hbm:s8], [sflag:s13] =	dma.local @!p0 [spmem:s14], $0x2780  }
0x15d: {  	_ =	swait.ge @!p0 [sflag:s23], $0x2780  }
0x15e: {  	[sflag:s23] =	ssyncset.done @!p0 $0x0  }
0x15f: {  	[sflag:s23] =	ssyncadd.s32 @!p0 $0xFFFFD880  }
0x160: {  	_ =	sfence.sel $0x180000  }
0x161: {  	[bflag:$0x0] =	sbarrier.arrive $0xFFFF  }
0x162: {  	p0 =	sne.s32 s0, $0x0;
	_ =	strace $0x9000004A  }
0x163: {  	s0 =	sadd.s32 @!p0 $0x100000, s1;
	[bflag:$0x2] =	sbarrier.arrive $0xFFFF  }
0x164: {  	[sflag:s0] =	ssyncadd.tile.s32 @!p0 $0x1;
	_ =	shalt  }
.Lfunc_end2:
_tile_overlayer_lowered:
.L_overlay_start_2:
0x165: {  	(tag) =	ssettag $0x2  }
0x166: {  	s0 =	rddreg [dreg:$0x0];
	s2 =	stileid.u32  }
0x167: {  	s1 =	rddreg [dreg:$0x1];
	p0 =	sne.s32 s2, $0x0  }
0x168: {  	s3 =	rddreg [dreg:$0x2];
	[bflag:$0x3] =	sbarrier.arrive $0xFFFF;
	s2 =	simm.s32 @!p0 $0x1C03  }
0x169: {  	[timem:s3], [sflag:s2] =	dma.local @!p0 [hbm:s0], s1  }
0x16a: {  	s0 =	simm.s32 @!p0 $0x3  }
0x16b: {  	_ =	swait.ge @!p0 [sflag:s0], s1  }
0x16c: {  	s1 =	ssub.s32 @!p0 $0x0, s1;
	[sflag:s0] =	ssyncset.done @!p0 $0x0  }
0x16d: {  	[sflag:s0] =	ssyncadd.s32 @!p0 s1  }
0x16e: {  	[bflag:$0x3] =	sbarrier.arrive $0xFFFF  }
0x16f: {  	_ =	shalt  }

// kernel: kernel.15.cloned.1.call-start
scs
__scs_entry_jumppad:
0x0: {  	(pc) =	sbr.rel $0x88, $3  }
0x1: {  	(tag) =	ssettag $0x0;
	lr =	simm.s32 $0x1  }
0x2: {  	[smem:$0x3F98] =	sst lr;
	_ =	strace $0xD0000000  }
0x3: {  	_ = 	snop  }
0x4: {  	_ = 	snop  }
0x5: {  	_ = 	snop  }
0x6: {  	_ = 	snop  }
0x7: {  	_ = 	snop  }
__scs_overlays_trampoline_lowered:
0x8: {  	[smem:$0x3FA7] =	sst s0  }
0x9: {  	[smem:$0x3FA8] =	sst s1  }
0xa: {  	[smem:$0x3FA9] =	sst s2  }
0xb: {  	[smem:$0x3FAA] =	sst s3  }
0xc: {  	[smem:$0x3FAB] =	sst s4  }
0xd: {  	[smem:$0x3FAC] =	sst s5  }
0xe: {  	[smem:$0x3FAD] =	sst s6  }
0xf: {  	[smem:$0x3FAE] =	sst s7  }
0x10: {  	[smem:$0x3FAF] =	sst s8  }
0x11: {  	[smem:$0x3FB0] =	sst s9;
	s0 =	simm.s32 @!p0 $0x0  }
0x12: {  	s1 =	sld [smem:$0x3F96];
	s0 =	simm.s32 @p0 $0x1  }
0x13: {  	[smem:$0x3FB1] =	sst s0;
	s0 =	simm.s32 @!p1 $0x0  }
0x14: {  	s2 =	sld [smem:$0x3F95];
	s0 =	simm.s32 @p1 $0x1  }
0x15: {  	[smem:$0x3FB2] =	sst s0;
	s0 =	simm.s32 @!p2 $0x0  }
0x16: {  	s3 =	sld [smem:$0x3FDB];
	s0 =	simm.s32 @p2 $0x1  }
0x17: {  	s4 =	simm.s32 $0x1BF5;
	[smem:$0x3FB4] =	sst s0  }
0x18: {  	s0 =	sld [smem:$0x3F97];
	_ =	swait.ge [sflag:s4], $0x0  }
0x19: {  	s7 =	sld [smem:$0x3F98]  }
0x1a: {  	s8 =	sadd.s32 $0xFFFFE003, lr  }
0x1b: {  	s9 =	sadd.s32 $0xFFFFFEF7, lr;
	s5 =	simm.s32 $0xFFFFFFFF;
	p2 =	slt.u32 s8, $0xFFFFF086  }
0x1c: {  	p1 =	slt.u32 s9, $0xF7A;
	s5 =	simm.s32 @!p2 $0x0  }
0x1d: {  	s5 =	simm.s32 @p1 $0x1;
	p0 =	seq.s32 s7, s2  }
0x1e: {  	s7 =	smul.u32 @!p0 $0xF7A, s2;
	p2 =	seq.s32 @!p0 s5, $0x0  }
0x1f: {  	s9 =	smul.u32 $0xF7A, s1;
	s8 =	simm.s32 @!p0 $0x1BF5;
	p2 =	por !p2, p0  }
0x20: {  	[sflag:s8] =	ssyncset.s32 @!p0 $0xFFFFF086;
	s6 =	sadd.s32 @!p0 s3, s7;
	s7 =	simm.s32 @!p0 $0x108  }
0x21: {  	s3 =	sadd.s32 s3, s9;
	s6 =	sadd.s32 @!p0 $0x88, s6;
	s7 =	simm.s32 @p2 $0x1082  }
0x22: {  	[simem:s7], [sflag:s8] =	dma.local @!p0 [hbm:s6], $0xF7A  }
0x23: {  	s9 =	sor.u32 $0xD0000000, s2;
	s6 =	simm.s32 $0x108;
	_ =	swait.ge @!p0 [sflag:s8], $0x0  }
0x24: {  	s3 =	sadd.s32 $0x88, s3;
	s6 =	simm.s32 @!p1 $0x1082;
	[sflag:s4] =	ssyncset.s32 $0xFFFFF086  }
0x25: {  	[simem:s6], [sflag:s4] =	dma.local [hbm:s3], $0xF7A  }
0x26: {  	[smem:$0x3F98] =	sst s1;
	(tag) =	ssettag s2;
	_ =	strace s9  }
0x27: {  	s1 =	sld [smem:$0x3FA8]  }
0x28: {  	s2 =	sld [smem:$0x3FA9]  }
0x29: {  	s4 =	sld [smem:$0x3FAB]  }
0x2a: {  	p0 =	seq.s32 s5, $0x0;
	s5 =	sld [smem:$0x3FAC]  }
0x2b: {  	s6 =	sld [smem:$0x3FAD]  }
0x2c: {  	s7 =	sld [smem:$0x3FAE]  }
0x2d: {  	s3 =	simm.s32 $0x108;
	s8 =	sld [smem:$0x3FAF]  }
0x2e: {  	s3 =	simm.s32 @!p0 $0x1082;
	s9 =	sld [smem:$0x3FB0]  }
0x2f: {  	lr =	sadd.s32 s0, s3;
	s0 =	sld [smem:$0x3FA7]  }
0x30: {  	s3 =	sld [smem:$0x3FAA]  }
0x31: {  	[smem:$0x3FB3] =	sst s10  }
0x32: {  	s10 =	sld [smem:$0x3FB1];
	_ =	sdelay $0x3  }
0x33: {  	p0 =	seq.s32 s10, $0x1;
	s10 =	sld [smem:$0x3FB3];
	_ =	sdelay $0x3  }
0x34: {  	[smem:$0x3FB3] =	sst s10  }
0x35: {  	s10 =	sld [smem:$0x3FB2];
	_ =	sdelay $0x3  }
0x36: {  	p1 =	seq.s32 s10, $0x1;
	s10 =	sld [smem:$0x3FB3];
	_ =	sdelay $0x3  }
0x37: {  	[smem:$0x3FB3] =	sst s10  }
0x38: {  	s10 =	sld [smem:$0x3FB4]  }
0x39: {  	_ = 	snop;
	(pc) =	sbr.ind lr, $3  }
0x3a: {  	_ = 	snop  }
0x3b: {  	_ = 	snop  }
0x3c: {  	p2 =	seq.s32 s10, $0x1;
	s10 =	sld [smem:$0x3FB3]  }
0x3d: {  	_ =	shalt  }
0x3e: {  	_ =	shalt  }
0x3f: {  	_ =	shalt  }
0x40: {  	_ =	shalt  }
0x41: {  	_ =	shalt  }
0x42: {  	_ =	shalt  }
0x43: {  	_ =	shalt  }
0x44: {  	_ =	shalt  }
0x45: {  	_ =	shalt  }
0x46: {  	_ =	shalt  }
0x47: {  	_ =	shalt  }
0x48: {  	_ =	shalt  }
0x49: {  	_ =	shalt  }
0x4a: {  	_ =	shalt  }
0x4b: {  	_ =	shalt  }
0x4c: {  	_ =	shalt  }
0x4d: {  	_ =	shalt  }
0x4e: {  	_ =	shalt  }
0x4f: {  	_ =	shalt  }
0x50: {  	_ =	shalt  }
0x51: {  	_ =	shalt  }
0x52: {  	_ =	shalt  }
0x53: {  	_ =	shalt  }
0x54: {  	_ =	shalt  }
0x55: {  	_ =	shalt  }
0x56: {  	_ =	shalt  }
0x57: {  	_ =	shalt  }
0x58: {  	_ =	shalt  }
0x59: {  	_ =	shalt  }
0x5a: {  	_ =	shalt  }
0x5b: {  	_ =	shalt  }
0x5c: {  	_ =	shalt  }
0x5d: {  	_ =	shalt  }
0x5e: {  	_ =	shalt  }
0x5f: {  	_ =	shalt  }
0x60: {  	_ =	shalt  }
0x61: {  	_ =	shalt  }
0x62: {  	_ =	shalt  }
0x63: {  	_ =	shalt  }
0x64: {  	_ =	shalt  }
0x65: {  	_ =	shalt  }
0x66: {  	_ =	shalt  }
0x67: {  	_ =	shalt  }
0x68: {  	_ =	shalt  }
0x69: {  	_ =	shalt  }
0x6a: {  	_ =	shalt  }
0x6b: {  	_ =	shalt  }
0x6c: {  	_ =	shalt  }
0x6d: {  	_ =	shalt  }
0x6e: {  	_ =	shalt  }
0x6f: {  	_ =	shalt  }
0x70: {  	_ =	shalt  }
0x71: {  	_ =	shalt  }
0x72: {  	_ =	shalt  }
0x73: {  	_ =	shalt  }
0x74: {  	_ =	shalt  }
0x75: {  	_ =	shalt  }
0x76: {  	_ =	shalt  }
0x77: {  	_ =	shalt  }
0x78: {  	_ =	shalt  }
0x79: {  	_ =	shalt  }
0x7a: {  	_ =	shalt  }
0x7b: {  	_ =	shalt  }
0x7c: {  	_ =	shalt  }
0x7d: {  	_ =	shalt  }
0x7e: {  	_ =	shalt  }
0x7f: {  	_ =	shalt  }
0x80: {  	_ =	shalt  }
0x81: {  	_ =	shalt  }
0x82: {  	_ =	shalt  }
0x83: {  	_ =	shalt  }
0x84: {  	_ =	shalt  }
0x85: {  	_ =	shalt  }
0x86: {  	_ =	shalt  }
0x87: {  	_ =	shalt  }
.Lfunc_end0:
.L_simem_size_0:
called_computation.2_lowered:
.L_overlay_start_0:
0x88: {  	s2 =	sld [smem:$0x3FD9]  }
0x89: {  	s3 =	sld [smem:$0x3FFE];
	_ =	sdelay $0x1  }
0x8a: {  	s1 =	srdreg.scid  }
0x8b: {  	s0 =	sand.u32 $0x1, s1  }
0x8c: {  	s16 =	sshll.u32 s0, $0xA;
	s2 =	sadd.s32 s3, s2  }
0x8d: {  	s2 =	sadd.s32 s2, s16  }
0x8e: {  	[smem:$0x3FBF] =	sst s2  }
0x8f: {  	_ = 	snop  }
0x90: {  	(tm) =	ssettm $0x1  }
0x91: {  	s17 =	sld [smem:$0x3FFB];
	_ =	sdelay $0x3  }
0x92: {  	_ =	strace s17  }
0x93: {  	s2 =	sld [smem:$0x3FFC];
	_ =	sdelay $0x3  }
0x94: {  	_ =	strace s2  }
0x95: {  	s2 =	sld [smem:$0x3FFD];
	_ =	sdelay $0x3  }
0x96: {  	_ =	strace s2  }
0x97: {  	_ =	strace $0x8FFFFFFF  }
0x98: {  	s18 =	sld [smem:$0x3FDB];
	_ =	sdelay $0x1  }
0x99: {  	s19 =	simm.s32 $_scs_section_size  }
0x9a: {  	s4 =	simm.s32 $_size__tile_overlayer_lowered;
	s5 =	simm.s32 $_tile_overlayer_lowered  }
0x9b: {  	s22 =	simm.s32 $0x1BFF;
	s21 =	sshll.u32 s5, $0x1;
	s2 =	sadd.s32 s19, s18  }
0x9c: {  	s6 =	simm.s32 $0x0;
	s20 =	sshll.u32 s4, $0x1;
	s4 =	sadd.s32 s21, s2  }
0x9d: {  	[timem:s6], [sflag:s22] =	dma.local [hbm:s4], s20  }
0x9e: {  	_ =	swait.ge [sflag:s22], s20  }
0x9f: {  	s3 =	ssub.s32 $0x0, s20;
	[sflag:s22] =	ssyncset.done $0x0  }
0xa0: {  	[sflag:s22] =	ssyncadd.s32 s3;
	_ =	sdelay $0x1  }
0xa1: {  	s23 =	simm.s32 $0x1B8B  }
0xa2: {  	_ =	swait.ge [sflag:s23], $0x1  }
0xa3: {  	[sflag:s23] =	ssyncset.done $0x0  }
0xa4: {  	s25 =	simm.s32 $0x1B8E;
	s24 =	sld [smem:$0x3FFE];
	[sflag:s23] =	ssyncadd.s32 $0xFFFFFFFF  }
0xa5: {  	s26 =	simm.s32 $execute0_lowered;
	[smem:$0x3FD2] =	sst s25  }
0xa6: {  	s4 =	sshll.u32 s26, $0x1;
	_ =	strace $0x8000004C;
	[dreg:$0x1] =	wrdreg $0xFFFFFFFF  }
0xa7: {  	s28 =	simm.s32 $_size_execute0_lowered;
	s2 =	sadd.s32 s2, s4;
	[dreg:$0x0] =	wrdreg $0x0  }
0xa8: {  	s4 =	sshll.u32 s28, $0x1;
	[dreg:$0x2] =	wrdreg s2  }
0xa9: {  	[dreg:$0x3] =	wrdreg s4  }
0xaa: {  	[dreg:$0x4] =	wrdreg $0xC0  }
0xab: {  	_ =	task [dreg:s6], $0x5FFFF  }
0xac: {  	[dreg:$0x1] =	wrdreg $0xFFFFFFFF  }
0xad: {  	[dreg:$0x0] =	wrdreg $0x60  }
0xae: {  	[dreg:$0x2] =	wrdreg s24  }
0xaf: {  	[dreg:$0x3] =	wrdreg $0xB0000  }
0xb0: {  	[dreg:$0x4] =	wrdreg $0x9  }
0xb1: {  	_ =	task.clear_ibuf [dreg:s6], $0x5FFFF;
	_ =	strace $0x9000004C  }
0xb2: {  	s29 =	simm.s32 $0x9;
	_ =	strace $0x8000004E  }
0xb3: {  	_ =	swait.ge [sflag:s29], $0x1  }
0xb4: {  	[sflag:s29] =	ssyncadd.s32 $0xFFFFFFFF  }
0xb5: {  	_ =	strace $0x9000004E  }
0xb6: {  	_ =	sfence  }
0xb7: {  	s30 =	sld [smem:$0x0];
	_ =	sdelay $0x2  }
0xb8: {  	s31 =	sshll.u32 s1, $0xD;
	s1 =	sshrl.u32 s1, $0x2  }
0xb9: {  	s3 =	sand.u32 $0x4000, s31;
	s1 =	sadd.s32 s1, s30  }
0xba: {  	s0 =	sor.u32 s3, s0;
	s1 =	sshll.u32 s1, $0x11  }
0xbb: {  	s0 =	sor.u32 s1, s0  }
0xbc: {  	s0 =	sadd.s32 $0x8F2B, s0  }
0xbd: {  	[sflag:s0] =	ssyncadd.remote.s32 $0x1  }
0xbe: {  	_ =	sfence.sel $0xFFFF  }
0xbf: {  	[dreg:$0x0] =	wrdreg $0xFFFFFFFF;
	(pc) =	sbr.abs _section_cstart, $3  }
0xc0: {  	[dreg:$0x1] =	wrdreg $0xFFFFFFFF  }
0xc1: {  	_ =	task.clear_ibuf [dreg:s6], $0x2FFFF;
	_ =	strace $0x9FFFFFFF  }
0xc2: {  	(tm) =	ssettm $0x7FFFFFFF  }
0xc3: {  	_ =	shalt  }
tec
execute0_lowered:
.L_overlay_start_1:
0x0: {  	(tag) =	ssettag $0x1  }
0x1: {  	s0 =	srdreg.scid;
	s6 =	rddreg [dreg:$0x0]  }
0x2: {  	s2 =	rddreg [dreg:$0x1];
	s3 =	simm.s32 $0x0;
	s5 =	sand.u32 $0x1, s0  }
0x3: {  	s0 =	stileid.u32;
	[smem:$0x7FF] =	sst s3;
	s1 =	sshll.u32 s5, $0x4  }
0x4: {  	s21 =	simm.s32 $0x2880;
	s4 =	sor.u32 s0, s1;
	s1 =	rddreg [dreg:$0x2]  }
0x5: {  	s22 =	simm.s32 $0x2900;
	_ =	strace $0x8000004D;
	[dreg:$0x3] =	wrdreg s21  }
0x6: {  	s23 =	simm.s32 $0x2980;
	s24 =	simm.s32 $0x2A00;
	[dreg:$0x4] =	wrdreg s22  }
0x7: {  	s25 =	simm.s32 $0x2A80;
	s26 =	simm.s32 $0x2B00;
	[dreg:$0x5] =	wrdreg s23  }
0x8: {  	s28 =	simm.s32 $0x2B80;
	s8 =	smul.u32 $0x5000, s5;
	[dreg:$0x6] =	wrdreg s24  }
0x9: {  	s29 =	simm.s32 $0x2C00;
	s9 =	smul.u32 $0x4F000, s0;
	[dreg:$0x7] =	wrdreg s25  }
0xa: {  	s30 =	simm.s32 $0x2C80;
	s10 =	smul.u32 $0x2780, s0;
	[dreg:$0x8] =	wrdreg s26  }
0xb: {  	s31 =	simm.s32 $0x2D00;
	s12 =	smul.u32 $0x138800, s5;
	[dreg:$0x9] =	wrdreg s28  }
0xc: {  	s14 =	sadd.s32 $0x47C00, s6;
	s13 =	smul.u32 $0x13C00, s0;
	[dreg:$0xa] =	wrdreg s29  }
0xd: {  	s16 =	ssub.s32 $0x2, s5;
	s20 =	smul.u32 $0x500, s0;
	[dreg:$0xb] =	wrdreg s30  }
0xe: {  	p0 =	seq.s32 s0, $0xF;
	s17 =	sshrl.u32 s16, $0x1;
	[dreg:$0xc] =	wrdreg s31  }
0xf: {  	s21 =	simm.s32 $0x2F00;
	s22 =	simm.s32 $0x2F80;
	s7 =	smul.u32 $0x500, s4  }
0x10: {  	s4 =	sadd.s32 $0x20A00, s6;
	s11 =	sadd.s32 s8, s6;
	s9 =	sshrl.u32 s9, $0x2  }
0x11: {  	s15 =	ssub.s32 s16, s17;
	s17 =	sadd.s32 $0x128400, s2;
	s18 =	sadd.s32 s13, s12  }
0x12: {  	s19 =	sshrl.u32 s12, $0x3;
	[dreg:$0x10] =	wrdreg s21;
	s21 =	simm.s32 $0x2  }
0x13: {  	[dreg:$0x11] =	wrdreg s22;
	s22 =	simm.s32 $0x0;
	s16 =	sadd.s32 s9, s2  }
0x14: {  	s5 =	sadd.s32 s4, s10;
	s8 =	sshrl.u32 s18, $0x3;
	s9 =	sadd.s32 s14, s19  }
0x15: {  	s10 =	smax.u32 s15, $0x1;
	s11 =	sadd.s32 s20, s11;
	s12 =	sshrl.u32 @p0 s17, $0x3  }
0x16: {  	s15 =	simm.s32 $0x3;
	s18 =	simm.s32 $0x2D80;
	s17 =	simm.s32 $0x1  }
0x17: {  	s19 =	simm.s32 $0x2E00;
	s20 =	simm.s32 $0x2E80;
	s7 =	sadd.s32 s7, s6  }
0x18: {  	s6 =	sadd.s32 $0x45A80, s6;
	s8 =	sadd.s32 s14, s8;
	s9 =	sadd.s32 $0x25080, s9  }
0x19: {  	s11 =	sadd.s32 $0xCA00, s11;
	s14 =	sshll.u32 @!p0 s0, $0x6;
	[dreg:$0xd] =	wrdreg s18  }
0x1a: {  	s18 =	simm.s32 $0x7D;
	[dreg:$0xe] =	wrdreg s19;
	s19 =	simm.s32 $0x7000  }
0x1b: {  	[dreg:$0xf] =	wrdreg s20;
	s20 =	simm.s32 $0x3000;
	s7 =	sadd.s32 $0x16A00, s7  }
0x1c: {  	s13 =	sor.u32 @!p0 $0x1C03, s14;
	s14 =	sshrl.u32 @!p0 s16, $0x3;
	s16 =	simm.s32 $0x2800  }
.LBB2_1:
0x1d: {  	s23 =	simm.s32 @p0 $0x1FC3  }
0x1e: {  	[spmem:s12], [sflag:s23] =	dma.local @p0 [hbm:s6], $0x2080  }
0x1f: {  	s23 =	simm.s32 @p0 $0x3  }
0x20: {  	_ =	swait.ge @p0 [sflag:s23], $0x2080  }
0x21: {  	[sflag:s23] =	ssyncset.done @p0 $0x0  }
0x22: {  	[sflag:s23] =	ssyncadd.s32 @p0 $0xFFFFDF80;
	s23 =	simm.s32 @!p0 $0x3  }
0x23: {  	[spmem:s14], [sflag:s13] =	dma.local @!p0 [hbm:s5], $0x2780  }
0x24: {  	_ =	swait.ge @!p0 [sflag:s23], $0x2780  }
0x25: {  	[sflag:s23] =	ssyncset.done @!p0 $0x0  }
0x26: {  	[sflag:s23] =	ssyncadd.s32 @!p0 $0xFFFFD880  }
0x27: {  	[tilespmem:s3], [sflag:$0x3] =	stream.linear.gather [hbm4b:s7+s3], $0x2800, $0x38;
	[tilespmem:$0x1E880] =	vst v63  }
0x28: {  	_ =	swait.ge [sflag:s15], $0x2800  }
0x29: {  	[sflag:s15] =	ssyncset.done $0x0  }
0x2a: {  	[sflag:s15] =	ssyncadd.s32 $0xFFFFD800  }
0x2b: {  	[bflag:$0x0] =	sbarrier.arrive $0xFFFF  }
0x2c: {  	[tilespmem:s16], [sflag:$0x3] =	stream.linear.gather [hbm4b:s11+s3], $0x800, $0x38;
	[tilespmem:$0x1E880] =	vst v63  }
0x2d: {  	p1 =	por $0x0, $0x0;
	_ =	swait.ge [sflag:s15], $0x800  }
0x2e: {  	s24 =	simm.s32 @!p1 $0x0;
	[sflag:s15] =	ssyncset.done $0x0  }
0x2f: {  	s25 =	simm.s32 @!p1 $0x3000;
	s23 =	simm.s32 @!p1 $0x7D;
	[sflag:s15] =	ssyncadd.s32 $0xFFFFF800  }
0x30: {  	[tilespmem:s25], [sflag:$0x1] =	stream.indirect.gather @!p1 [hbm4b:s4+s23], $0x80, s24, s23, $0xb8;
	[tilespmem:$0x1E880] =	vst v63  }
0x31: {  	_ =	swait.ge [sflag:s17], $0x3E80  }
0x32: {  	[sflag:s17] =	ssyncset.done $0x0  }
0x33: {  	s26 =	simm.s32 $0x80;
	[sflag:s17] =	ssyncadd.s32 $0xFFFFC180  }
0x34: {  	[tilespmem:s19], [sflag:$0x2] =	stream.indirect.gather [hbm4b:s4+s18], $0x80, s26, s18, $0xb8;
	[tilespmem:$0x1E880] =	vst v63  }
0x35: {  	_ = 	snop  }
0x36: {  	[spmem:s2] =	stream.indirect.scatter.add.f32 [tilespmem:s20], [sflag:$0x3], $0x80, s16, s18, $0xb8;
	[tilespmem:$0x1E880] =	vst v63  }
0x37: {  	_ =	swait.ge [sflag:s15], $0x3E80  }
0x38: {  	[sflag:s15] =	ssyncset.done $0x0  }
0x39: {  	[sflag:s15] =	ssyncadd.s32 $0xFFFFC180  }
0x3a: {  	_ =	swait.ge [sflag:s21], $0x3E80  }
0x3b: {  	[sflag:s21] =	ssyncset.done $0x0  }
0x3c: {  	s28 =	simm.s32 $0x100;
	[sflag:s21] =	ssyncadd.s32 $0xFFFFC180  }
0x3d: {  	[tilespmem:s20], [sflag:$0x1] =	stream.indirect.gather [hbm4b:s4+s18], $0x80, s28, s18, $0xb8;
	[tilespmem:$0x1E880] =	vst v63  }
0x3e: {  	s29 =	rddreg [dreg:$0x3]  }
0x3f: {  	[spmem:s2] =	stream.indirect.scatter.add.f32 [tilespmem:s19], [sflag:$0x3], $0x80, s29, s18, $0xb8;
	[tilespmem:$0x1E880] =	vst v63  }
0x40: {  	_ =	swait.ge [sflag:s15], $0x3E80  }
0x41: {  	[sflag:s15] =	ssyncset.done $0x0  }
0x42: {  	[sflag:s15] =	ssyncadd.s32 $0xFFFFC180  }
0x43: {  	_ =	swait.ge [sflag:s17], $0x3E80  }
0x44: {  	[sflag:s17] =	ssyncset.done $0x0  }
0x45: {  	s30 =	simm.s32 $0x180;
	[sflag:s17] =	ssyncadd.s32 $0xFFFFC180  }
0x46: {  	[tilespmem:s19], [sflag:$0x2] =	stream.indirect.gather [hbm4b:s4+s18], $0x80, s30, s18, $0xb8;
	[tilespmem:$0x1E880] =	vst v63  }
0x47: {  	s31 =	rddreg [dreg:$0x4]  }
0x48: {  	[spmem:s2] =	stream.indirect.scatter.add.f32 [tilespmem:s20], [sflag:$0x3], $0x80, s31, s18, $0xb8;
	[tilespmem:$0x1E880] =	vst v63  }
0x49: {  	_ =	swait.ge [sflag:s15], $0x3E80  }
0x4a: {  	[sflag:s15] =	ssyncset.done $0x0  }
0x4b: {  	[sflag:s15] =	ssyncadd.s32 $0xFFFFC180  }
0x4c: {  	_ =	swait.ge [sflag:s21], $0x3E80  }
0x4d: {  	[sflag:s21] =	ssyncset.done $0x0  }
0x4e: {  	s25 =	simm.s32 $0x200;
	[sflag:s21] =	ssyncadd.s32 $0xFFFFC180  }
0x4f: {  	[tilespmem:s20], [sflag:$0x1] =	stream.indirect.gather [hbm4b:s4+s18], $0x80, s25, s18, $0xb8;
	[tilespmem:$0x1E880] =	vst v63  }
0x50: {  	s26 =	rddreg [dreg:$0x5]  }
0x51: {  	[spmem:s2] =	stream.indirect.scatter.add.f32 [tilespmem:s19], [sflag:$0x3], $0x80, s26, s18, $0xb8;
	[tilespmem:$0x1E880] =	vst v63  }
0x52: {  	_ =	swait.ge [sflag:s15], $0x3E80  }
0x53: {  	[sflag:s15] =	ssyncset.done $0x0  }
0x54: {  	[sflag:s15] =	ssyncadd.s32 $0xFFFFC180  }
0x55: {  	_ =	swait.ge [sflag:s17], $0x3E80  }
0x56: {  	[sflag:s17] =	ssyncset.done $0x0  }
0x57: {  	s28 =	simm.s32 $0x280;
	[sflag:s17] =	ssyncadd.s32 $0xFFFFC180  }
0x58: {  	[tilespmem:s19], [sflag:$0x2] =	stream.indirect.gather [hbm4b:s4+s18], $0x80, s28, s18, $0xb8;
	[tilespmem:$0x1E880] =	vst v63  }
0x59: {  	s29 =	rddreg [dreg:$0x6]  }
0x5a: {  	[spmem:s2] =	stream.indirect.scatter.add.f32 [tilespmem:s20], [sflag:$0x3], $0x80, s29, s18, $0xb8;
	[tilespmem:$0x1E880] =	vst v63  }
0x5b: {  	_ =	swait.ge [sflag:s15], $0x3E80  }
0x5c: {  	[sflag:s15] =	ssyncset.done $0x0  }
0x5d: {  	[sflag:s15] =	ssyncadd.s32 $0xFFFFC180  }
0x5e: {  	_ =	swait.ge [sflag:s21], $0x3E80  }
0x5f: {  	[sflag:s21] =	ssyncset.done $0x0  }
0x60: {  	s30 =	simm.s32 $0x300;
	[sflag:s21] =	ssyncadd.s32 $0xFFFFC180  }
0x61: {  	[tilespmem:s20], [sflag:$0x1] =	stream.indirect.gather [hbm4b:s4+s18], $0x80, s30, s18, $0xb8;
	[tilespmem:$0x1E880] =	vst v63  }
0x62: {  	s31 =	rddreg [dreg:$0x7]  }
0x63: {  	[spmem:s2] =	stream.indirect.scatter.add.f32 [tilespmem:s19], [sflag:$0x3], $0x80, s31, s18, $0xb8;
	[tilespmem:$0x1E880] =	vst v63  }
0x64: {  	_ =	swait.ge [sflag:s15], $0x3E80  }
0x65: {  	[sflag:s15] =	ssyncset.done $0x0  }
0x66: {  	[sflag:s15] =	ssyncadd.s32 $0xFFFFC180  }
0x67: {  	_ =	swait.ge [sflag:s17], $0x3E80  }
0x68: {  	[sflag:s17] =	ssyncset.done $0x0  }
0x69: {  	s25 =	simm.s32 $0x380;
	[sflag:s17] =	ssyncadd.s32 $0xFFFFC180  }
0x6a: {  	[tilespmem:s19], [sflag:$0x2] =	stream.indirect.gather [hbm4b:s4+s18], $0x80, s25, s18, $0xb8;
	[tilespmem:$0x1E880] =	vst v63  }
0x6b: {  	s26 =	rddreg [dreg:$0x8]  }
0x6c: {  	[spmem:s2] =	stream.indirect.scatter.add.f32 [tilespmem:s20], [sflag:$0x3], $0x80, s26, s18, $0xb8;
	[tilespmem:$0x1E880] =	vst v63  }
0x6d: {  	_ =	swait.ge [sflag:s15], $0x3E80  }
0x6e: {  	[sflag:s15] =	ssyncset.done $0x0  }
0x6f: {  	[sflag:s15] =	ssyncadd.s32 $0xFFFFC180  }
0x70: {  	_ =	swait.ge [sflag:s21], $0x3E80  }
0x71: {  	[sflag:s21] =	ssyncset.done $0x0  }
0x72: {  	s28 =	simm.s32 $0x400;
	[sflag:s21] =	ssyncadd.s32 $0xFFFFC180  }
0x73: {  	[tilespmem:s20], [sflag:$0x1] =	stream.indirect.gather [hbm4b:s4+s18], $0x80, s28, s18, $0xb8;
	[tilespmem:$0x1E880] =	vst v63  }
0x74: {  	s29 =	rddreg [dreg:$0x9]  }
0x75: {  	[spmem:s2] =	stream.indirect.scatter.add.f32 [tilespmem:s19], [sflag:$0x3], $0x80, s29, s18, $0xb8;
	[tilespmem:$0x1E880] =	vst v63  }
0x76: {  	_ =	swait.ge [sflag:s15], $0x3E80  }
0x77: {  	[sflag:s15] =	ssyncset.done $0x0  }
0x78: {  	[sflag:s15] =	ssyncadd.s32 $0xFFFFC180  }
0x79: {  	_ =	swait.ge [sflag:s17], $0x3E80  }
0x7a: {  	[sflag:s17] =	ssyncset.done $0x0  }
0x7b: {  	s30 =	simm.s32 $0x480;
	[sflag:s17] =	ssyncadd.s32 $0xFFFFC180  }
0x7c: {  	[tilespmem:s19], [sflag:$0x2] =	stream.indirect.gather [hbm4b:s4+s18], $0x80, s30, s18, $0xb8;
	[tilespmem:$0x1E880] =	vst v63  }
0x7d: {  	s31 =	rddreg [dreg:$0xa]  }
0x7e: {  	[spmem:s2] =	stream.indirect.scatter.add.f32 [tilespmem:s20], [sflag:$0x3], $0x80, s31, s18, $0xb8;
	[tilespmem:$0x1E880] =	vst v63  }
0x7f: {  	_ =	swait.ge [sflag:s15], $0x3E80  }
0x80: {  	[sflag:s15] =	ssyncset.done $0x0  }
0x81: {  	[sflag:s15] =	ssyncadd.s32 $0xFFFFC180  }
0x82: {  	_ =	swait.ge [sflag:s21], $0x3E80  }
0x83: {  	[sflag:s21] =	ssyncset.done $0x0  }
0x84: {  	s25 =	simm.s32 $0x500;
	[sflag:s21] =	ssyncadd.s32 $0xFFFFC180  }
0x85: {  	[tilespmem:s20], [sflag:$0x1] =	stream.indirect.gather [hbm4b:s4+s18], $0x80, s25, s18, $0xb8;
	[tilespmem:$0x1E880] =	vst v63  }
0x86: {  	s26 =	rddreg [dreg:$0xb]  }
0x87: {  	[spmem:s2] =	stream.indirect.scatter.add.f32 [tilespmem:s19], [sflag:$0x3], $0x80, s26, s18, $0xb8;
	[tilespmem:$0x1E880] =	vst v63  }
0x88: {  	_ =	swait.ge [sflag:s15], $0x3E80  }
0x89: {  	[sflag:s15] =	ssyncset.done $0x0  }
0x8a: {  	[sflag:s15] =	ssyncadd.s32 $0xFFFFC180  }
0x8b: {  	_ =	swait.ge [sflag:s17], $0x3E80  }
0x8c: {  	[sflag:s17] =	ssyncset.done $0x0  }
0x8d: {  	s28 =	simm.s32 $0x580;
	[sflag:s17] =	ssyncadd.s32 $0xFFFFC180  }
0x8e: {  	[tilespmem:s19], [sflag:$0x2] =	stream.indirect.gather [hbm4b:s4+s18], $0x80, s28, s18, $0xb8;
	[tilespmem:$0x1E880] =	vst v63  }
0x8f: {  	s29 =	rddreg [dreg:$0xc]  }
0x90: {  	[spmem:s2] =	stream.indirect.scatter.add.f32 [tilespmem:s20], [sflag:$0x3], $0x80, s29, s18, $0xb8;
	[tilespmem:$0x1E880] =	vst v63  }
0x91: {  	_ =	swait.ge [sflag:s15], $0x3E80  }
0x92: {  	[sflag:s15] =	ssyncset.done $0x0  }
0x93: {  	[sflag:s15] =	ssyncadd.s32 $0xFFFFC180  }
0x94: {  	_ =	swait.ge [sflag:s21], $0x3E80  }
0x95: {  	[sflag:s21] =	ssyncset.done $0x0  }
0x96: {  	s30 =	simm.s32 $0x600;
	[sflag:s21] =	ssyncadd.s32 $0xFFFFC180  }
0x97: {  	[tilespmem:s20], [sflag:$0x1] =	stream.indirect.gather [hbm4b:s4+s18], $0x80, s30, s18, $0xb8;
	[tilespmem:$0x1E880] =	vst v63  }
0x98: {  	s31 =	rddreg [dreg:$0xd]  }
0x99: {  	[spmem:s2] =	stream.indirect.scatter.add.f32 [tilespmem:s19], [sflag:$0x3], $0x80, s31, s18, $0xb8;
	[tilespmem:$0x1E880] =	vst v63  }
0x9a: {  	_ =	swait.ge [sflag:s15], $0x3E80  }
0x9b: {  	[sflag:s15] =	ssyncset.done $0x0  }
0x9c: {  	[sflag:s15] =	ssyncadd.s32 $0xFFFFC180  }
0x9d: {  	_ =	swait.ge [sflag:s17], $0x3E80  }
0x9e: {  	[sflag:s17] =	ssyncset.done $0x0  }
0x9f: {  	s24 =	simm.s32 $0x680;
	[sflag:s17] =	ssyncadd.s32 $0xFFFFC180  }
0xa0: {  	[tilespmem:s19], [sflag:$0x2] =	stream.indirect.gather [hbm4b:s4+s18], $0x80, s24, s18, $0xb8;
	[tilespmem:$0x1E880] =	vst v63  }
0xa1: {  	s25 =	rddreg [dreg:$0xe]  }
0xa2: {  	[spmem:s2] =	stream.indirect.scatter.add.f32 [tilespmem:s20], [sflag:$0x3], $0x80, s25, s18, $0xb8;
	[tilespmem:$0x1E880] =	vst v63  }
0xa3: {  	_ =	swait.ge [sflag:s15], $0x3E80  }
0xa4: {  	[sflag:s15] =	ssyncset.done $0x0  }
0xa5: {  	[sflag:s15] =	ssyncadd.s32 $0xFFFFC180  }
0xa6: {  	_ =	swait.ge [sflag:s21], $0x3E80  }
0xa7: {  	[sflag:s21] =	ssyncset.done $0x0  }
0xa8: {  	s26 =	simm.s32 $0x700;
	[sflag:s21] =	ssyncadd.s32 $0xFFFFC180  }
0xa9: {  	[tilespmem:s20], [sflag:$0x1] =	stream.indirect.gather [hbm4b:s4+s18], $0x80, s26, s18, $0xb8;
	[tilespmem:$0x1E880] =	vst v63  }
0xaa: {  	s28 =	rddreg [dreg:$0xf]  }
0xab: {  	[spmem:s2] =	stream.indirect.scatter.add.f32 [tilespmem:s19], [sflag:$0x3], $0x80, s28, s18, $0xb8;
	[tilespmem:$0x1E880] =	vst v63  }
0xac: {  	_ =	swait.ge [sflag:s15], $0x3E80  }
0xad: {  	[sflag:s15] =	ssyncset.done $0x0  }
0xae: {  	[sflag:s15] =	ssyncadd.s32 $0xFFFFC180  }
0xaf: {  	_ =	swait.ge [sflag:s17], $0x3E80  }
0xb0: {  	[sflag:s17] =	ssyncset.done $0x0  }
0xb1: {  	s29 =	simm.s32 $0x780;
	[sflag:s17] =	ssyncadd.s32 $0xFFFFC180  }
0xb2: {  	[tilespmem:s19], [sflag:$0x2] =	stream.indirect.gather [hbm4b:s4+s18], $0x80, s29, s18, $0xb8;
	[tilespmem:$0x1E880] =	vst v63  }
0xb3: {  	s30 =	rddreg [dreg:$0x10]  }
0xb4: {  	[spmem:s2] =	stream.indirect.scatter.add.f32 [tilespmem:s20], [sflag:$0x3], $0x80, s30, s18, $0xb8;
	[tilespmem:$0x1E880] =	vst v63  }
0xb5: {  	_ =	swait.ge [sflag:s15], $0x3E80  }
0xb6: {  	[sflag:s15] =	ssyncset.done $0x0  }
0xb7: {  	[sflag:s15] =	ssyncadd.s32 $0xFFFFC180  }
0xb8: {  	p1 =	por $0x0, $0x0;
	_ =	swait.ge [sflag:s21], $0x3E80  }
0xb9: {  	s23 =	simm.s32 @!p1 $0x3000;
	[sflag:s21] =	ssyncset.done $0x0  }
0xba: {  	s24 =	simm.s32 @!p1 $0x800;
	s26 =	simm.s32 @!p1 $0x7D;
	[sflag:s21] =	ssyncadd.s32 $0xFFFFC180  }
0xbb: {  	[tilespmem:s23], [sflag:$0x1] =	stream.indirect.gather @!p1 [hbm4b:s4+s26], $0x80, s24, s26, $0xb8;
	[tilespmem:$0x1E880] =	vst v63  }
0xbc: {  	s25 =	sadd.s32 $0x100, s11;
	s31 =	rddreg [dreg:$0x11]  }
0xbd: {  	[spmem:s2] =	stream.indirect.scatter.add.f32 [tilespmem:s19], [sflag:$0x3], $0x80, s31, s18, $0xb8;
	[tilespmem:$0x1E880] =	vst v63  }
0xbe: {  	s23 =	simm.s32 $0xE;
	s24 =	simm.s32 $0x2000;
	_ =	swait.ge [sflag:s15], $0x3E80  }
.LBB2_2:
0xbf: {  	[sflag:s15] =	ssyncset.done $0x0  }
0xc0: {  	s26 =	smov.u32 s24;
	[sflag:s15] =	ssyncadd.s32 $0xFFFFC180  }
0xc1: {  	[tilespmem:s16], [sflag:$0x3] =	stream.linear.gather [hbm4b:s25+s3], $0x800, $0x38;
	[tilespmem:$0x1E880] =	vst v63  }
0xc2: {  	p2 =	sne.s32 s26, $0x0;
	_ =	swait.ge [sflag:s15], $0x800  }
0xc3: {  	s28 =	simm.s32 @!p2 $0x7D;
	[sflag:s15] =	ssyncset.done $0x0  }
0xc4: {  	s29 =	simm.s32 @!p2 $0x0;
	s30 =	simm.s32 @!p2 $0x3000;
	[sflag:s15] =	ssyncadd.s32 $0xFFFFF800  }
0xc5: {  	[tilespmem:s30], [sflag:$0x1] =	stream.indirect.gather @!p2 [hbm4b:s4+s28], $0x80, s29, s28, $0xb8;
	[tilespmem:$0x1E880] =	vst v63  }
0xc6: {  	_ =	swait.ge [sflag:s17], $0x3E80  }
0xc7: {  	s28 =	sshra.s32 s26, $0x2;
	[sflag:s17] =	ssyncset.done $0x0  }
0xc8: {  	s30 =	sadd.s32 $0x80, s28;
	[sflag:s17] =	ssyncadd.s32 $0xFFFFC180  }
0xc9: {  	[tilespmem:s19], [sflag:$0x2] =	stream.indirect.gather [hbm4b:s4+s18], $0x80, s30, s18, $0xb8;
	[tilespmem:$0x1E880] =	vst v63  }
0xca: {  	_ = 	snop  }
0xcb: {  	[spmem:s2] =	stream.indirect.scatter.add.f32 [tilespmem:s20], [sflag:$0x3], $0x80, s16, s18, $0xb8;
	[tilespmem:$0x1E880] =	vst v63  }
0xcc: {  	_ =	swait.ge [sflag:s15], $0x3E80  }
0xcd: {  	[sflag:s15] =	ssyncset.done $0x0  }
0xce: {  	[sflag:s15] =	ssyncadd.s32 $0xFFFFC180  }
0xcf: {  	_ =	swait.ge [sflag:s21], $0x3E80  }
0xd0: {  	[sflag:s21] =	ssyncset.done $0x0  }
0xd1: {  	s29 =	sadd.s32 $0x100, s28;
	[sflag:s21] =	ssyncadd.s32 $0xFFFFC180  }
0xd2: {  	[tilespmem:s20], [sflag:$0x1] =	stream.indirect.gather [hbm4b:s4+s18], $0x80, s29, s18, $0xb8;
	[tilespmem:$0x1E880] =	vst v63  }
0xd3: {  	s31 =	rddreg [dreg:$0x3]  }
0xd4: {  	[spmem:s2] =	stream.indirect.scatter.add.f32 [tilespmem:s19], [sflag:$0x3], $0x80, s31, s18, $0xb8;
	[tilespmem:$0x1E880] =	vst v63  }
0xd5: {  	_ =	swait.ge [sflag:s15], $0x3E80  }
0xd6: {  	[sflag:s15] =	ssyncset.done $0x0  }
0xd7: {  	[sflag:s15] =	ssyncadd.s32 $0xFFFFC180  }
0xd8: {  	_ =	swait.ge [sflag:s17], $0x3E80  }
0xd9: {  	[sflag:s17] =	ssyncset.done $0x0  }
0xda: {  	s29 =	sadd.s32 $0x180, s28;
	[sflag:s17] =	ssyncadd.s32 $0xFFFFC180  }
0xdb: {  	[tilespmem:s19], [sflag:$0x2] =	stream.indirect.gather [hbm4b:s4+s18], $0x80, s29, s18, $0xb8;
	[tilespmem:$0x1E880] =	vst v63  }
0xdc: {  	s31 =	rddreg [dreg:$0x4]  }
0xdd: {  	[spmem:s2] =	stream.indirect.scatter.add.f32 [tilespmem:s20], [sflag:$0x3], $0x80, s31, s18, $0xb8;
	[tilespmem:$0x1E880] =	vst v63  }
0xde: {  	_ =	swait.ge [sflag:s15], $0x3E80  }
0xdf: {  	[sflag:s15] =	ssyncset.done $0x0  }
0xe0: {  	[sflag:s15] =	ssyncadd.s32 $0xFFFFC180  }
0xe1: {  	_ =	swait.ge [sflag:s21], $0x3E80  }
0xe2: {  	[sflag:s21] =	ssyncset.done $0x0  }
0xe3: {  	s29 =	sadd.s32 $0x200, s28;
	[sflag:s21] =	ssyncadd.s32 $0xFFFFC180  }
0xe4: {  	[tilespmem:s20], [sflag:$0x1] =	stream.indirect.gather [hbm4b:s4+s18], $0x80, s29, s18, $0xb8;
	[tilespmem:$0x1E880] =	vst v63  }
0xe5: {  	s31 =	rddreg [dreg:$0x5]  }
0xe6: {  	[spmem:s2] =	stream.indirect.scatter.add.f32 [tilespmem:s19], [sflag:$0x3], $0x80, s31, s18, $0xb8;
	[tilespmem:$0x1E880] =	vst v63  }
0xe7: {  	_ =	swait.ge [sflag:s15], $0x3E80  }
0xe8: {  	[sflag:s15] =	ssyncset.done $0x0  }
0xe9: {  	[sflag:s15] =	ssyncadd.s32 $0xFFFFC180  }
0xea: {  	_ =	swait.ge [sflag:s17], $0x3E80  }
0xeb: {  	[sflag:s17] =	ssyncset.done $0x0  }
0xec: {  	s29 =	sadd.s32 $0x280, s28;
	[sflag:s17] =	ssyncadd.s32 $0xFFFFC180  }
0xed: {  	[tilespmem:s19], [sflag:$0x2] =	stream.indirect.gather [hbm4b:s4+s18], $0x80, s29, s18, $0xb8;
	[tilespmem:$0x1E880] =	vst v63  }
0xee: {  	s31 =	rddreg [dreg:$0x6]  }
0xef: {  	[spmem:s2] =	stream.indirect.scatter.add.f32 [tilespmem:s20], [sflag:$0x3], $0x80, s31, s18, $0xb8;
	[tilespmem:$0x1E880] =	vst v63  }
0xf0: {  	_ =	swait.ge [sflag:s15], $0x3E80  }
0xf1: {  	[sflag:s15] =	ssyncset.done $0x0  }
0xf2: {  	[sflag:s15] =	ssyncadd.s32 $0xFFFFC180  }
0xf3: {  	_ =	swait.ge [sflag:s21], $0x3E80  }
0xf4: {  	[sflag:s21] =	ssyncset.done $0x0  }
0xf5: {  	s29 =	sadd.s32 $0x300, s28;
	[sflag:s21] =	ssyncadd.s32 $0xFFFFC180  }
0xf6: {  	[tilespmem:s20], [sflag:$0x1] =	stream.indirect.gather [hbm4b:s4+s18], $0x80, s29, s18, $0xb8;
	[tilespmem:$0x1E880] =	vst v63  }
0xf7: {  	s31 =	rddreg [dreg:$0x7]  }
0xf8: {  	[spmem:s2] =	stream.indirect.scatter.add.f32 [tilespmem:s19], [sflag:$0x3], $0x80, s31, s18, $0xb8;
	[tilespmem:$0x1E880] =	vst v63  }
0xf9: {  	_ =	swait.ge [sflag:s15], $0x3E80  }
0xfa: {  	[sflag:s15] =	ssyncset.done $0x0  }
0xfb: {  	[sflag:s15] =	ssyncadd.s32 $0xFFFFC180  }
0xfc: {  	_ =	swait.ge [sflag:s17], $0x3E80  }
0xfd: {  	[sflag:s17] =	ssyncset.done $0x0  }
0xfe: {  	s29 =	sadd.s32 $0x380, s28;
	[sflag:s17] =	ssyncadd.s32 $0xFFFFC180  }
0xff: {  	[tilespmem:s19], [sflag:$0x2] =	stream.indirect.gather [hbm4b:s4+s18], $0x80, s29, s18, $0xb8;
	[tilespmem:$0x1E880] =	vst v63  }
0x100: {  	s31 =	rddreg [dreg:$0x8]  }
0x101: {  	[spmem:s2] =	stream.indirect.scatter.add.f32 [tilespmem:s20], [sflag:$0x3], $0x80, s31, s18, $0xb8;
	[tilespmem:$0x1E880] =	vst v63  }
0x102: {  	_ =	swait.ge [sflag:s15], $0x3E80  }
0x103: {  	[sflag:s15] =	ssyncset.done $0x0  }
0x104: {  	[sflag:s15] =	ssyncadd.s32 $0xFFFFC180  }
0x105: {  	_ =	swait.ge [sflag:s21], $0x3E80  }
0x106: {  	[sflag:s21] =	ssyncset.done $0x0  }
0x107: {  	s29 =	sadd.s32 $0x400, s28;
	[sflag:s21] =	ssyncadd.s32 $0xFFFFC180  }
0x108: {  	[tilespmem:s20], [sflag:$0x1] =	stream.indirect.gather [hbm4b:s4+s18], $0x80, s29, s18, $0xb8;
	[tilespmem:$0x1E880] =	vst v63  }
0x109: {  	s31 =	rddreg [dreg:$0x9]  }
0x10a: {  	[spmem:s2] =	stream.indirect.scatter.add.f32 [tilespmem:s19], [sflag:$0x3], $0x80, s31, s18, $0xb8;
	[tilespmem:$0x1E880] =	vst v63  }
0x10b: {  	_ =	swait.ge [sflag:s15], $0x3E80  }
0x10c: {  	[sflag:s15] =	ssyncset.done $0x0  }
0x10d: {  	[sflag:s15] =	ssyncadd.s32 $0xFFFFC180  }
0x10e: {  	_ =	swait.ge [sflag:s17], $0x3E80  }
0x10f: {  	[sflag:s17] =	ssyncset.done $0x0  }
0x110: {  	s29 =	sadd.s32 $0x480, s28;
	[sflag:s17] =	ssyncadd.s32 $0xFFFFC180  }
0x111: {  	[tilespmem:s19], [sflag:$0x2] =	stream.indirect.gather [hbm4b:s4+s18], $0x80, s29, s18, $0xb8;
	[tilespmem:$0x1E880] =	vst v63  }
0x112: {  	s31 =	rddreg [dreg:$0xa]  }
0x113: {  	[spmem:s2] =	stream.indirect.scatter.add.f32 [tilespmem:s20], [sflag:$0x3], $0x80, s31, s18, $0xb8;
	[tilespmem:$0x1E880] =	vst v63  }
0x114: {  	_ =	swait.ge [sflag:s15], $0x3E80  }
0x115: {  	[sflag:s15] =	ssyncset.done $0x0  }
0x116: {  	[sflag:s15] =	ssyncadd.s32 $0xFFFFC180  }
0x117: {  	_ =	swait.ge [sflag:s21], $0x3E80  }
0x118: {  	[sflag:s21] =	ssyncset.done $0x0  }
0x119: {  	s29 =	sadd.s32 $0x500, s28;
	[sflag:s21] =	ssyncadd.s32 $0xFFFFC180  }
0x11a: {  	[tilespmem:s20], [sflag:$0x1] =	stream.indirect.gather [hbm4b:s4+s18], $0x80, s29, s18, $0xb8;
	[tilespmem:$0x1E880] =	vst v63  }
0x11b: {  	s31 =	rddreg [dreg:$0xb]  }
0x11c: {  	[spmem:s2] =	stream.indirect.scatter.add.f32 [tilespmem:s19], [sflag:$0x3], $0x80, s31, s18, $0xb8;
	[tilespmem:$0x1E880] =	vst v63  }
0x11d: {  	_ =	swait.ge [sflag:s15], $0x3E80  }
0x11e: {  	[sflag:s15] =	ssyncset.done $0x0  }
0x11f: {  	[sflag:s15] =	ssyncadd.s32 $0xFFFFC180  }
0x120: {  	_ =	swait.ge [sflag:s17], $0x3E80  }
0x121: {  	[sflag:s17] =	ssyncset.done $0x0  }
0x122: {  	s29 =	sadd.s32 $0x580, s28;
	[sflag:s17] =	ssyncadd.s32 $0xFFFFC180  }
0x123: {  	[tilespmem:s19], [sflag:$0x2] =	stream.indirect.gather [hbm4b:s4+s18], $0x80, s29, s18, $0xb8;
	[tilespmem:$0x1E880] =	vst v63  }
0x124: {  	s31 =	rddreg [dreg:$0xc]  }
0x125: {  	[spmem:s2] =	stream.indirect.scatter.add.f32 [tilespmem:s20], [sflag:$0x3], $0x80, s31, s18, $0xb8;
	[tilespmem:$0x1E880] =	vst v63  }
0x126: {  	_ =	swait.ge [sflag:s15], $0x3E80  }
0x127: {  	[sflag:s15] =	ssyncset.done $0x0  }
0x128: {  	[sflag:s15] =	ssyncadd.s32 $0xFFFFC180  }
0x129: {  	_ =	swait.ge [sflag:s21], $0x3E80  }
0x12a: {  	[sflag:s21] =	ssyncset.done $0x0  }
0x12b: {  	s29 =	sadd.s32 $0x600, s28;
	[sflag:s21] =	ssyncadd.s32 $0xFFFFC180  }
0x12c: {  	[tilespmem:s20], [sflag:$0x1] =	stream.indirect.gather [hbm4b:s4+s18], $0x80, s29, s18, $0xb8;
	[tilespmem:$0x1E880] =	vst v63  }
0x12d: {  	s31 =	rddreg [dreg:$0xd]  }
0x12e: {  	[spmem:s2] =	stream.indirect.scatter.add.f32 [tilespmem:s19], [sflag:$0x3], $0x80, s31, s18, $0xb8;
	[tilespmem:$0x1E880] =	vst v63  }
0x12f: {  	_ =	swait.ge [sflag:s15], $0x3E80  }
0x130: {  	[sflag:s15] =	ssyncset.done $0x0  }
0x131: {  	[sflag:s15] =	ssyncadd.s32 $0xFFFFC180  }
0x132: {  	_ =	swait.ge [sflag:s17], $0x3E80  }
0x133: {  	[sflag:s17] =	ssyncset.done $0x0  }
0x134: {  	s29 =	sadd.s32 $0x680, s28;
	[sflag:s17] =	ssyncadd.s32 $0xFFFFC180  }
0x135: {  	[tilespmem:s19], [sflag:$0x2] =	stream.indirect.gather [hbm4b:s4+s18], $0x80, s29, s18, $0xb8;
	[tilespmem:$0x1E880] =	vst v63  }
0x136: {  	s31 =	rddreg [dreg:$0xe]  }
0x137: {  	[spmem:s2] =	stream.indirect.scatter.add.f32 [tilespmem:s20], [sflag:$0x3], $0x80, s31, s18, $0xb8;
	[tilespmem:$0x1E880] =	vst v63  }
0x138: {  	_ =	swait.ge [sflag:s15], $0x3E80  }
0x139: {  	[sflag:s15] =	ssyncset.done $0x0  }
0x13a: {  	[sflag:s15] =	ssyncadd.s32 $0xFFFFC180  }
0x13b: {  	_ =	swait.ge [sflag:s21], $0x3E80  }
0x13c: {  	[sflag:s21] =	ssyncset.done $0x0  }
0x13d: {  	s29 =	sadd.s32 $0x700, s28;
	[sflag:s21] =	ssyncadd.s32 $0xFFFFC180  }
0x13e: {  	[tilespmem:s20], [sflag:$0x1] =	stream.indirect.gather [hbm4b:s4+s18], $0x80, s29, s18, $0xb8;
	[tilespmem:$0x1E880] =	vst v63  }
0x13f: {  	s31 =	rddreg [dreg:$0xf]  }
0x140: {  	[spmem:s2] =	stream.indirect.scatter.add.f32 [tilespmem:s19], [sflag:$0x3], $0x80, s31, s18, $0xb8;
	[tilespmem:$0x1E880] =	vst v63  }
0x141: {  	_ =	swait.ge [sflag:s15], $0x3E80  }
0x142: {  	[sflag:s15] =	ssyncset.done $0x0  }
0x143: {  	[sflag:s15] =	ssyncadd.s32 $0xFFFFC180  }
0x144: {  	_ =	swait.ge [sflag:s17], $0x3E80  }
0x145: {  	[sflag:s17] =	ssyncset.done $0x0  }
0x146: {  	s28 =	sadd.s32 $0x780, s28;
	[sflag:s17] =	ssyncadd.s32 $0xFFFFC180  }
0x147: {  	[tilespmem:s19], [sflag:$0x2] =	stream.indirect.gather [hbm4b:s4+s18], $0x80, s28, s18, $0xb8;
	[tilespmem:$0x1E880] =	vst v63  }
0x148: {  	s30 =	rddreg [dreg:$0x10]  }
0x149: {  	[spmem:s2] =	stream.indirect.scatter.add.f32 [tilespmem:s20], [sflag:$0x3], $0x80, s30, s18, $0xb8;
	[tilespmem:$0x1E880] =	vst v63  }
0x14a: {  	_ =	swait.ge [sflag:s15], $0x3E80  }
0x14b: {  	s23 =	sadd.s32 $0x10, s23;
	[sflag:s15] =	ssyncset.done $0x0  }
0x14c: {  	s24 =	sadd.s32 $0x2000, s24;
	p2 =	sgt.u32 s23, $0x4D;
	[sflag:s15] =	ssyncadd.s32 $0xFFFFC180  }
0x14d: {  	p1 =	sne.s32 s24, $0xA000;
	s26 =	sshra.s32 @!p2 s26, $0x2;
	_ =	swait.ge [sflag:s21], $0x3E80  }
0x14e: {  	s26 =	sadd.s32 @!p2 $0x800, s26;
	s28 =	simm.s32 @!p2 $0x3000;
	[sflag:s21] =	ssyncset.done $0x0  }
.Ltmp0:
0x14f: {  	s30 =	simm.s32 @!p2 $0x7D;
	[sflag:s21] =	ssyncadd.s32 $0xFFFFC180;
	(pc) =	sbr.rel @p1 .LBB2_2-.Ltmp0, $4  }
0x150: {  	[tilespmem:s28], [sflag:$0x1] =	stream.indirect.gather @!p2 [hbm4b:s4+s30], $0x80, s26, s30, $0xb8;
	[tilespmem:$0x1E880] =	vst v63  }
0x151: {  	s31 =	rddreg [dreg:$0x11]  }
0x152: {  	[spmem:s2] =	stream.indirect.scatter.add.f32 [tilespmem:s19], [sflag:$0x3], $0x80, s31, s18, $0xb8;
	[tilespmem:$0x1E880] =	vst v63  }
0x153: {  	s25 =	sadd.s32 $0x100, s25;
	_ =	swait.ge [sflag:s15], $0x3E80  }
0x154: {  	[sflag:s15] =	ssyncset.done $0x0  }
0x155: {  	[sflag:s15] =	ssyncadd.s32 $0xFFFFC180  }
0x156: {  	s23 =	simm.s32 @p0 $0x1FC3;
	[bflag:$0x0] =	sbarrier.arrive $0xFFFF  }
0x157: {  	[hbm:s9], [sflag:s23] =	dma.local @p0 [spmem:s12], $0x2080  }
0x158: {  	s23 =	simm.s32 @p0 $0x3  }
0x159: {  	s22 =	sadd.s32 $0x1, s22;
	_ =	swait.ge @p0 [sflag:s23], $0x2080  }
0x15a: {  	p1 =	sne.s32 s22, s10;
	[sflag:s23] =	ssyncset.done @p0 $0x0  }
.Ltmp1:
0x15b: {  	[sflag:s23] =	ssyncadd.s32 @p0 $0xFFFFDF80;
	s23 =	simm.s32 @!p0 $0x3;
	(pc) =	sbr.rel @p1 .LBB2_1-.Ltmp1, $4  }
0x15c: {  	[hbm:s8], [sflag:s13] =	dma.local @!p0 [spmem:s14], $0x2780  }
0x15d: {  	_ =	swait.ge @!p0 [sflag:s23], $0x2780  }
0x15e: {  	[sflag:s23] =	ssyncset.done @!p0 $0x0  }
0x15f: {  	[sflag:s23] =	ssyncadd.s32 @!p0 $0xFFFFD880  }
0x160: {  	_ =	sfence.sel $0x180000  }
0x161: {  	[bflag:$0x0] =	sbarrier.arrive $0xFFFF  }
0x162: {  	p0 =	sne.s32 s0, $0x0;
	_ =	strace $0x9000004D  }
0x163: {  	s0 =	sadd.s32 @!p0 $0x100000, s1;
	[bflag:$0x2] =	sbarrier.arrive $0xFFFF  }
0x164: {  	[sflag:s0] =	ssyncadd.tile.s32 @!p0 $0x1;
	_ =	shalt  }
.Lfunc_end2:
_tile_overlayer_lowered:
.L_overlay_start_2:
0x165: {  	(tag) =	ssettag $0x2  }
0x166: {  	s0 =	rddreg [dreg:$0x0];
	s2 =	stileid.u32  }
0x167: {  	s1 =	rddreg [dreg:$0x1];
	p0 =	sne.s32 s2, $0x0  }
0x168: {  	s3 =	rddreg [dreg:$0x2];
	[bflag:$0x3] =	sbarrier.arrive $0xFFFF;
	s2 =	simm.s32 @!p0 $0x1C03  }
0x169: {  	[timem:s3], [sflag:s2] =	dma.local @!p0 [hbm:s0], s1  }
0x16a: {  	s0 =	simm.s32 @!p0 $0x3  }
0x16b: {  	_ =	swait.ge @!p0 [sflag:s0], s1  }
0x16c: {  	s1 =	ssub.s32 @!p0 $0x0, s1;
	[sflag:s0] =	ssyncset.done @!p0 $0x0  }
0x16d: {  	[sflag:s0] =	ssyncadd.s32 @!p0 s1  }
0x16e: {  	[bflag:$0x3] =	sbarrier.arrive $0xFFFF  }
0x16f: {  	_ =	shalt  }

// kernel: kernel.9.cloned.1.call-start
scs
__scs_entry_jumppad:
0x0: {  	(pc) =	sbr.rel $0x88, $3  }
0x1: {  	(tag) =	ssettag $0x0;
	lr =	simm.s32 $0x1  }
0x2: {  	[smem:$0x3F98] =	sst lr;
	_ =	strace $0xD0000000  }
0x3: {  	_ = 	snop  }
0x4: {  	_ = 	snop  }
0x5: {  	_ = 	snop  }
0x6: {  	_ = 	snop  }
0x7: {  	_ = 	snop  }
__scs_overlays_trampoline_lowered:
0x8: {  	[smem:$0x3FA7] =	sst s0  }
0x9: {  	[smem:$0x3FA8] =	sst s1  }
0xa: {  	[smem:$0x3FA9] =	sst s2  }
0xb: {  	[smem:$0x3FAA] =	sst s3  }
0xc: {  	[smem:$0x3FAB] =	sst s4  }
0xd: {  	[smem:$0x3FAC] =	sst s5  }
0xe: {  	[smem:$0x3FAD] =	sst s6  }
0xf: {  	[smem:$0x3FAE] =	sst s7  }
0x10: {  	[smem:$0x3FAF] =	sst s8  }
0x11: {  	[smem:$0x3FB0] =	sst s9;
	s0 =	simm.s32 @!p0 $0x0  }
0x12: {  	s1 =	sld [smem:$0x3F96];
	s0 =	simm.s32 @p0 $0x1  }
0x13: {  	[smem:$0x3FB1] =	sst s0;
	s0 =	simm.s32 @!p1 $0x0  }
0x14: {  	s2 =	sld [smem:$0x3F95];
	s0 =	simm.s32 @p1 $0x1  }
0x15: {  	[smem:$0x3FB2] =	sst s0;
	s0 =	simm.s32 @!p2 $0x0  }
0x16: {  	s3 =	sld [smem:$0x3FDB];
	s0 =	simm.s32 @p2 $0x1  }
0x17: {  	s4 =	simm.s32 $0x1BF5;
	[smem:$0x3FB4] =	sst s0  }
0x18: {  	s0 =	sld [smem:$0x3F97];
	_ =	swait.ge [sflag:s4], $0x0  }
0x19: {  	s7 =	sld [smem:$0x3F98]  }
0x1a: {  	s8 =	sadd.s32 $0xFFFFE003, lr  }
0x1b: {  	s9 =	sadd.s32 $0xFFFFFEF7, lr;
	s5 =	simm.s32 $0xFFFFFFFF;
	p2 =	slt.u32 s8, $0xFFFFF086  }
0x1c: {  	p1 =	slt.u32 s9, $0xF7A;
	s5 =	simm.s32 @!p2 $0x0  }
0x1d: {  	s5 =	simm.s32 @p1 $0x1;
	p0 =	seq.s32 s7, s2  }
0x1e: {  	s7 =	smul.u32 @!p0 $0xF7A, s2;
	p2 =	seq.s32 @!p0 s5, $0x0  }
0x1f: {  	s9 =	smul.u32 $0xF7A, s1;
	s8 =	simm.s32 @!p0 $0x1BF5;
	p2 =	por !p2, p0  }
0x20: {  	[sflag:s8] =	ssyncset.s32 @!p0 $0xFFFFF086;
	s6 =	sadd.s32 @!p0 s3, s7;
	s7 =	simm.s32 @!p0 $0x108  }
0x21: {  	s3 =	sadd.s32 s3, s9;
	s6 =	sadd.s32 @!p0 $0x88, s6;
	s7 =	simm.s32 @p2 $0x1082  }
0x22: {  	[simem:s7], [sflag:s8] =	dma.local @!p0 [hbm:s6], $0xF7A  }
0x23: {  	s9 =	sor.u32 $0xD0000000, s2;
	s6 =	simm.s32 $0x108;
	_ =	swait.ge @!p0 [sflag:s8], $0x0  }
0x24: {  	s3 =	sadd.s32 $0x88, s3;
	s6 =	simm.s32 @!p1 $0x1082;
	[sflag:s4] =	ssyncset.s32 $0xFFFFF086  }
0x25: {  	[simem:s6], [sflag:s4] =	dma.local [hbm:s3], $0xF7A  }
0x26: {  	[smem:$0x3F98] =	sst s1;
	(tag) =	ssettag s2;
	_ =	strace s9  }
0x27: {  	s1 =	sld [smem:$0x3FA8]  }
0x28: {  	s2 =	sld [smem:$0x3FA9]  }
0x29: {  	s4 =	sld [smem:$0x3FAB]  }
0x2a: {  	p0 =	seq.s32 s5, $0x0;
	s5 =	sld [smem:$0x3FAC]  }
0x2b: {  	s6 =	sld [smem:$0x3FAD]  }
0x2c: {  	s7 =	sld [smem:$0x3FAE]  }
0x2d: {  	s3 =	simm.s32 $0x108;
	s8 =	sld [smem:$0x3FAF]  }
0x2e: {  	s3 =	simm.s32 @!p0 $0x1082;
	s9 =	sld [smem:$0x3FB0]  }
0x2f: {  	lr =	sadd.s32 s0, s3;
	s0 =	sld [smem:$0x3FA7]  }
0x30: {  	s3 =	sld [smem:$0x3FAA]  }
0x31: {  	[smem:$0x3FB3] =	sst s10  }
0x32: {  	s10 =	sld [smem:$0x3FB1];
	_ =	sdelay $0x3  }
0x33: {  	p0 =	seq.s32 s10, $0x1;
	s10 =	sld [smem:$0x3FB3];
	_ =	sdelay $0x3  }
0x34: {  	[smem:$0x3FB3] =	sst s10  }
0x35: {  	s10 =	sld [smem:$0x3FB2];
	_ =	sdelay $0x3  }
0x36: {  	p1 =	seq.s32 s10, $0x1;
	s10 =	sld [smem:$0x3FB3];
	_ =	sdelay $0x3  }
0x37: {  	[smem:$0x3FB3] =	sst s10  }
0x38: {  	s10 =	sld [smem:$0x3FB4]  }
0x39: {  	_ = 	snop;
	(pc) =	sbr.ind lr, $3  }
0x3a: {  	_ = 	snop  }
0x3b: {  	_ = 	snop  }
0x3c: {  	p2 =	seq.s32 s10, $0x1;
	s10 =	sld [smem:$0x3FB3]  }
0x3d: {  	_ =	shalt  }
0x3e: {  	_ =	shalt  }
0x3f: {  	_ =	shalt  }
0x40: {  	_ =	shalt  }
0x41: {  	_ =	shalt  }
0x42: {  	_ =	shalt  }
0x43: {  	_ =	shalt  }
0x44: {  	_ =	shalt  }
0x45: {  	_ =	shalt  }
0x46: {  	_ =	shalt  }
0x47: {  	_ =	shalt  }
0x48: {  	_ =	shalt  }
0x49: {  	_ =	shalt  }
0x4a: {  	_ =	shalt  }
0x4b: {  	_ =	shalt  }
0x4c: {  	_ =	shalt  }
0x4d: {  	_ =	shalt  }
0x4e: {  	_ =	shalt  }
0x4f: {  	_ =	shalt  }
0x50: {  	_ =	shalt  }
0x51: {  	_ =	shalt  }
0x52: {  	_ =	shalt  }
0x53: {  	_ =	shalt  }
0x54: {  	_ =	shalt  }
0x55: {  	_ =	shalt  }
0x56: {  	_ =	shalt  }
0x57: {  	_ =	shalt  }
0x58: {  	_ =	shalt  }
0x59: {  	_ =	shalt  }
0x5a: {  	_ =	shalt  }
0x5b: {  	_ =	shalt  }
0x5c: {  	_ =	shalt  }
0x5d: {  	_ =	shalt  }
0x5e: {  	_ =	shalt  }
0x5f: {  	_ =	shalt  }
0x60: {  	_ =	shalt  }
0x61: {  	_ =	shalt  }
0x62: {  	_ =	shalt  }
0x63: {  	_ =	shalt  }
0x64: {  	_ =	shalt  }
0x65: {  	_ =	shalt  }
0x66: {  	_ =	shalt  }
0x67: {  	_ =	shalt  }
0x68: {  	_ =	shalt  }
0x69: {  	_ =	shalt  }
0x6a: {  	_ =	shalt  }
0x6b: {  	_ =	shalt  }
0x6c: {  	_ =	shalt  }
0x6d: {  	_ =	shalt  }
0x6e: {  	_ =	shalt  }
0x6f: {  	_ =	shalt  }
0x70: {  	_ =	shalt  }
0x71: {  	_ =	shalt  }
0x72: {  	_ =	shalt  }
0x73: {  	_ =	shalt  }
0x74: {  	_ =	shalt  }
0x75: {  	_ =	shalt  }
0x76: {  	_ =	shalt  }
0x77: {  	_ =	shalt  }
0x78: {  	_ =	shalt  }
0x79: {  	_ =	shalt  }
0x7a: {  	_ =	shalt  }
0x7b: {  	_ =	shalt  }
0x7c: {  	_ =	shalt  }
0x7d: {  	_ =	shalt  }
0x7e: {  	_ =	shalt  }
0x7f: {  	_ =	shalt  }
0x80: {  	_ =	shalt  }
0x81: {  	_ =	shalt  }
0x82: {  	_ =	shalt  }
0x83: {  	_ =	shalt  }
0x84: {  	_ =	shalt  }
0x85: {  	_ =	shalt  }
0x86: {  	_ =	shalt  }
0x87: {  	_ =	shalt  }
.Lfunc_end0:
.L_simem_size_0:
called_computation_lowered:
.L_overlay_start_0:
0x88: {  	s2 =	sld [smem:$0x3FD9]  }
0x89: {  	s3 =	sld [smem:$0x3FFE];
	_ =	sdelay $0x1  }
0x8a: {  	s1 =	srdreg.scid  }
0x8b: {  	s0 =	sand.u32 $0x1, s1  }
0x8c: {  	s17 =	sshll.u32 s0, $0xA;
	s2 =	sadd.s32 s3, s2  }
0x8d: {  	s2 =	sadd.s32 s2, s17  }
0x8e: {  	[smem:$0x3FBF] =	sst s2  }
0x8f: {  	_ = 	snop  }
0x90: {  	s2 =	sld [smem:$0x3FD0];
	(tm) =	ssettm $0x1  }
0x91: {  	s18 =	sld [smem:$0x3FFB];
	_ =	sdelay $0x3  }
0x92: {  	_ =	strace s18  }
0x93: {  	s3 =	sld [smem:$0x3FFC];
	_ =	sdelay $0x3  }
0x94: {  	_ =	strace s3  }
0x95: {  	s3 =	sld [smem:$0x3FFD];
	_ =	sdelay $0x3  }
0x96: {  	_ =	strace s3  }
0x97: {  	_ =	strace $0x8FFFFFFF  }
0x98: {  	s19 =	sld [smem:$0x3FDB];
	_ =	sdelay $0x1  }
0x99: {  	s4 =	simm.s32 $_scs_section_size  }
0x9a: {  	s5 =	simm.s32 $_size__tile_overlayer_lowered;
	s6 =	simm.s32 $_tile_overlayer_lowered  }
0x9b: {  	s22 =	simm.s32 $0x1BFF;
	s21 =	sshll.u32 s6, $0x1;
	s3 =	sadd.s32 s4, s19  }
0x9c: {  	s7 =	simm.s32 $0x0;
	s20 =	sshll.u32 s5, $0x1;
	s5 =	sadd.s32 s21, s3  }
0x9d: {  	[timem:s7], [sflag:s22] =	dma.local [hbm:s5], s20  }
0x9e: {  	_ =	swait.ge [sflag:s22], s20  }
0x9f: {  	s4 =	ssub.s32 $0x0, s20;
	[sflag:s22] =	ssyncset.done $0x0  }
0xa0: {  	[sflag:s22] =	ssyncadd.s32 s4;
	_ =	sdelay $0x1  }
0xa1: {  	s23 =	simm.s32 $0x1B8B  }
0xa2: {  	_ =	swait.ge [sflag:s23], $0x1  }
0xa3: {  	[sflag:s23] =	ssyncset.done $0x0  }
0xa4: {  	s25 =	simm.s32 $0x1B8E;
	s24 =	sld [smem:$0x3FFE];
	[sflag:s23] =	ssyncadd.s32 $0xFFFFFFFF  }
0xa5: {  	s26 =	simm.s32 $execute0_lowered;
	[smem:$0x3FD2] =	sst s25  }
0xa6: {  	s5 =	sshll.u32 s26, $0x1;
	_ =	strace $0x80000046;
	[dreg:$0x1] =	wrdreg $0xFFFFFFFF  }
0xa7: {  	s28 =	simm.s32 $_size_execute0_lowered;
	s3 =	sadd.s32 s3, s5;
	[dreg:$0x0] =	wrdreg $0x0  }
0xa8: {  	s5 =	sshll.u32 s28, $0x1;
	[dreg:$0x2] =	wrdreg s3  }
0xa9: {  	[dreg:$0x3] =	wrdreg s5  }
0xaa: {  	[dreg:$0x4] =	wrdreg $0xC0  }
0xab: {  	_ =	task [dreg:s7], $0x5FFFF  }
0xac: {  	[dreg:$0x1] =	wrdreg $0xFFFFFFFF  }
0xad: {  	[dreg:$0x0] =	wrdreg $0x60  }
0xae: {  	[dreg:$0x2] =	wrdreg s24  }
0xaf: {  	[dreg:$0x3] =	wrdreg s2  }
0xb0: {  	[dreg:$0x4] =	wrdreg $0xA3000  }
0xb1: {  	[dreg:$0x5] =	wrdreg $0x9  }
0xb2: {  	_ =	task.clear_ibuf [dreg:s7], $0x6FFFF;
	_ =	strace $0x90000046  }
0xb3: {  	s29 =	simm.s32 $0x9;
	_ =	strace $0x80000048  }
0xb4: {  	_ =	swait.ge [sflag:s29], $0x1  }
0xb5: {  	[sflag:s29] =	ssyncadd.s32 $0xFFFFFFFF  }
0xb6: {  	_ =	strace $0x90000048  }
0xb7: {  	_ =	sfence  }
0xb8: {  	s30 =	sld [smem:$0x0];
	_ =	sdelay $0x2  }
0xb9: {  	s31 =	sshll.u32 s1, $0xD;
	s1 =	sshrl.u32 s1, $0x2  }
0xba: {  	s3 =	sand.u32 $0x4000, s31;
	s1 =	sadd.s32 s1, s30  }
0xbb: {  	s0 =	sor.u32 s3, s0;
	s1 =	sshll.u32 s1, $0x11  }
0xbc: {  	s0 =	sor.u32 s1, s0  }
0xbd: {  	s0 =	sadd.s32 $0x8F2B, s0  }
0xbe: {  	[sflag:s0] =	ssyncadd.remote.s32 $0x1  }
0xbf: {  	_ =	sfence.sel $0xFFFF  }
0xc0: {  	[dreg:$0x0] =	wrdreg $0xFFFFFFFF;
	(pc) =	sbr.abs _section_cstart, $3  }
0xc1: {  	[dreg:$0x1] =	wrdreg $0xFFFFFFFF  }
0xc2: {  	_ =	task.clear_ibuf [dreg:s7], $0x2FFFF;
	_ =	strace $0x9FFFFFFF  }
0xc3: {  	(tm) =	ssettm $0x7FFFFFFF  }
tec
execute0_lowered:
.L_overlay_start_1:
0x0: {  	(tag) =	ssettag $0x1  }
0x1: {  	s1 =	srdreg.scid  }
0x2: {  	s1 =	sand.u32 $0x1, s1  }
0x3: {  	p0 =	seq.s32 s1, $0x1  }
.Ltmp0:
0x4: {  	s2 =	rddreg [dreg:$0x0];
	(pc) =	sbr.rel @p0 .LBB2_13-.Ltmp0, $4  }
0x5: {  	s5 =	rddreg [dreg:$0x1]  }
0x6: {  	s3 =	rddreg [dreg:$0x2];
	s7 =	simm.s32 $0x0  }
0x7: {  	[smem:$0x7FF] =	sst s7  }
0x8: {  	s0 =	rddreg [dreg:$0x3];
	_ =	strace $0x80000047;
	s1 =	stileid.u32  }
0x9: {  	s4 =	smul.u32 $0x9C4, s1  }
0xa: {  	s6 =	sshll.u32 s1, $0x7  }
0xb: {  	s31 =	sshll.u32 s1, $0xA;
	s30 =	sadd.s32 s6, s2;
	s8 =	sadd.s32 s4, s2  }
0xc: {  	v0 =	vimm.f32 $0.0e+00;
	s4 =	sadd.s32 s31, s3;
	s2 =	sadd.s32 $0xC400, s30;
	s6 =	sadd.s32 $0x2600, s8  }
.LBB2_2:
0xd: {  	p0 =	sne.s32 s7, $0x9FC0  }
.Ltmp1:
0xe: {  	_ = 	snop;
	(pc) =	sbr.rel @p0 .LBB2_2-.Ltmp1, $3  }
0xf: {  	_ =	sdelay $0x1  }
0x10: {  	s8 =	sshra.s32 s7, $0x2  }
0x11: {  	s7 =	sadd.s32 $0x40, s7;
	[tilespmem:s8+$0x4E80] =	vst v0  }
0x12: {  	s8 =	simm.s32 $0x0  }
0x13: {  	v0 =	vimm.f32 $0.0e+00;
	s7 =	simm.s32 $0x10;
	s8 =	sand.u32 $0x3F0, s8  }
.LBB2_4:
0x14: {  	p0 =	sne.s32 s7, $0x3F0;
	[tilespmem:s8+$0x9F00] =	vst v0;
	s8 =	smov.u32 s7;
	s7 =	sadd.s32 $0x10, s7  }
.Ltmp2:
0x15: {  	(pc) =	sbr.rel @p0 .LBB2_4-.Ltmp2, $2  }
0x16: {  	_ =	sdelay $0x2  }
0x17: {  	s8 =	sand.u32 $0x3F0, s8  }
0x18: {  	p0 =	sgt.u32 s1, $0x9  }
0x19: {  	[tilespmem:s8+$0x9F00] =	vst v0;
	s7 =	simm.s32 @!p0 $0x9F00  }
0x1a: {  	[spmem:s4] =	stream.linear.scatter @!p0 [tilespmem:s7], [sflag:$0x1], $0x400, $0x38;
	[tilespmem:$0xA580] =	vst v63  }
0x1b: {  	s7 =	simm.s32 @!p0 $0x1  }
0x1c: {  	_ =	swait.ge @!p0 [sflag:s7], $0x400  }
0x1d: {  	[sflag:s7] =	ssyncset.done @!p0 $0x0  }
0x1e: {  	s30 =	simm.s32 $0x1;
	[sflag:s7] =	ssyncadd.s32 @!p0 $0xFFFFFC00;
	s7 =	simm.s32 $0x0  }
0x1f: {  	[tilespmem:s7], [sflag:$0x1] =	stream.linear.gather [hbm4b:s6+s7], $0x4E20, $0x38;
	[tilespmem:$0xA580] =	vst v63  }
0x20: {  	_ =	swait.ge [sflag:s30], $0x4E20  }
0x21: {  	[sflag:s30] =	ssyncset.done $0x0  }
0x22: {  	s31 =	simm.s32 $0x9E80;
	[sflag:s30] =	ssyncadd.s32 $0xFFFFB1E0  }
0x23: {  	[tilespmem:s31], [sflag:$0x1] =	stream.linear.gather [hbm4b:s5+s7], $0x80, $0x38;
	[tilespmem:$0xA580] =	vst v63  }
0x24: {  	_ =	swait.ge [sflag:s30], $0x80  }
0x25: {  	[sflag:s30] =	ssyncset.done $0x0  }
0x26: {  	v0 =	vimm.f32 $1.000000000e+00;
	s6 =	simm.s32 $0x0;
	[sflag:s30] =	ssyncadd.s32 $0xFFFFFF80  }
.LBB2_6:
0x27: {  	s5 =	sshra.s32 s6, $0x2  }
0x28: {  	v1 =	vld [tilespmem:s5+$0x0];
	_ =	sdelay $0x2  }
0x29: {  	p1 =	sne.s32 s6, $0x13840  }
.Ltmp3:
0x2a: {  	_ = 	snop;
	(pc) =	sbr.rel @p1 .LBB2_6-.Ltmp3, $3  }
0x2b: {  	_ =	sdelay $0x1  }
0x2c: {  	s5 =	simm.s32 $0x4E80  }
0x2d: {  	s6 =	sadd.s32 $0x40, s6;
	[tilespmem:v1+s5+$0x0] =	vst.idx.add.f32.msk $0xffff, v0  }
0x2e: {  	v0 =	vld [tilespmem:s5+$0x0];
	_ =	sdelay $0x2  }
0x2f: {  	s6 =	simm.s32 $0x10;
	s7 =	sand.u32 $0x3FF0, s7  }
.LBB2_8:
0x30: {  	p1 =	sne.s32 s6, $0x27F0  }
0x31: {  	[tilespmem:s7+$0x7680] =	vst v0;
	s5 =	sadd.s32 $0x10, s5;
	s7 =	smov.u32 s6;
	s6 =	sadd.s32 $0x10, s6  }
.Ltmp4:
0x32: {  	v0 =	vld [tilespmem:s5+$0x0];
	(pc) =	sbr.rel @p1 .LBB2_8-.Ltmp4, $2  }
0x33: {  	_ =	sdelay $0x2  }
0x34: {  	s7 =	sand.u32 $0x3FF0, s7  }
0x35: {  	[tilespmem:s7+$0x7680] =	vst v0;
	s5 =	simm.s32 $0x50  }
0x36: {  	s6 =	simm.s32 $0x9E80;
	s31 =	simm.s32 $0x7680;
	[bflag:$0x0] =	sbarrier.arrive $0xFFFF  }
0x37: {  	[spmem:s3] =	stream.indirect.scatter.add.f32 [tilespmem:s31], [sflag:$0x1], $0x80, s6, s5, $0xb8;
	[tilespmem:$0xA580] =	vst v63  }
0x38: {  	s3 =	simm.s32 $0x1  }
.Ltmp5:
0x39: {  	_ =	swait.ge [sflag:s3], $0x2800;
	(pc) =	sbr.rel @p0 .LBB2_13-.Ltmp5, $3  }
0x3a: {  	[sflag:s3] =	ssyncset.done $0x0  }
0x3b: {  	[sflag:s3] =	ssyncadd.s32 $0xFFFFD800  }
0x3c: {  	[bflag:$0x0] =	sbarrier.arrive $0xFFFF;
	_ =	sdelay $0x1  }
0x3d: {  	s5 =	simm.s32 $0x9F00  }
0x3e: {  	[tilespmem:s5], [sflag:$0x1] =	stream.linear.gather [spmem:s4], $0x400, $0x38;
	[tilespmem:$0xA580] =	vst v63  }
0x3f: {  	_ =	swait.ge [sflag:s3], $0x400  }
0x40: {  	s31 =	simm.s32 $0x0;
	[sflag:s3] =	ssyncset.done $0x0  }
0x41: {  	s4 =	simm.s32 $0x10;
	[sflag:s3] =	ssyncadd.s32 $0xFFFFFC00;
	s3 =	sand.u32 $0x3F0, s31  }
.LBB2_11:
0x42: {  	p0 =	sne.s32 s4, $0x3F0;
	v0 =	vld [tilespmem:s3+$0x9F00];
	_ =	sdelay $0x4  }
0x43: {  	v0 =	vadd.f32 $1.000000000e+00, v0;
	_ =	sdelay $0x1  }
0x44: {  	v1 =	vshra.s32 v0, $0x1;
	v0 =	vmul.f32 $5.000000000e-01, v0  }
0x45: {  	v1 =	vsub.s32 $0x5F3759DF, v1  }
0x46: {  	v2 =	vmul.f32 v1, v0;
	_ =	sdelay $0x1  }
0x47: {  	v2 =	vmul.f32 v1, v2;
	_ =	sdelay $0x1  }
0x48: {  	v2 =	vsub.f32 $1.500000000e+00, v2;
	_ =	sdelay $0x1  }
0x49: {  	v1 =	vmul.f32 v1, v2;
	_ =	sdelay $0x1  }
0x4a: {  	v2 =	vmul.f32 v1, v0;
	_ =	sdelay $0x1  }
0x4b: {  	v2 =	vmul.f32 v2, v1;
	_ =	sdelay $0x1  }
0x4c: {  	v2 =	vsub.f32 $1.500000000e+00, v2;
	_ =	sdelay $0x1  }
0x4d: {  	v1 =	vmul.f32 v2, v1;
	_ =	sdelay $0x1  }
0x4e: {  	v0 =	vmul.f32 v1, v0;
	_ =	sdelay $0x1  }
0x4f: {  	v0 =	vmul.f32 v0, v1;
	_ =	sdelay $0x1  }
.Ltmp6:
0x50: {  	v0 =	vsub.f32 $1.500000000e+00, v0;
	(pc) =	sbr.rel @p0 .LBB2_11-.Ltmp6, $3  }
0x51: {  	_ = 	snop  }
0x52: {  	v0 =	vmul.f32 v0, v1;
	_ =	sdelay $0x1  }
0x53: {  	[tilespmem:s3+$0x9F00] =	vst v0;
	s3 =	sand.u32 $0x3F0, s4;
	s4 =	sadd.s32 $0x10, s4  }
0x54: {  	v0 =	vld [tilespmem:s3+$0x9F00];
	_ =	sdelay $0x4  }
0x55: {  	v0 =	vadd.f32 $1.000000000e+00, v0;
	_ =	sdelay $0x1  }
0x56: {  	v1 =	vshra.s32 v0, $0x1;
	v0 =	vmul.f32 $5.000000000e-01, v0  }
0x57: {  	v1 =	vsub.s32 $0x5F3759DF, v1  }
0x58: {  	v2 =	vmul.f32 v1, v0;
	_ =	sdelay $0x1  }
0x59: {  	v2 =	vmul.f32 v1, v2;
	_ =	sdelay $0x1  }
0x5a: {  	v2 =	vsub.f32 $1.500000000e+00, v2;
	_ =	sdelay $0x1  }
0x5b: {  	v1 =	vmul.f32 v1, v2;
	_ =	sdelay $0x1  }
0x5c: {  	v2 =	vmul.f32 v1, v0;
	_ =	sdelay $0x1  }
0x5d: {  	v2 =	vmul.f32 v2, v1;
	_ =	sdelay $0x1  }
0x5e: {  	v2 =	vsub.f32 $1.500000000e+00, v2;
	_ =	sdelay $0x1  }
0x5f: {  	v1 =	vmul.f32 v2, v1;
	_ =	sdelay $0x1  }
0x60: {  	v0 =	vmul.f32 v1, v0;
	_ =	sdelay $0x1  }
0x61: {  	v0 =	vmul.f32 v0, v1;
	_ =	sdelay $0x1  }
0x62: {  	v0 =	vsub.f32 $1.500000000e+00, v0;
	_ =	sdelay $0x1  }
0x63: {  	v0 =	vmul.f32 v0, v1;
	_ =	sdelay $0x1  }
0x64: {  	s30 =	simm.s32 $0x0;
	s4 =	simm.s32 $0x9F00;
	s31 =	simm.s32 $0x1;
	[tilespmem:s3+$0x9F00] =	vst v0  }
0x65: {  	[hbm4b:s2+s30] =	stream.linear.scatter [tilespmem:s4], [sflag:$0x1], $0x400, $0x38;
	[tilespmem:$0xA580] =	vst v63  }
0x66: {  	_ =	swait.ge [sflag:s31], $0x400  }
0x67: {  	[sflag:s31] =	ssyncset.done $0x0  }
0x68: {  	[sflag:s31] =	ssyncadd.s32 $0xFFFFFC00  }
.LBB2_13:
0x69: {  	_ =	sfence.sel $0x180000  }
0x6a: {  	[bflag:$0x0] =	sbarrier.arrive $0xFFFF  }
0x6b: {  	p0 =	sne.s32 s1, $0x0;
	_ =	strace $0x90000047  }
0x6c: {  	s0 =	sadd.s32 @!p0 $0x100000, s0;
	[bflag:$0x2] =	sbarrier.arrive $0xFFFF  }
0x6d: {  	[sflag:s0] =	ssyncadd.tile.s32 @!p0 $0x1;
	_ =	shalt  }
.Lfunc_end2:
_tile_overlayer_lowered:
.L_overlay_start_2:
0x6e: {  	(tag) =	ssettag $0x2  }
0x6f: {  	s0 =	rddreg [dreg:$0x0];
	s2 =	stileid.u32  }
0x70: {  	s1 =	rddreg [dreg:$0x1];
	p0 =	sne.s32 s2, $0x0  }
0x71: {  	s3 =	rddreg [dreg:$0x2];
	[bflag:$0x3] =	sbarrier.arrive $0xFFFF;
	s2 =	simm.s32 @!p0 $0x1C01  }
0x72: {  	[timem:s3], [sflag:s2] =	dma.local @!p0 [hbm:s0], s1  }
0x73: {  	s0 =	simm.s32 @!p0 $0x1  }
0x74: {  	_ =	swait.ge @!p0 [sflag:s0], s1  }
0x75: {  	s1 =	ssub.s32 @!p0 $0x0, s1;
	[sflag:s0] =	ssyncset.done @!p0 $0x0  }
0x76: {  	[sflag:s0] =	ssyncadd.s32 @!p0 s1  }
0x77: {  	[bflag:$0x3] =	sbarrier.arrive $0xFFFF  }
0x78: {  	_ =	shalt  }

</sc_bundles>
